<compile_context>
chip_gen: v7x
topology: tpu7x:2x2x1
jax: 0.10.2.dev20260603
libtpu: 0.0.44.dev20260713+nightly
codegen_flags: <defaults>
</compile_context>

<pallas_src>
import functools

import jax
import jax.numpy as jnp
from jax import lax
from jax.experimental import pallas as pl
from jax.experimental.pallas import tpu as pltpu
from jax.experimental.pallas import tpu_sc as plsc

_NC = 2
_NS = 16
_NW = _NC * _NS

_BATCH = 4096
_SEQ = 50
_EMB = 64
_NV = _EMB // 16
_BPW = _BATCH // _NW
_RPC = 2
_IPC = _RPC * _SEQ
_NCHUNK = _BPW // _RPC
_NBUF = 4


def _sc_pool(x_hbm, table_hbm, out_hbm, xf_v, idx_v, b0, b1, b2, b3, out_v,
             s0, s1, s2, s3):
    bufs = (b0, b1, b2, b3)
    sems = (s0, s1, s2, s3)
    wid = lax.axis_index("s") * _NC + lax.axis_index("c")

    pltpu.sync_copy(x_hbm.at[pl.ds(wid * _BPW, _BPW)], xf_v)

    def conv_row(r, _):
        for o in (0, 16, 32, 34):
            idx_v[r, pl.ds(o, 16)] = xf_v[r, pl.ds(o, 16)].astype(jnp.int32)
        return 0

    lax.fori_loop(0, _BPW, conv_row, 0)

    def start(c, u):
        pltpu.make_async_copy(
            table_hbm.at[idx_v.at[2 * c]], bufs[u].at[pl.ds(0, _SEQ)], sems[u]
        ).start()
        pltpu.make_async_copy(
            table_hbm.at[idx_v.at[2 * c + 1]], bufs[u].at[pl.ds(_SEQ, _SEQ)],
            sems[u],
        ).start()

    def wait(u):
        pltpu.make_async_copy(table_hbm.at[idx_v.at[0]], bufs[u], sems[u]).wait()

    def process(c, u):
        buf = bufs[u]
        zeros = jnp.zeros((16,), jnp.float32)

        def red_body(s, carry):
            a = list(carry)
            for k in range(2):
                for r in range(_RPC):
                    for d in range(_NV):
                        a[r * _NV + d] = a[r * _NV + d] + buf[
                            r * _SEQ + 2 * s + k, pl.ds(d * 16, 16)
                        ]
            return tuple(a)

        acc = lax.fori_loop(0, _SEQ // 2, red_body, (zeros,) * (_RPC * _NV))
        for r in range(_RPC):
            for d in range(_NV):
                out_v[c, pl.ds(r * _EMB + d * 16, 16)] = acc[r * _NV + d]

    for u in range(_NBUF):
        start(u, u)

    def outer(g, _):
        for u in range(_NBUF):
            wait(u)
            process(_NBUF * g + u, u)
            start(_NBUF * g + u + _NBUF, u)
        return 0

    lax.fori_loop(0, _NCHUNK // _NBUF - 1, outer, 0)
    for u in range(_NBUF):
        wait(u)
        process(_NCHUNK - _NBUF + u, u)

    pltpu.sync_copy(out_v, out_hbm.at[pl.ds(wid * (_BPW // 2), _BPW // 2)])


def _pooled_sum(x_f, table):
    mesh = plsc.VectorSubcoreMesh(core_axis_name="c", subcore_axis_name="s")
    return pl.kernel(
        _sc_pool,
        mesh=mesh,
        compiler_params=pltpu.CompilerParams(use_tc_tiling_on_sc=False),
        out_type=jax.ShapeDtypeStruct((_BATCH // 2, 2 * _EMB), jnp.float32),
        scratch_types=[
            pltpu.VMEM((_BPW, _SEQ), jnp.float32),
            pltpu.VMEM((_BPW, _SEQ), jnp.int32),
            pltpu.VMEM((_IPC, _EMB), jnp.float32),
            pltpu.VMEM((_IPC, _EMB), jnp.float32),
            pltpu.VMEM((_IPC, _EMB), jnp.float32),
            pltpu.VMEM((_IPC, _EMB), jnp.float32),
            pltpu.VMEM((_BPW // 2, 2 * _EMB), jnp.float32),
            pltpu.SemaphoreType.DMA,
            pltpu.SemaphoreType.DMA,
            pltpu.SemaphoreType.DMA,
            pltpu.SemaphoreType.DMA,
        ],
    )(x_f, table)


def _mlp_body(h_ref, w1t_ref, b1_ref, w2t_ref, b2_ref, o_ref):
    h2 = h_ref[...] * (1.0 / _SEQ)
    h = jnp.concatenate([h2[:, :_EMB], h2[:, _EMB:]], axis=0)
    a = jnp.dot(h, w1t_ref[...], preferred_element_type=jnp.float32) + b1_ref[...]
    a = jnp.maximum(a, 0.0)
    z = jnp.dot(a, w2t_ref[...], preferred_element_type=jnp.float32) + b2_ref[...]
    z = jax.nn.sigmoid(z)
    o_ref[...] = jnp.concatenate([z[: _BATCH // 2], z[_BATCH // 2 :]], axis=1)


def kernel(x, table, W1, b1, W2, b2):
    x_f = x.astype(jnp.float32)
    h_sum = _pooled_sum(x_f, table)

    out = pl.pallas_call(
        _mlp_body,
        out_shape=jax.ShapeDtypeStruct((_BATCH // 2, 2), jnp.float32),
    )(h_sum, W1.T, b1.reshape(1, 32), W2.T, b2.reshape(1, 1))
    return out.reshape(_BATCH)

# --- scband reference (transcript-rebuilt; emitter-appended) ---
"""Pipeline reference for scband-morning-classifier-64269890618117 (READ-ONLY COPY).

The authoritative reference and input builder live on the scoring server;
editing this copy changes nothing except your own understanding.
"""

import jax, jax.numpy as jnp
import numpy as np

VOCAB = 100000
EMB = 64
BATCH = 4096
SEQ = 50

def setup_inputs(seed: int = 0) -> dict:
    key = jax.random.key(seed)
    k1, k2, k3, k4, k5, k6 = jax.random.split(key, 6)
    x = jax.random.randint(k1, (BATCH, SEQ), 0, VOCAB)
    table = jax.random.normal(k2, (VOCAB, EMB), dtype=jnp.float32)
    table = table.at[0].set(0.0)  # padding_idx=0 row zeroed (torch default init keeps it zero)
    W1 = jax.random.normal(k3, (32, EMB), dtype=jnp.float32) * 0.05
    b1 = jax.random.normal(k4, (32,), dtype=jnp.float32) * 0.05
    W2 = jax.random.normal(k5, (1, 32), dtype=jnp.float32) * 0.05
    b2 = jax.random.normal(k6, (1,), dtype=jnp.float32) * 0.05
    return {"x": x, "table": table, "W1": W1, "b1": b1, "W2": W2, "b2": b2}

def reference(x, table, W1, b1, W2, b2):
    # nn.Embedding lookup (gather)
    e = jnp.take(table, x, axis=0)            # [B, S, 64]
    h = e.mean(axis=1)                         # [B, 64]
    h = jax.nn.relu(h @ W1.T + b1)             # fc1 + relu -> [B, 32]
    out = h @ W2.T + b2                        # fc2 -> [B, 1]
    return jax.nn.sigmoid(out).squeeze(-1)     # [B]

if __name__ == "__main__":
    import jax
    _d = setup_inputs()
    print(jax.jit(kernel)(*tuple(_d.values())))

</pallas_src>

<mosaic_0001>
#map = affine_map<(d0, d1) -> (0, 0)>
module attributes {stable_mosaic.version = 14 : i64} {
  func.func @_sc_pool(%arg0: i32, %arg1: i32, %arg2: memref<4096x50xf32, #tpu.memory_space<hbm>>, %arg3: memref<100000x64xf32, #tpu.memory_space<hbm>>, %arg4: memref<2048x128xf32, #tpu.memory_space<hbm>>, %arg5: memref<128x50xf32, #tpu.memory_space<vmem>>, %arg6: memref<128x50xi32, #tpu.memory_space<vmem>>, %arg7: memref<100x64xf32, #tpu.memory_space<vmem>>, %arg8: memref<100x64xf32, #tpu.memory_space<vmem>>, %arg9: memref<100x64xf32, #tpu.memory_space<vmem>>, %arg10: memref<100x64xf32, #tpu.memory_space<vmem>>, %arg11: memref<64x128xf32, #tpu.memory_space<vmem>>, %arg12: memref<!tpu.dma_semaphore, #tpu.memory_space<semaphore_mem>>, %arg13: memref<!tpu.dma_semaphore, #tpu.memory_space<semaphore_mem>>, %arg14: memref<!tpu.dma_semaphore, #tpu.memory_space<semaphore_mem>>, %arg15: memref<!tpu.dma_semaphore, #tpu.memory_space<semaphore_mem>>) attributes {dimension_semantics = [#tpu.dimension_semantics<core_parallel>, #tpu.dimension_semantics<subcore_parallel>], iteration_bounds = array<i64: 2, 16>, scalar_prefetch = 0 : i64, scratch_operands = 11 : i64, tpu.core_type = #tpu.core_type<sc_vector_subcore>, window_params = [{transform_indices = #map}, {transform_indices = #map}, {transform_indices = #map}]} {
    %mul3A = arith.constant 2 : i32
    %mul3A_0 = arith.muli %arg1, %mul3A : i32
    %add3A = arith.addi %mul3A_0, %arg0 : i32
    %mul3A_1 = arith.constant 128 : i32
    %mul3A_2 = arith.muli %add3A, %mul3A_1 : i32
    "tpu.region"() ({
      %run_scoped3A = tpu.sem_alloc : memref<!tpu.dma_semaphore, #tpu.memory_space<semaphore_mem>>
      %dma_start3A_346 = arith.constant 0 : i32
      %dma_start3A_347 = tpu.memref_slice %arg2[%mul3A_2, %dma_start3A_346] : memref<4096x50xf32, #tpu.memory_space<hbm>> -> memref<128x50xf32, #tpu.memory_space<hbm>>
      %dma_start3A_348 = arith.constant 0 : i32
      %dma_start3A_349 = tpu.memref_slice %arg2[%mul3A_2, %dma_start3A_348] : memref<4096x50xf32, #tpu.memory_space<hbm>> -> memref<128x50xf32, #tpu.memory_space<hbm>>
      tpu.enqueue_dma source(%dma_start3A_349 : memref<128x50xf32, #tpu.memory_space<hbm>>) target(%arg5 : memref<128x50xf32, #tpu.memory_space<vmem>>) target_semaphore(%run_scoped3A : memref<!tpu.dma_semaphore, #tpu.memory_space<semaphore_mem>>)
      %dma_wait3A_350 = arith.constant 0 : i32
      %dma_wait3A_351 = tpu.memref_slice %arg2[%mul3A_2, %dma_wait3A_350] : memref<4096x50xf32, #tpu.memory_space<hbm>> -> memref<128x50xf32, #tpu.memory_space<hbm>>
      %dma_wait3A_352 = arith.constant 0 : i32
      %dma_wait3A_353 = tpu.memref_slice %arg2[%mul3A_2, %dma_wait3A_352] : memref<4096x50xf32, #tpu.memory_space<hbm>> -> memref<128x50xf32, #tpu.memory_space<hbm>>
      tpu.wait_dma2 semaphore(%run_scoped3A : memref<!tpu.dma_semaphore, #tpu.memory_space<semaphore_mem>>) src(%dma_wait3A_353 : memref<128x50xf32, #tpu.memory_space<hbm>>) dst(%arg5 : memref<128x50xf32, #tpu.memory_space<vmem>>)
      tpu.yield
    }) : () -> ()
    %scan3A = arith.constant 0 : i32
    %scan3A_3 = arith.constant 0 : i32
    %scan3A_4 = arith.constant 128 : i32
    %scan3A_5 = arith.addi %scan3A_3, %scan3A_4 : i32
    %scan3A_6 = arith.constant 1 : i32
    %scan3A_7 = scf.for %scan3A_346 = %scan3A_3 to %scan3A_5 step %scan3A_6 iter_args(%scan3A_347 = %scan3A) -> (i32)  : i32 {
      %get3A = arith.index_cast %scan3A_346 : i32 to index
      %get3A_348 = arith.constant 0 : index
      %get3A_349 = tpu.vector_load %arg5[%get3A, %get3A_348] {strides = array<i32>} : memref<128x50xf32, #tpu.memory_space<vmem>>, vector<1x16xf32>,
      %get3A_350 = vector.shape_cast %get3A_349 : vector<1x16xf32> to vector<16xf32>
      %convert_element_type3A = arith.fptosi %get3A_350 : vector<16xf32> to vector<16xi32>
      %swap3A_351 = arith.index_cast %scan3A_346 : i32 to index
      %swap3A_352 = arith.constant 0 : index
      %swap3A_353 = tpu.vector_load %arg6[%swap3A_351, %swap3A_352] {strides = array<i32>} : memref<128x50xi32, #tpu.memory_space<vmem>>, vector<1x16xi32>,
      %swap3A_354 = vector.shape_cast %swap3A_353 : vector<1x16xi32> to vector<16xi32>
      %swap3A_355 = vector.shape_cast %convert_element_type3A : vector<16xi32> to vector<1x16xi32>
      tpu.vector_store %arg6[%swap3A_351, %swap3A_352], %swap3A_355 {strides = array<i32>} : memref<128x50xi32, #tpu.memory_space<vmem>>, vector<1x16xi32>,
      %get3A_356 = arith.index_cast %scan3A_346 : i32 to index
      %get3A_357 = arith.constant 16 : index
      %get3A_358 = tpu.vector_load %arg5[%get3A_356, %get3A_357] {strides = array<i32>} : memref<128x50xf32, #tpu.memory_space<vmem>>, vector<1x16xf32>,
      %get3A_359 = vector.shape_cast %get3A_358 : vector<1x16xf32> to vector<16xf32>
      %convert_element_type3A_360 = arith.fptosi %get3A_359 : vector<16xf32> to vector<16xi32>
      %swap3A_361 = arith.index_cast %scan3A_346 : i32 to index
      %swap3A_362 = arith.constant 16 : index
      %swap3A_363 = tpu.vector_load %arg6[%swap3A_361, %swap3A_362] {strides = array<i32>} : memref<128x50xi32, #tpu.memory_space<vmem>>, vector<1x16xi32>,
      %swap3A_364 = vector.shape_cast %swap3A_363 : vector<1x16xi32> to vector<16xi32>
      %swap3A_365 = vector.shape_cast %convert_element_type3A_360 : vector<16xi32> to vector<1x16xi32>
      tpu.vector_store %arg6[%swap3A_361, %swap3A_362], %swap3A_365 {strides = array<i32>} : memref<128x50xi32, #tpu.memory_space<vmem>>, vector<1x16xi32>,
      %get3A_366 = arith.index_cast %scan3A_346 : i32 to index
      %get3A_367 = arith.constant 32 : index
      %get3A_368 = tpu.vector_load %arg5[%get3A_366, %get3A_367] {strides = array<i32>} : memref<128x50xf32, #tpu.memory_space<vmem>>, vector<1x16xf32>,
      %get3A_369 = vector.shape_cast %get3A_368 : vector<1x16xf32> to vector<16xf32>
      %convert_element_type3A_370 = arith.fptosi %get3A_369 : vector<16xf32> to vector<16xi32>
      %swap3A_371 = arith.index_cast %scan3A_346 : i32 to index
      %swap3A_372 = arith.constant 32 : index
      %swap3A_373 = tpu.vector_load %arg6[%swap3A_371, %swap3A_372] {strides = array<i32>} : memref<128x50xi32, #tpu.memory_space<vmem>>, vector<1x16xi32>,
      %swap3A_374 = vector.shape_cast %swap3A_373 : vector<1x16xi32> to vector<16xi32>
      %swap3A_375 = vector.shape_cast %convert_element_type3A_370 : vector<16xi32> to vector<1x16xi32>
      tpu.vector_store %arg6[%swap3A_371, %swap3A_372], %swap3A_375 {strides = array<i32>} : memref<128x50xi32, #tpu.memory_space<vmem>>, vector<1x16xi32>,
      %get3A_376 = arith.index_cast %scan3A_346 : i32 to index
      %get3A_377 = arith.constant 34 : index
      %get3A_378 = tpu.vector_load %arg5[%get3A_376, %get3A_377] {strides = array<i32>} : memref<128x50xf32, #tpu.memory_space<vmem>>, vector<1x16xf32>,
      %get3A_379 = vector.shape_cast %get3A_378 : vector<1x16xf32> to vector<16xf32>
      %convert_element_type3A_380 = arith.fptosi %get3A_379 : vector<16xf32> to vector<16xi32>
      %swap3A_381 = arith.index_cast %scan3A_346 : i32 to index
      %swap3A_382 = arith.constant 34 : index
      %swap3A_383 = tpu.vector_load %arg6[%swap3A_381, %swap3A_382] {strides = array<i32>} : memref<128x50xi32, #tpu.memory_space<vmem>>, vector<1x16xi32>,
      %swap3A_384 = vector.shape_cast %swap3A_383 : vector<1x16xi32> to vector<16xi32>
      %swap3A_385 = vector.shape_cast %convert_element_type3A_380 : vector<16xi32> to vector<1x16xi32>
      tpu.vector_store %arg6[%swap3A_381, %swap3A_382], %swap3A_385 {strides = array<i32>} : memref<128x50xi32, #tpu.memory_space<vmem>>, vector<1x16xi32>,
      %scan3A_386 = arith.constant 0 : i32
      scf.yield %scan3A_386 : i32
    }
    %scan3A_8 = arith.constant 128 : i32
    %dma_start3A = arith.constant 0 : i32
    %dma_start3A_9 = arith.constant 0 : i32
    %dma_start3A_10 = arith.constant 0 : i32
    %dma_start3A_11 = tpu.memref_slice %arg7[%dma_start3A_9, %dma_start3A_10] : memref<100x64xf32, #tpu.memory_space<vmem>> -> memref<50x64xf32, #tpu.memory_space<vmem>>
    %dma_start3A_12 = arith.constant 0 : i32
    %dma_start3A_13 = tpu.memref_slice %arg6[%dma_start3A, %dma_start3A_12] : memref<128x50xi32, #tpu.memory_space<vmem>> -> memref<1x50xi32, #tpu.memory_space<vmem>>
    %dma_start3A_14 = tpu.memref_squeeze %dma_start3A_13 : memref<1x50xi32, #tpu.memory_space<vmem>> -> memref<50xi32, #tpu.memory_space<vmem>>
    %dma_start3A_15 = arith.constant 0 : i32
    %dma_start3A_16 = arith.constant 0 : i32
    %dma_start3A_17 = tpu.memref_slice %arg3[%dma_start3A_15, %dma_start3A_16] : memref<100000x64xf32, #tpu.memory_space<hbm>> -> memref<100000x64xf32, #tpu.memory_space<hbm>>
    tpu.enqueue_indirect_dma source(%dma_start3A_17 : memref<100000x64xf32, #tpu.memory_space<hbm>>) target(%dma_start3A_11 : memref<50x64xf32, #tpu.memory_space<vmem>>) offsets(%dma_start3A_14 : memref<50xi32, #tpu.memory_space<vmem>>) semaphore(%arg12 : memref<!tpu.dma_semaphore, #tpu.memory_space<semaphore_mem>>)
    %dma_start3A_18 = arith.constant 1 : i32
    %dma_start3A_19 = arith.constant 50 : i32
    %dma_start3A_20 = arith.constant 0 : i32
    %dma_start3A_21 = tpu.memref_slice %arg7[%dma_start3A_19, %dma_start3A_20] : memref<100x64xf32, #tpu.memory_space<vmem>> -> memref<50x64xf32, #tpu.memory_space<vmem>>
    %dma_start3A_22 = arith.constant 0 : i32
    %dma_start3A_23 = tpu.memref_slice %arg6[%dma_start3A_18, %dma_start3A_22] : memref<128x50xi32, #tpu.memory_space<vmem>> -> memref<1x50xi32, #tpu.memory_space<vmem>>
    %dma_start3A_24 = tpu.memref_squeeze %dma_start3A_23 : memref<1x50xi32, #tpu.memory_space<vmem>> -> memref<50xi32, #tpu.memory_space<vmem>>
    %dma_start3A_25 = arith.constant 0 : i32
    %dma_start3A_26 = arith.constant 0 : i32
    %dma_start3A_27 = tpu.memref_slice %arg3[%dma_start3A_25, %dma_start3A_26] : memref<100000x64xf32, #tpu.memory_space<hbm>> -> memref<100000x64xf32, #tpu.memory_space<hbm>>
    tpu.enqueue_indirect_dma source(%dma_start3A_27 : memref<100000x64xf32, #tpu.memory_space<hbm>>) target(%dma_start3A_21 : memref<50x64xf32, #tpu.memory_space<vmem>>) offsets(%dma_start3A_24 : memref<50xi32, #tpu.memory_space<vmem>>) semaphore(%arg12 : memref<!tpu.dma_semaphore, #tpu.memory_space<semaphore_mem>>)
    %dma_start3A_28 = arith.constant 2 : i32
    %dma_start3A_29 = arith.constant 0 : i32
    %dma_start3A_30 = arith.constant 0 : i32
    %dma_start3A_31 = tpu.memref_slice %arg8[%dma_start3A_29, %dma_start3A_30] : memref<100x64xf32, #tpu.memory_space<vmem>> -> memref<50x64xf32, #tpu.memory_space<vmem>>
    %dma_start3A_32 = arith.constant 0 : i32
    %dma_start3A_33 = tpu.memref_slice %arg6[%dma_start3A_28, %dma_start3A_32] : memref<128x50xi32, #tpu.memory_space<vmem>> -> memref<1x50xi32, #tpu.memory_space<vmem>>
    %dma_start3A_34 = tpu.memref_squeeze %dma_start3A_33 : memref<1x50xi32, #tpu.memory_space<vmem>> -> memref<50xi32, #tpu.memory_space<vmem>>
    %dma_start3A_35 = arith.constant 0 : i32
    %dma_start3A_36 = arith.constant 0 : i32
    %dma_start3A_37 = tpu.memref_slice %arg3[%dma_start3A_35, %dma_start3A_36] : memref<100000x64xf32, #tpu.memory_space<hbm>> -> memref<100000x64xf32, #tpu.memory_space<hbm>>
    tpu.enqueue_indirect_dma source(%dma_start3A_37 : memref<100000x64xf32, #tpu.memory_space<hbm>>) target(%dma_start3A_31 : memref<50x64xf32, #tpu.memory_space<vmem>>) offsets(%dma_start3A_34 : memref<50xi32, #tpu.memory_space<vmem>>) semaphore(%arg13 : memref<!tpu.dma_semaphore, #tpu.memory_space<semaphore_mem>>)
    %dma_start3A_38 = arith.constant 3 : i32
    %dma_start3A_39 = arith.constant 50 : i32
    %dma_start3A_40 = arith.constant 0 : i32
    %dma_start3A_41 = tpu.memref_slice %arg8[%dma_start3A_39, %dma_start3A_40] : memref<100x64xf32, #tpu.memory_space<vmem>> -> memref<50x64xf32, #tpu.memory_space<vmem>>
    %dma_start3A_42 = arith.constant 0 : i32
    %dma_start3A_43 = tpu.memref_slice %arg6[%dma_start3A_38, %dma_start3A_42] : memref<128x50xi32, #tpu.memory_space<vmem>> -> memref<1x50xi32, #tpu.memory_space<vmem>>
    %dma_start3A_44 = tpu.memref_squeeze %dma_start3A_43 : memref<1x50xi32, #tpu.memory_space<vmem>> -> memref<50xi32, #tpu.memory_space<vmem>>
    %dma_start3A_45 = arith.constant 0 : i32
    %dma_start3A_46 = arith.constant 0 : i32
    %dma_start3A_47 = tpu.memref_slice %arg3[%dma_start3A_45, %dma_start3A_46] : memref<100000x64xf32, #tpu.memory_space<hbm>> -> memref<100000x64xf32, #tpu.memory_space<hbm>>
    tpu.enqueue_indirect_dma source(%dma_start3A_47 : memref<100000x64xf32, #tpu.memory_space<hbm>>) target(%dma_start3A_41 : memref<50x64xf32, #tpu.memory_space<vmem>>) offsets(%dma_start3A_44 : memref<50xi32, #tpu.memory_space<vmem>>) semaphore(%arg13 : memref<!tpu.dma_semaphore, #tpu.memory_space<semaphore_mem>>)
    %dma_start3A_48 = arith.constant 4 : i32
    %dma_start3A_49 = arith.constant 0 : i32
    %dma_start3A_50 = arith.constant 0 : i32
    %dma_start3A_51 = tpu.memref_slice %arg9[%dma_start3A_49, %dma_start3A_50] : memref<100x64xf32, #tpu.memory_space<vmem>> -> memref<50x64xf32, #tpu.memory_space<vmem>>
    %dma_start3A_52 = arith.constant 0 : i32
    %dma_start3A_53 = tpu.memref_slice %arg6[%dma_start3A_48, %dma_start3A_52] : memref<128x50xi32, #tpu.memory_space<vmem>> -> memref<1x50xi32, #tpu.memory_space<vmem>>
    %dma_start3A_54 = tpu.memref_squeeze %dma_start3A_53 : memref<1x50xi32, #tpu.memory_space<vmem>> -> memref<50xi32, #tpu.memory_space<vmem>>
    %dma_start3A_55 = arith.constant 0 : i32
    %dma_start3A_56 = arith.constant 0 : i32
    %dma_start3A_57 = tpu.memref_slice %arg3[%dma_start3A_55, %dma_start3A_56] : memref<100000x64xf32, #tpu.memory_space<hbm>> -> memref<100000x64xf32, #tpu.memory_space<hbm>>
    tpu.enqueue_indirect_dma source(%dma_start3A_57 : memref<100000x64xf32, #tpu.memory_space<hbm>>) target(%dma_start3A_51 : memref<50x64xf32, #tpu.memory_space<vmem>>) offsets(%dma_start3A_54 : memref<50xi32, #tpu.memory_space<vmem>>) semaphore(%arg14 : memref<!tpu.dma_semaphore, #tpu.memory_space<semaphore_mem>>)
    %dma_start3A_58 = arith.constant 5 : i32
    %dma_start3A_59 = arith.constant 50 : i32
    %dma_start3A_60 = arith.constant 0 : i32
    %dma_start3A_61 = tpu.memref_slice %arg9[%dma_start3A_59, %dma_start3A_60] : memref<100x64xf32, #tpu.memory_space<vmem>> -> memref<50x64xf32, #tpu.memory_space<vmem>>
    %dma_start3A_62 = arith.constant 0 : i32
    %dma_start3A_63 = tpu.memref_slice %arg6[%dma_start3A_58, %dma_start3A_62] : memref<128x50xi32, #tpu.memory_space<vmem>> -> memref<1x50xi32, #tpu.memory_space<vmem>>
    %dma_start3A_64 = tpu.memref_squeeze %dma_start3A_63 : memref<1x50xi32, #tpu.memory_space<vmem>> -> memref<50xi32, #tpu.memory_space<vmem>>
    %dma_start3A_65 = arith.constant 0 : i32
    %dma_start3A_66 = arith.constant 0 : i32
    %dma_start3A_67 = tpu.memref_slice %arg3[%dma_start3A_65, %dma_start3A_66] : memref<100000x64xf32, #tpu.memory_space<hbm>> -> memref<100000x64xf32, #tpu.memory_space<hbm>>
    tpu.enqueue_indirect_dma source(%dma_start3A_67 : memref<100000x64xf32, #tpu.memory_space<hbm>>) target(%dma_start3A_61 : memref<50x64xf32, #tpu.memory_space<vmem>>) offsets(%dma_start3A_64 : memref<50xi32, #tpu.memory_space<vmem>>) semaphore(%arg14 : memref<!tpu.dma_semaphore, #tpu.memory_space<semaphore_mem>>)
    %dma_start3A_68 = arith.constant 6 : i32
    %dma_start3A_69 = arith.constant 0 : i32
    %dma_start3A_70 = arith.constant 0 : i32
    %dma_start3A_71 = tpu.memref_slice %arg10[%dma_start3A_69, %dma_start3A_70] : memref<100x64xf32, #tpu.memory_space<vmem>> -> memref<50x64xf32, #tpu.memory_space<vmem>>
    %dma_start3A_72 = arith.constant 0 : i32
    %dma_start3A_73 = tpu.memref_slice %arg6[%dma_start3A_68, %dma_start3A_72] : memref<128x50xi32, #tpu.memory_space<vmem>> -> memref<1x50xi32, #tpu.memory_space<vmem>>
    %dma_start3A_74 = tpu.memref_squeeze %dma_start3A_73 : memref<1x50xi32, #tpu.memory_space<vmem>> -> memref<50xi32, #tpu.memory_space<vmem>>
    %dma_start3A_75 = arith.constant 0 : i32
    %dma_start3A_76 = arith.constant 0 : i32
    %dma_start3A_77 = tpu.memref_slice %arg3[%dma_start3A_75, %dma_start3A_76] : memref<100000x64xf32, #tpu.memory_space<hbm>> -> memref<100000x64xf32, #tpu.memory_space<hbm>>
    tpu.enqueue_indirect_dma source(%dma_start3A_77 : memref<100000x64xf32, #tpu.memory_space<hbm>>) target(%dma_start3A_71 : memref<50x64xf32, #tpu.memory_space<vmem>>) offsets(%dma_start3A_74 : memref<50xi32, #tpu.memory_space<vmem>>) semaphore(%arg15 : memref<!tpu.dma_semaphore, #tpu.memory_space<semaphore_mem>>)
    %dma_start3A_78 = arith.constant 7 : i32
    %dma_start3A_79 = arith.constant 50 : i32
    %dma_start3A_80 = arith.constant 0 : i32
    %dma_start3A_81 = tpu.memref_slice %arg10[%dma_start3A_79, %dma_start3A_80] : memref<100x64xf32, #tpu.memory_space<vmem>> -> memref<50x64xf32, #tpu.memory_space<vmem>>
    %dma_start3A_82 = arith.constant 0 : i32
    %dma_start3A_83 = tpu.memref_slice %arg6[%dma_start3A_78, %dma_start3A_82] : memref<128x50xi32, #tpu.memory_space<vmem>> -> memref<1x50xi32, #tpu.memory_space<vmem>>
    %dma_start3A_84 = tpu.memref_squeeze %dma_start3A_83 : memref<1x50xi32, #tpu.memory_space<vmem>> -> memref<50xi32, #tpu.memory_space<vmem>>
    %dma_start3A_85 = arith.constant 0 : i32
    %dma_start3A_86 = arith.constant 0 : i32
    %dma_start3A_87 = tpu.memref_slice %arg3[%dma_start3A_85, %dma_start3A_86] : memref<100000x64xf32, #tpu.memory_space<hbm>> -> memref<100000x64xf32, #tpu.memory_space<hbm>>
    tpu.enqueue_indirect_dma source(%dma_start3A_87 : memref<100000x64xf32, #tpu.memory_space<hbm>>) target(%dma_start3A_81 : memref<50x64xf32, #tpu.memory_space<vmem>>) offsets(%dma_start3A_84 : memref<50xi32, #tpu.memory_space<vmem>>) semaphore(%arg15 : memref<!tpu.dma_semaphore, #tpu.memory_space<semaphore_mem>>)
    %scan3A_88 = arith.constant 0 : i32
    %scan3A_89 = arith.constant 0 : i32
    %scan3A_90 = arith.constant 15 : i32
    %scan3A_91 = arith.addi %scan3A_89, %scan3A_90 : i32
    %scan3A_92 = arith.constant 1 : i32
    %scan3A_93 = scf.for %scan3A_346 = %scan3A_89 to %scan3A_91 step %scan3A_92 iter_args(%scan3A_347 = %scan3A_88) -> (i32)  : i32 {
      %dma_wait3A_348 = arith.constant 0 : i32
      %dma_wait3A_349 = arith.constant 0 : i32
      %dma_wait3A_350 = tpu.memref_slice %arg6[%dma_wait3A_348, %dma_wait3A_349] : memref<128x50xi32, #tpu.memory_space<vmem>> -> memref<1x50xi32, #tpu.memory_space<vmem>>
      %dma_wait3A_351 = tpu.memref_squeeze %dma_wait3A_350 : memref<1x50xi32, #tpu.memory_space<vmem>> -> memref<50xi32, #tpu.memory_space<vmem>>
      %dma_wait3A_352 = arith.constant 0 : i32
      %dma_wait3A_353 = arith.constant 0 : i32
      %dma_wait3A_354 = tpu.memref_slice %arg3[%dma_wait3A_352, %dma_wait3A_353] : memref<100000x64xf32, #tpu.memory_space<hbm>> -> memref<100000x64xf32, #tpu.memory_space<hbm>>
      tpu.wait_indirect_dma semaphore(%arg12 : memref<!tpu.dma_semaphore, #tpu.memory_space<semaphore_mem>>) src(%dma_wait3A_354 : memref<100000x64xf32, #tpu.memory_space<hbm>>) dst(%arg7 : memref<100x64xf32, #tpu.memory_space<vmem>>)
      %mul3A_355 = arith.constant 4 : i32
      %mul3A_356 = arith.muli %mul3A_355, %scan3A_346 : i32
      %add3A_357 = arith.constant 0 : i32
      %add3A_358 = arith.addi %mul3A_356, %add3A_357 : i32
      %broadcast_in_dim3A_359 = arith.constant 0.000000e+00 : f32
      %broadcast_in_dim3A_360 = vector.broadcast %broadcast_in_dim3A_359 : f32 to vector<16xf32>
      %scan3A_361 = arith.constant 0 : i32
      %scan3A_362 = arith.constant 25 : i32
      %scan3A_363 = arith.addi %scan3A_361, %scan3A_362 : i32
      %scan3A_364 = arith.constant 1 : i32
      %scan3A_365:8 = scf.for %scan3A_705 = %scan3A_361 to %scan3A_363 step %scan3A_364 iter_args(%scan3A_706 = %broadcast_in_dim3A_360, %scan3A_707 = %broadcast_in_dim3A_360, %scan3A_708 = %broadcast_in_dim3A_360, %scan3A_709 = %broadcast_in_dim3A_360, %scan3A_710 = %broadcast_in_dim3A_360, %scan3A_711 = %broadcast_in_dim3A_360, %scan3A_712 = %broadcast_in_dim3A_360, %scan3A_713 = %broadcast_in_dim3A_360) -> (vector<16xf32>, vector<16xf32>, vector<16xf32>, vector<16xf32>, vector<16xf32>, vector<16xf32>, vector<16xf32>, vector<16xf32>)  : i32 {
        %mul3A_714 = arith.constant 2 : i32
        %mul3A_715 = arith.muli %mul3A_714, %scan3A_705 : i32
        %add3A_716 = arith.constant 0 : i32
        %add3A_717 = arith.addi %add3A_716, %mul3A_715 : i32
        %add3A_718 = arith.constant 0 : i32
        %add3A_719 = arith.addi %add3A_717, %add3A_718 : i32
        %get3A = arith.index_cast %add3A_719 : i32 to index
        %get3A_720 = arith.constant 0 : index
        %get3A_721 = tpu.vector_load %arg7[%get3A, %get3A_720] {strides = array<i32>} : memref<100x64xf32, #tpu.memory_space<vmem>>, vector<1x16xf32>,
        %get3A_722 = vector.shape_cast %get3A_721 : vector<1x16xf32> to vector<16xf32>
        %add3A_723 = arith.addf %scan3A_706, %get3A_722 : vector<16xf32>
        %mul3A_724 = arith.constant 2 : i32
        %mul3A_725 = arith.muli %mul3A_724, %scan3A_705 : i32
        %add3A_726 = arith.constant 0 : i32
        %add3A_727 = arith.addi %add3A_726, %mul3A_725 : i32
        %add3A_728 = arith.constant 0 : i32
        %add3A_729 = arith.addi %add3A_727, %add3A_728 : i32
        %get3A_730 = arith.index_cast %add3A_729 : i32 to index
        %get3A_731 = arith.constant 16 : index
        %get3A_732 = tpu.vector_load %arg7[%get3A_730, %get3A_731] {strides = array<i32>} : memref<100x64xf32, #tpu.memory_space<vmem>>, vector<1x16xf32>,
        %get3A_733 = vector.shape_cast %get3A_732 : vector<1x16xf32> to vector<16xf32>
        %add3A_734 = arith.addf %scan3A_707, %get3A_733 : vector<16xf32>
        %mul3A_735 = arith.constant 2 : i32
        %mul3A_736 = arith.muli %mul3A_735, %scan3A_705 : i32
        %add3A_737 = arith.constant 0 : i32
        %add3A_738 = arith.addi %add3A_737, %mul3A_736 : i32
        %add3A_739 = arith.constant 0 : i32
        %add3A_740 = arith.addi %add3A_738, %add3A_739 : i32
        %get3A_741 = arith.index_cast %add3A_740 : i32 to index
        %get3A_742 = arith.constant 32 : index
        %get3A_743 = tpu.vector_load %arg7[%get3A_741, %get3A_742] {strides = array<i32>} : memref<100x64xf32, #tpu.memory_space<vmem>>, vector<1x16xf32>,
        %get3A_744 = vector.shape_cast %get3A_743 : vector<1x16xf32> to vector<16xf32>
        %add3A_745 = arith.addf %scan3A_708, %get3A_744 : vector<16xf32>
        %mul3A_746 = arith.constant 2 : i32
        %mul3A_747 = arith.muli %mul3A_746, %scan3A_705 : i32
        %add3A_748 = arith.constant 0 : i32
        %add3A_749 = arith.addi %add3A_748, %mul3A_747 : i32
        %add3A_750 = arith.constant 0 : i32
        %add3A_751 = arith.addi %add3A_749, %add3A_750 : i32
        %get3A_752 = arith.index_cast %add3A_751 : i32 to index
        %get3A_753 = arith.constant 48 : index
        %get3A_754 = tpu.vector_load %arg7[%get3A_752, %get3A_753] {strides = array<i32>} : memref<100x64xf32, #tpu.memory_space<vmem>>, vector<1x16xf32>,
        %get3A_755 = vector.shape_cast %get3A_754 : vector<1x16xf32> to vector<16xf32>
        %add3A_756 = arith.addf %scan3A_709, %get3A_755 : vector<16xf32>
        %mul3A_757 = arith.constant 2 : i32
        %mul3A_758 = arith.muli %mul3A_757, %scan3A_705 : i32
        %add3A_759 = arith.constant 50 : i32
        %add3A_760 = arith.addi %add3A_759, %mul3A_758 : i32
        %add3A_761 = arith.constant 0 : i32
        %add3A_762 = arith.addi %add3A_760, %add3A_761 : i32
        %get3A_763 = arith.index_cast %add3A_762 : i32 to index
        %get3A_764 = arith.constant 0 : index
        %get3A_765 = tpu.vector_load %arg7[%get3A_763, %get3A_764] {strides = array<i32>} : memref<100x64xf32, #tpu.memory_space<vmem>>, vector<1x16xf32>,
        %get3A_766 = vector.shape_cast %get3A_765 : vector<1x16xf32> to vector<16xf32>
        %add3A_767 = arith.addf %scan3A_710, %get3A_766 : vector<16xf32>
        %mul3A_768 = arith.constant 2 : i32
        %mul3A_769 = arith.muli %mul3A_768, %scan3A_705 : i32
        %add3A_770 = arith.constant 50 : i32
        %add3A_771 = arith.addi %add3A_770, %mul3A_769 : i32
        %add3A_772 = arith.constant 0 : i32
        %add3A_773 = arith.addi %add3A_771, %add3A_772 : i32
        %get3A_774 = arith.index_cast %add3A_773 : i32 to index
        %get3A_775 = arith.constant 16 : index
        %get3A_776 = tpu.vector_load %arg7[%get3A_774, %get3A_775] {strides = array<i32>} : memref<100x64xf32, #tpu.memory_space<vmem>>, vector<1x16xf32>,
        %get3A_777 = vector.shape_cast %get3A_776 : vector<1x16xf32> to vector<16xf32>
        %add3A_778 = arith.addf %scan3A_711, %get3A_777 : vector<16xf32>
        %mul3A_779 = arith.constant 2 : i32
        %mul3A_780 = arith.muli %mul3A_779, %scan3A_705 : i32
        %add3A_781 = arith.constant 50 : i32
        %add3A_782 = arith.addi %add3A_781, %mul3A_780 : i32
        %add3A_783 = arith.constant 0 : i32
        %add3A_784 = arith.addi %add3A_782, %add3A_783 : i32
        %get3A_785 = arith.index_cast %add3A_784 : i32 to index
        %get3A_786 = arith.constant 32 : index
        %get3A_787 = tpu.vector_load %arg7[%get3A_785, %get3A_786] {strides = array<i32>} : memref<100x64xf32, #tpu.memory_space<vmem>>, vector<1x16xf32>,
        %get3A_788 = vector.shape_cast %get3A_787 : vector<1x16xf32> to vector<16xf32>
        %add3A_789 = arith.addf %scan3A_712, %get3A_788 : vector<16xf32>
        %mul3A_790 = arith.constant 2 : i32
        %mul3A_791 = arith.muli %mul3A_790, %scan3A_705 : i32
        %add3A_792 = arith.constant 50 : i32
        %add3A_793 = arith.addi %add3A_792, %mul3A_791 : i32
        %add3A_794 = arith.constant 0 : i32
        %add3A_795 = arith.addi %add3A_793, %add3A_794 : i32
        %get3A_796 = arith.index_cast %add3A_795 : i32 to index
        %get3A_797 = arith.constant 48 : index
        %get3A_798 = tpu.vector_load %arg7[%get3A_796, %get3A_797] {strides = array<i32>} : memref<100x64xf32, #tpu.memory_space<vmem>>, vector<1x16xf32>,
        %get3A_799 = vector.shape_cast %get3A_798 : vector<1x16xf32> to vector<16xf32>
        %add3A_800 = arith.addf %scan3A_713, %get3A_799 : vector<16xf32>
        %mul3A_801 = arith.constant 2 : i32
        %mul3A_802 = arith.muli %mul3A_801, %scan3A_705 : i32
        %add3A_803 = arith.constant 0 : i32
        %add3A_804 = arith.addi %add3A_803, %mul3A_802 : i32
        %add3A_805 = arith.constant 1 : i32
        %add3A_806 = arith.addi %add3A_804, %add3A_805 : i32
        %get3A_807 = arith.index_cast %add3A_806 : i32 to index
        %get3A_808 = arith.constant 0 : index
        %get3A_809 = tpu.vector_load %arg7[%get3A_807, %get3A_808] {strides = array<i32>} : memref<100x64xf32, #tpu.memory_space<vmem>>, vector<1x16xf32>,
        %get3A_810 = vector.shape_cast %get3A_809 : vector<1x16xf32> to vector<16xf32>
        %add3A_811 = arith.addf %add3A_723, %get3A_810 : vector<16xf32>
        %mul3A_812 = arith.constant 2 : i32
        %mul3A_813 = arith.muli %mul3A_812, %scan3A_705 : i32
        %add3A_814 = arith.constant 0 : i32
        %add3A_815 = arith.addi %add3A_814, %mul3A_813 : i32
        %add3A_816 = arith.constant 1 : i32
        %add3A_817 = arith.addi %add3A_815, %add3A_816 : i32
        %get3A_818 = arith.index_cast %add3A_817 : i32 to index
        %get3A_819 = arith.constant 16 : index
        %get3A_820 = tpu.vector_load %arg7[%get3A_818, %get3A_819] {strides = array<i32>} : memref<100x64xf32, #tpu.memory_space<vmem>>, vector<1x16xf32>,
        %get3A_821 = vector.shape_cast %get3A_820 : vector<1x16xf32> to vector<16xf32>
        %add3A_822 = arith.addf %add3A_734, %get3A_821 : vector<16xf32>
        %mul3A_823 = arith.constant 2 : i32
        %mul3A_824 = arith.muli %mul3A_823, %scan3A_705 : i32
        %add3A_825 = arith.constant 0 : i32
        %add3A_826 = arith.addi %add3A_825, %mul3A_824 : i32
        %add3A_827 = arith.constant 1 : i32
        %add3A_828 = arith.addi %add3A_826, %add3A_827 : i32
        %get3A_829 = arith.index_cast %add3A_828 : i32 to index
        %get3A_830 = arith.constant 32 : index
        %get3A_831 = tpu.vector_load %arg7[%get3A_829, %get3A_830] {strides = array<i32>} : memref<100x64xf32, #tpu.memory_space<vmem>>, vector<1x16xf32>,
        %get3A_832 = vector.shape_cast %get3A_831 : vector<1x16xf32> to vector<16xf32>
        %add3A_833 = arith.addf %add3A_745, %get3A_832 : vector<16xf32>
        %mul3A_834 = arith.constant 2 : i32
        %mul3A_835 = arith.muli %mul3A_834, %scan3A_705 : i32
        %add3A_836 = arith.constant 0 : i32
        %add3A_837 = arith.addi %add3A_836, %mul3A_835 : i32
        %add3A_838 = arith.constant 1 : i32
        %add3A_839 = arith.addi %add3A_837, %add3A_838 : i32
        %get3A_840 = arith.index_cast %add3A_839 : i32 to index
        %get3A_841 = arith.constant 48 : index
        %get3A_842 = tpu.vector_load %arg7[%get3A_840, %get3A_841] {strides = array<i32>} : memref<100x64xf32, #tpu.memory_space<vmem>>, vector<1x16xf32>,
        %get3A_843 = vector.shape_cast %get3A_842 : vector<1x16xf32> to vector<16xf32>
        %add3A_844 = arith.addf %add3A_756, %get3A_843 : vector<16xf32>
        %mul3A_845 = arith.constant 2 : i32
        %mul3A_846 = arith.muli %mul3A_845, %scan3A_705 : i32
        %add3A_847 = arith.constant 50 : i32
        %add3A_848 = arith.addi %add3A_847, %mul3A_846 : i32
        %add3A_849 = arith.constant 1 : i32
        %add3A_850 = arith.addi %add3A_848, %add3A_849 : i32
        %get3A_851 = arith.index_cast %add3A_850 : i32 to index
        %get3A_852 = arith.constant 0 : index
        %get3A_853 = tpu.vector_load %arg7[%get3A_851, %get3A_852] {strides = array<i32>} : memref<100x64xf32, #tpu.memory_space<vmem>>, vector<1x16xf32>,
        %get3A_854 = vector.shape_cast %get3A_853 : vector<1x16xf32> to vector<16xf32>
        %add3A_855 = arith.addf %add3A_767, %get3A_854 : vector<16xf32>
        %mul3A_856 = arith.constant 2 : i32
        %mul3A_857 = arith.muli %mul3A_856, %scan3A_705 : i32
        %add3A_858 = arith.constant 50 : i32
        %add3A_859 = arith.addi %add3A_858, %mul3A_857 : i32
        %add3A_860 = arith.constant 1 : i32
        %add3A_861 = arith.addi %add3A_859, %add3A_860 : i32
        %get3A_862 = arith.index_cast %add3A_861 : i32 to index
        %get3A_863 = arith.constant 16 : index
        %get3A_864 = tpu.vector_load %arg7[%get3A_862, %get3A_863] {strides = array<i32>} : memref<100x64xf32, #tpu.memory_space<vmem>>, vector<1x16xf32>,
        %get3A_865 = vector.shape_cast %get3A_864 : vector<1x16xf32> to vector<16xf32>
        %add3A_866 = arith.addf %add3A_778, %get3A_865 : vector<16xf32>
        %mul3A_867 = arith.constant 2 : i32
        %mul3A_868 = arith.muli %mul3A_867, %scan3A_705 : i32
        %add3A_869 = arith.constant 50 : i32
        %add3A_870 = arith.addi %add3A_869, %mul3A_868 : i32
        %add3A_871 = arith.constant 1 : i32
        %add3A_872 = arith.addi %add3A_870, %add3A_871 : i32
        %get3A_873 = arith.index_cast %add3A_872 : i32 to index
        %get3A_874 = arith.constant 32 : index
        %get3A_875 = tpu.vector_load %arg7[%get3A_873, %get3A_874] {strides = array<i32>} : memref<100x64xf32, #tpu.memory_space<vmem>>, vector<1x16xf32>,
        %get3A_876 = vector.shape_cast %get3A_875 : vector<1x16xf32> to vector<16xf32>
        %add3A_877 = arith.addf %add3A_789, %get3A_876 : vector<16xf32>
        %mul3A_878 = arith.constant 2 : i32
        %mul3A_879 = arith.muli %mul3A_878, %scan3A_705 : i32
        %add3A_880 = arith.constant 50 : i32
        %add3A_881 = arith.addi %add3A_880, %mul3A_879 : i32
        %add3A_882 = arith.constant 1 : i32
        %add3A_883 = arith.addi %add3A_881, %add3A_882 : i32
        %get3A_884 = arith.index_cast %add3A_883 : i32 to index
        %get3A_885 = arith.constant 48 : index
        %get3A_886 = tpu.vector_load %arg7[%get3A_884, %get3A_885] {strides = array<i32>} : memref<100x64xf32, #tpu.memory_space<vmem>>, vector<1x16xf32>,
        %get3A_887 = vector.shape_cast %get3A_886 : vector<1x16xf32> to vector<16xf32>
        %add3A_888 = arith.addf %add3A_800, %get3A_887 : vector<16xf32>
        scf.yield %add3A_811, %add3A_822, %add3A_833, %add3A_844, %add3A_855, %add3A_866, %add3A_877, %add3A_888 : vector<16xf32>, vector<16xf32>, vector<16xf32>, vector<16xf32>, vector<16xf32>, vector<16xf32>, vector<16xf32>, vector<16xf32>
      }
      %scan3A_366 = arith.constant 25 : i32
      %swap3A_367 = arith.index_cast %add3A_358 : i32 to index
      %swap3A_368 = arith.constant 0 : index
      %swap3A_369 = tpu.vector_load %arg11[%swap3A_367, %swap3A_368] {strides = array<i32>} : memref<64x128xf32, #tpu.memory_space<vmem>>, vector<1x16xf32>,
      %swap3A_370 = vector.shape_cast %swap3A_369 : vector<1x16xf32> to vector<16xf32>
      %swap3A_371 = vector.shape_cast %scan3A_365#0 : vector<16xf32> to vector<1x16xf32>
      tpu.vector_store %arg11[%swap3A_367, %swap3A_368], %swap3A_371 {strides = array<i32>} : memref<64x128xf32, #tpu.memory_space<vmem>>, vector<1x16xf32>,
      %swap3A_372 = arith.index_cast %add3A_358 : i32 to index
      %swap3A_373 = arith.constant 16 : index
      %swap3A_374 = tpu.vector_load %arg11[%swap3A_372, %swap3A_373] {strides = array<i32>} : memref<64x128xf32, #tpu.memory_space<vmem>>, vector<1x16xf32>,
      %swap3A_375 = vector.shape_cast %swap3A_374 : vector<1x16xf32> to vector<16xf32>
      %swap3A_376 = vector.shape_cast %scan3A_365#1 : vector<16xf32> to vector<1x16xf32>
      tpu.vector_store %arg11[%swap3A_372, %swap3A_373], %swap3A_376 {strides = array<i32>} : memref<64x128xf32, #tpu.memory_space<vmem>>, vector<1x16xf32>,
      %swap3A_377 = arith.index_cast %add3A_358 : i32 to index
      %swap3A_378 = arith.constant 32 : index
      %swap3A_379 = tpu.vector_load %arg11[%swap3A_377, %swap3A_378] {strides = array<i32>} : memref<64x128xf32, #tpu.memory_space<vmem>>, vector<1x16xf32>,
      %swap3A_380 = vector.shape_cast %swap3A_379 : vector<1x16xf32> to vector<16xf32>
      %swap3A_381 = vector.shape_cast %scan3A_365#2 : vector<16xf32> to vector<1x16xf32>
      tpu.vector_store %arg11[%swap3A_377, %swap3A_378], %swap3A_381 {strides = array<i32>} : memref<64x128xf32, #tpu.memory_space<vmem>>, vector<1x16xf32>,
      %swap3A_382 = arith.index_cast %add3A_358 : i32 to index
      %swap3A_383 = arith.constant 48 : index
      %swap3A_384 = tpu.vector_load %arg11[%swap3A_382, %swap3A_383] {strides = array<i32>} : memref<64x128xf32, #tpu.memory_space<vmem>>, vector<1x16xf32>,
      %swap3A_385 = vector.shape_cast %swap3A_384 : vector<1x16xf32> to vector<16xf32>
      %swap3A_386 = vector.shape_cast %scan3A_365#3 : vector<16xf32> to vector<1x16xf32>
      tpu.vector_store %arg11[%swap3A_382, %swap3A_383], %swap3A_386 {strides = array<i32>} : memref<64x128xf32, #tpu.memory_space<vmem>>, vector<1x16xf32>,
      %swap3A_387 = arith.index_cast %add3A_358 : i32 to index
      %swap3A_388 = arith.constant 64 : index
      %swap3A_389 = tpu.vector_load %arg11[%swap3A_387, %swap3A_388] {strides = array<i32>} : memref<64x128xf32, #tpu.memory_space<vmem>>, vector<1x16xf32>,
      %swap3A_390 = vector.shape_cast %swap3A_389 : vector<1x16xf32> to vector<16xf32>
      %swap3A_391 = vector.shape_cast %scan3A_365#4 : vector<16xf32> to vector<1x16xf32>
      tpu.vector_store %arg11[%swap3A_387, %swap3A_388], %swap3A_391 {strides = array<i32>} : memref<64x128xf32, #tpu.memory_space<vmem>>, vector<1x16xf32>,
      %swap3A_392 = arith.index_cast %add3A_358 : i32 to index
      %swap3A_393 = arith.constant 80 : index
      %swap3A_394 = tpu.vector_load %arg11[%swap3A_392, %swap3A_393] {strides = array<i32>} : memref<64x128xf32, #tpu.memory_space<vmem>>, vector<1x16xf32>,
      %swap3A_395 = vector.shape_cast %swap3A_394 : vector<1x16xf32> to vector<16xf32>
      %swap3A_396 = vector.shape_cast %scan3A_365#5 : vector<16xf32> to vector<1x16xf32>
      tpu.vector_store %arg11[%swap3A_392, %swap3A_393], %swap3A_396 {strides = array<i32>} : memref<64x128xf32, #tpu.memory_space<vmem>>, vector<1x16xf32>,
      %swap3A_397 = arith.index_cast %add3A_358 : i32 to index
      %swap3A_398 = arith.constant 96 : index
      %swap3A_399 = tpu.vector_load %arg11[%swap3A_397, %swap3A_398] {strides = array<i32>} : memref<64x128xf32, #tpu.memory_space<vmem>>, vector<1x16xf32>,
      %swap3A_400 = vector.shape_cast %swap3A_399 : vector<1x16xf32> to vector<16xf32>
      %swap3A_401 = vector.shape_cast %scan3A_365#6 : vector<16xf32> to vector<1x16xf32>
      tpu.vector_store %arg11[%swap3A_397, %swap3A_398], %swap3A_401 {strides = array<i32>} : memref<64x128xf32, #tpu.memory_space<vmem>>, vector<1x16xf32>,
      %swap3A_402 = arith.index_cast %add3A_358 : i32 to index
      %swap3A_403 = arith.constant 112 : index
      %swap3A_404 = tpu.vector_load %arg11[%swap3A_402, %swap3A_403] {strides = array<i32>} : memref<64x128xf32, #tpu.memory_space<vmem>>, vector<1x16xf32>,
      %swap3A_405 = vector.shape_cast %swap3A_404 : vector<1x16xf32> to vector<16xf32>
      %swap3A_406 = vector.shape_cast %scan3A_365#7 : vector<16xf32> to vector<1x16xf32>
      tpu.vector_store %arg11[%swap3A_402, %swap3A_403], %swap3A_406 {strides = array<i32>} : memref<64x128xf32, #tpu.memory_space<vmem>>, vector<1x16xf32>,
      %mul3A_407 = arith.constant 4 : i32
      %mul3A_408 = arith.muli %mul3A_407, %scan3A_346 : i32
      %add3A_409 = arith.constant 0 : i32
      %add3A_410 = arith.addi %mul3A_408, %add3A_409 : i32
      %add3A_411 = arith.constant 4 : i32
      %add3A_412 = arith.addi %add3A_410, %add3A_411 : i32
      %mul3A_413 = arith.constant 2 : i32
      %mul3A_414 = arith.muli %mul3A_413, %add3A_412 : i32
      %dma_start3A_415 = arith.constant 0 : i32
      %dma_start3A_416 = arith.constant 0 : i32
      %dma_start3A_417 = tpu.memref_slice %arg7[%dma_start3A_415, %dma_start3A_416] : memref<100x64xf32, #tpu.memory_space<vmem>> -> memref<50x64xf32, #tpu.memory_space<vmem>>
      %dma_start3A_418 = arith.constant 0 : i32
      %dma_start3A_419 = tpu.memref_slice %arg6[%mul3A_414, %dma_start3A_418] : memref<128x50xi32, #tpu.memory_space<vmem>> -> memref<1x50xi32, #tpu.memory_space<vmem>>
      %dma_start3A_420 = tpu.memref_squeeze %dma_start3A_419 : memref<1x50xi32, #tpu.memory_space<vmem>> -> memref<50xi32, #tpu.memory_space<vmem>>
      %dma_start3A_421 = arith.constant 0 : i32
      %dma_start3A_422 = arith.constant 0 : i32
      %dma_start3A_423 = tpu.memref_slice %arg3[%dma_start3A_421, %dma_start3A_422] : memref<100000x64xf32, #tpu.memory_space<hbm>> -> memref<100000x64xf32, #tpu.memory_space<hbm>>
      tpu.enqueue_indirect_dma source(%dma_start3A_423 : memref<100000x64xf32, #tpu.memory_space<hbm>>) target(%dma_start3A_417 : memref<50x64xf32, #tpu.memory_space<vmem>>) offsets(%dma_start3A_420 : memref<50xi32, #tpu.memory_space<vmem>>) semaphore(%arg12 : memref<!tpu.dma_semaphore, #tpu.memory_space<semaphore_mem>>)
      %mul3A_424 = arith.constant 2 : i32
      %mul3A_425 = arith.muli %mul3A_424, %add3A_412 : i32
      %add3A_426 = arith.constant 1 : i32
      %add3A_427 = arith.addi %mul3A_425, %add3A_426 : i32
      %dma_start3A_428 = arith.constant 50 : i32
      %dma_start3A_429 = arith.constant 0 : i32
      %dma_start3A_430 = tpu.memref_slice %arg7[%dma_start3A_428, %dma_start3A_429] : memref<100x64xf32, #tpu.memory_space<vmem>> -> memref<50x64xf32, #tpu.memory_space<vmem>>
      %dma_start3A_431 = arith.constant 0 : i32
      %dma_start3A_432 = tpu.memref_slice %arg6[%add3A_427, %dma_start3A_431] : memref<128x50xi32, #tpu.memory_space<vmem>> -> memref<1x50xi32, #tpu.memory_space<vmem>>
      %dma_start3A_433 = tpu.memref_squeeze %dma_start3A_432 : memref<1x50xi32, #tpu.memory_space<vmem>> -> memref<50xi32, #tpu.memory_space<vmem>>
      %dma_start3A_434 = arith.constant 0 : i32
      %dma_start3A_435 = arith.constant 0 : i32
      %dma_start3A_436 = tpu.memref_slice %arg3[%dma_start3A_434, %dma_start3A_435] : memref<100000x64xf32, #tpu.memory_space<hbm>> -> memref<100000x64xf32, #tpu.memory_space<hbm>>
      tpu.enqueue_indirect_dma source(%dma_start3A_436 : memref<100000x64xf32, #tpu.memory_space<hbm>>) target(%dma_start3A_430 : memref<50x64xf32, #tpu.memory_space<vmem>>) offsets(%dma_start3A_433 : memref<50xi32, #tpu.memory_space<vmem>>) semaphore(%arg12 : memref<!tpu.dma_semaphore, #tpu.memory_space<semaphore_mem>>)
      %dma_wait3A_437 = arith.constant 0 : i32
      %dma_wait3A_438 = arith.constant 0 : i32
      %dma_wait3A_439 = tpu.memref_slice %arg6[%dma_wait3A_437, %dma_wait3A_438] : memref<128x50xi32, #tpu.memory_space<vmem>> -> memref<1x50xi32, #tpu.memory_space<vmem>>
      %dma_wait3A_440 = tpu.memref_squeeze %dma_wait3A_439 : memref<1x50xi32, #tpu.memory_space<vmem>> -> memref<50xi32, #tpu.memory_space<vmem>>
      %dma_wait3A_441 = arith.constant 0 : i32
      %dma_wait3A_442 = arith.constant 0 : i32
      %dma_wait3A_443 = tpu.memref_slice %arg3[%dma_wait3A_441, %dma_wait3A_442] : memref<100000x64xf32, #tpu.memory_space<hbm>> -> memref<100000x64xf32, #tpu.memory_space<hbm>>
      tpu.wait_indirect_dma semaphore(%arg13 : memref<!tpu.dma_semaphore, #tpu.memory_space<semaphore_mem>>) src(%dma_wait3A_443 : memref<100000x64xf32, #tpu.memory_space<hbm>>) dst(%arg8 : memref<100x64xf32, #tpu.memory_space<vmem>>)
      %mul3A_444 = arith.constant 4 : i32
      %mul3A_445 = arith.muli %mul3A_444, %scan3A_346 : i32
      %add3A_446 = arith.constant 1 : i32
      %add3A_447 = arith.addi %mul3A_445, %add3A_446 : i32
      %broadcast_in_dim3A_448 = arith.constant 0.000000e+00 : f32
      %broadcast_in_dim3A_449 = vector.broadcast %broadcast_in_dim3A_448 : f32 to vector<16xf32>
      %scan3A_450 = arith.constant 0 : i32
      %scan3A_451 = arith.constant 25 : i32
      %scan3A_452 = arith.addi %scan3A_450, %scan3A_451 : i32
      %scan3A_453 = arith.constant 1 : i32
      %scan3A_454:8 = scf.for %scan3A_705 = %scan3A_450 to %scan3A_452 step %scan3A_453 iter_args(%scan3A_706 = %broadcast_in_dim3A_449, %scan3A_707 = %broadcast_in_dim3A_449, %scan3A_708 = %broadcast_in_dim3A_449, %scan3A_709 = %broadcast_in_dim3A_449, %scan3A_710 = %broadcast_in_dim3A_449, %scan3A_711 = %broadcast_in_dim3A_449, %scan3A_712 = %broadcast_in_dim3A_449, %scan3A_713 = %broadcast_in_dim3A_449) -> (vector<16xf32>, vector<16xf32>, vector<16xf32>, vector<16xf32>, vector<16xf32>, vector<16xf32>, vector<16xf32>, vector<16xf32>)  : i32 {
        %mul3A_714 = arith.constant 2 : i32
        %mul3A_715 = arith.muli %mul3A_714, %scan3A_705 : i32
        %add3A_716 = arith.constant 0 : i32
        %add3A_717 = arith.addi %add3A_716, %mul3A_715 : i32
        %add3A_718 = arith.constant 0 : i32
        %add3A_719 = arith.addi %add3A_717, %add3A_718 : i32
        %get3A = arith.index_cast %add3A_719 : i32 to index
        %get3A_720 = arith.constant 0 : index
        %get3A_721 = tpu.vector_load %arg8[%get3A, %get3A_720] {strides = array<i32>} : memref<100x64xf32, #tpu.memory_space<vmem>>, vector<1x16xf32>,
        %get3A_722 = vector.shape_cast %get3A_721 : vector<1x16xf32> to vector<16xf32>
        %add3A_723 = arith.addf %scan3A_706, %get3A_722 : vector<16xf32>
        %mul3A_724 = arith.constant 2 : i32
        %mul3A_725 = arith.muli %mul3A_724, %scan3A_705 : i32
        %add3A_726 = arith.constant 0 : i32
        %add3A_727 = arith.addi %add3A_726, %mul3A_725 : i32
        %add3A_728 = arith.constant 0 : i32
        %add3A_729 = arith.addi %add3A_727, %add3A_728 : i32
        %get3A_730 = arith.index_cast %add3A_729 : i32 to index
        %get3A_731 = arith.constant 16 : index
        %get3A_732 = tpu.vector_load %arg8[%get3A_730, %get3A_731] {strides = array<i32>} : memref<100x64xf32, #tpu.memory_space<vmem>>, vector<1x16xf32>,
        %get3A_733 = vector.shape_cast %get3A_732 : vector<1x16xf32> to vector<16xf32>
        %add3A_734 = arith.addf %scan3A_707, %get3A_733 : vector<16xf32>
        %mul3A_735 = arith.constant 2 : i32
        %mul3A_736 = arith.muli %mul3A_735, %scan3A_705 : i32
        %add3A_737 = arith.constant 0 : i32
        %add3A_738 = arith.addi %add3A_737, %mul3A_736 : i32
        %add3A_739 = arith.constant 0 : i32
        %add3A_740 = arith.addi %add3A_738, %add3A_739 : i32
        %get3A_741 = arith.index_cast %add3A_740 : i32 to index
        %get3A_742 = arith.constant 32 : index
        %get3A_743 = tpu.vector_load %arg8[%get3A_741, %get3A_742] {strides = array<i32>} : memref<100x64xf32, #tpu.memory_space<vmem>>, vector<1x16xf32>,
        %get3A_744 = vector.shape_cast %get3A_743 : vector<1x16xf32> to vector<16xf32>
        %add3A_745 = arith.addf %scan3A_708, %get3A_744 : vector<16xf32>
        %mul3A_746 = arith.constant 2 : i32
        %mul3A_747 = arith.muli %mul3A_746, %scan3A_705 : i32
        %add3A_748 = arith.constant 0 : i32
        %add3A_749 = arith.addi %add3A_748, %mul3A_747 : i32
        %add3A_750 = arith.constant 0 : i32
        %add3A_751 = arith.addi %add3A_749, %add3A_750 : i32
        %get3A_752 = arith.index_cast %add3A_751 : i32 to index
        %get3A_753 = arith.constant 48 : index
        %get3A_754 = tpu.vector_load %arg8[%get3A_752, %get3A_753] {strides = array<i32>} : memref<100x64xf32, #tpu.memory_space<vmem>>, vector<1x16xf32>,
        %get3A_755 = vector.shape_cast %get3A_754 : vector<1x16xf32> to vector<16xf32>
        %add3A_756 = arith.addf %scan3A_709, %get3A_755 : vector<16xf32>
        %mul3A_757 = arith.constant 2 : i32
        %mul3A_758 = arith.muli %mul3A_757, %scan3A_705 : i32
        %add3A_759 = arith.constant 50 : i32
        %add3A_760 = arith.addi %add3A_759, %mul3A_758 : i32
        %add3A_761 = arith.constant 0 : i32
        %add3A_762 = arith.addi %add3A_760, %add3A_761 : i32
        %get3A_763 = arith.index_cast %add3A_762 : i32 to index
        %get3A_764 = arith.constant 0 : index
        %get3A_765 = tpu.vector_load %arg8[%get3A_763, %get3A_764] {strides = array<i32>} : memref<100x64xf32, #tpu.memory_space<vmem>>, vector<1x16xf32>,
        %get3A_766 = vector.shape_cast %get3A_765 : vector<1x16xf32> to vector<16xf32>
        %add3A_767 = arith.addf %scan3A_710, %get3A_766 : vector<16xf32>
        %mul3A_768 = arith.constant 2 : i32
        %mul3A_769 = arith.muli %mul3A_768, %scan3A_705 : i32
        %add3A_770 = arith.constant 50 : i32
        %add3A_771 = arith.addi %add3A_770, %mul3A_769 : i32
        %add3A_772 = arith.constant 0 : i32
        %add3A_773 = arith.addi %add3A_771, %add3A_772 : i32
        %get3A_774 = arith.index_cast %add3A_773 : i32 to index
        %get3A_775 = arith.constant 16 : index
        %get3A_776 = tpu.vector_load %arg8[%get3A_774, %get3A_775] {strides = array<i32>} : memref<100x64xf32, #tpu.memory_space<vmem>>, vector<1x16xf32>,
        %get3A_777 = vector.shape_cast %get3A_776 : vector<1x16xf32> to vector<16xf32>
        %add3A_778 = arith.addf %scan3A_711, %get3A_777 : vector<16xf32>
        %mul3A_779 = arith.constant 2 : i32
        %mul3A_780 = arith.muli %mul3A_779, %scan3A_705 : i32
        %add3A_781 = arith.constant 50 : i32
        %add3A_782 = arith.addi %add3A_781, %mul3A_780 : i32
        %add3A_783 = arith.constant 0 : i32
        %add3A_784 = arith.addi %add3A_782, %add3A_783 : i32
        %get3A_785 = arith.index_cast %add3A_784 : i32 to index
        %get3A_786 = arith.constant 32 : index
        %get3A_787 = tpu.vector_load %arg8[%get3A_785, %get3A_786] {strides = array<i32>} : memref<100x64xf32, #tpu.memory_space<vmem>>, vector<1x16xf32>,
        %get3A_788 = vector.shape_cast %get3A_787 : vector<1x16xf32> to vector<16xf32>
        %add3A_789 = arith.addf %scan3A_712, %get3A_788 : vector<16xf32>
        %mul3A_790 = arith.constant 2 : i32
        %mul3A_791 = arith.muli %mul3A_790, %scan3A_705 : i32
        %add3A_792 = arith.constant 50 : i32
        %add3A_793 = arith.addi %add3A_792, %mul3A_791 : i32
        %add3A_794 = arith.constant 0 : i32
        %add3A_795 = arith.addi %add3A_793, %add3A_794 : i32
        %get3A_796 = arith.index_cast %add3A_795 : i32 to index
        %get3A_797 = arith.constant 48 : index
        %get3A_798 = tpu.vector_load %arg8[%get3A_796, %get3A_797] {strides = array<i32>} : memref<100x64xf32, #tpu.memory_space<vmem>>, vector<1x16xf32>,
        %get3A_799 = vector.shape_cast %get3A_798 : vector<1x16xf32> to vector<16xf32>
        %add3A_800 = arith.addf %scan3A_713, %get3A_799 : vector<16xf32>
        %mul3A_801 = arith.constant 2 : i32
        %mul3A_802 = arith.muli %mul3A_801, %scan3A_705 : i32
        %add3A_803 = arith.constant 0 : i32
        %add3A_804 = arith.addi %add3A_803, %mul3A_802 : i32
        %add3A_805 = arith.constant 1 : i32
        %add3A_806 = arith.addi %add3A_804, %add3A_805 : i32
        %get3A_807 = arith.index_cast %add3A_806 : i32 to index
        %get3A_808 = arith.constant 0 : index
        %get3A_809 = tpu.vector_load %arg8[%get3A_807, %get3A_808] {strides = array<i32>} : memref<100x64xf32, #tpu.memory_space<vmem>>, vector<1x16xf32>,
        %get3A_810 = vector.shape_cast %get3A_809 : vector<1x16xf32> to vector<16xf32>
        %add3A_811 = arith.addf %add3A_723, %get3A_810 : vector<16xf32>
        %mul3A_812 = arith.constant 2 : i32
        %mul3A_813 = arith.muli %mul3A_812, %scan3A_705 : i32
        %add3A_814 = arith.constant 0 : i32
        %add3A_815 = arith.addi %add3A_814, %mul3A_813 : i32
        %add3A_816 = arith.constant 1 : i32
        %add3A_817 = arith.addi %add3A_815, %add3A_816 : i32
        %get3A_818 = arith.index_cast %add3A_817 : i32 to index
        %get3A_819 = arith.constant 16 : index
        %get3A_820 = tpu.vector_load %arg8[%get3A_818, %get3A_819] {strides = array<i32>} : memref<100x64xf32, #tpu.memory_space<vmem>>, vector<1x16xf32>,
        %get3A_821 = vector.shape_cast %get3A_820 : vector<1x16xf32> to vector<16xf32>
        %add3A_822 = arith.addf %add3A_734, %get3A_821 : vector<16xf32>
        %mul3A_823 = arith.constant 2 : i32
        %mul3A_824 = arith.muli %mul3A_823, %scan3A_705 : i32
        %add3A_825 = arith.constant 0 : i32
        %add3A_826 = arith.addi %add3A_825, %mul3A_824 : i32
        %add3A_827 = arith.constant 1 : i32
        %add3A_828 = arith.addi %add3A_826, %add3A_827 : i32
        %get3A_829 = arith.index_cast %add3A_828 : i32 to index
        %get3A_830 = arith.constant 32 : index
        %get3A_831 = tpu.vector_load %arg8[%get3A_829, %get3A_830] {strides = array<i32>} : memref<100x64xf32, #tpu.memory_space<vmem>>, vector<1x16xf32>,
        %get3A_832 = vector.shape_cast %get3A_831 : vector<1x16xf32> to vector<16xf32>
        %add3A_833 = arith.addf %add3A_745, %get3A_832 : vector<16xf32>
        %mul3A_834 = arith.constant 2 : i32
        %mul3A_835 = arith.muli %mul3A_834, %scan3A_705 : i32
        %add3A_836 = arith.constant 0 : i32
        %add3A_837 = arith.addi %add3A_836, %mul3A_835 : i32
        %add3A_838 = arith.constant 1 : i32
        %add3A_839 = arith.addi %add3A_837, %add3A_838 : i32
        %get3A_840 = arith.index_cast %add3A_839 : i32 to index
        %get3A_841 = arith.constant 48 : index
        %get3A_842 = tpu.vector_load %arg8[%get3A_840, %get3A_841] {strides = array<i32>} : memref<100x64xf32, #tpu.memory_space<vmem>>, vector<1x16xf32>,
        %get3A_843 = vector.shape_cast %get3A_842 : vector<1x16xf32> to vector<16xf32>
        %add3A_844 = arith.addf %add3A_756, %get3A_843 : vector<16xf32>
        %mul3A_845 = arith.constant 2 : i32
        %mul3A_846 = arith.muli %mul3A_845, %scan3A_705 : i32
        %add3A_847 = arith.constant 50 : i32
        %add3A_848 = arith.addi %add3A_847, %mul3A_846 : i32
        %add3A_849 = arith.constant 1 : i32
        %add3A_850 = arith.addi %add3A_848, %add3A_849 : i32
        %get3A_851 = arith.index_cast %add3A_850 : i32 to index
        %get3A_852 = arith.constant 0 : index
        %get3A_853 = tpu.vector_load %arg8[%get3A_851, %get3A_852] {strides = array<i32>} : memref<100x64xf32, #tpu.memory_space<vmem>>, vector<1x16xf32>,
        %get3A_854 = vector.shape_cast %get3A_853 : vector<1x16xf32> to vector<16xf32>
        %add3A_855 = arith.addf %add3A_767, %get3A_854 : vector<16xf32>
        %mul3A_856 = arith.constant 2 : i32
        %mul3A_857 = arith.muli %mul3A_856, %scan3A_705 : i32
        %add3A_858 = arith.constant 50 : i32
        %add3A_859 = arith.addi %add3A_858, %mul3A_857 : i32
        %add3A_860 = arith.constant 1 : i32
        %add3A_861 = arith.addi %add3A_859, %add3A_860 : i32
        %get3A_862 = arith.index_cast %add3A_861 : i32 to index
        %get3A_863 = arith.constant 16 : index
        %get3A_864 = tpu.vector_load %arg8[%get3A_862, %get3A_863] {strides = array<i32>} : memref<100x64xf32, #tpu.memory_space<vmem>>, vector<1x16xf32>,
        %get3A_865 = vector.shape_cast %get3A_864 : vector<1x16xf32> to vector<16xf32>
        %add3A_866 = arith.addf %add3A_778, %get3A_865 : vector<16xf32>
        %mul3A_867 = arith.constant 2 : i32
        %mul3A_868 = arith.muli %mul3A_867, %scan3A_705 : i32
        %add3A_869 = arith.constant 50 : i32
        %add3A_870 = arith.addi %add3A_869, %mul3A_868 : i32
        %add3A_871 = arith.constant 1 : i32
        %add3A_872 = arith.addi %add3A_870, %add3A_871 : i32
        %get3A_873 = arith.index_cast %add3A_872 : i32 to index
        %get3A_874 = arith.constant 32 : index
        %get3A_875 = tpu.vector_load %arg8[%get3A_873, %get3A_874] {strides = array<i32>} : memref<100x64xf32, #tpu.memory_space<vmem>>, vector<1x16xf32>,
        %get3A_876 = vector.shape_cast %get3A_875 : vector<1x16xf32> to vector<16xf32>
        %add3A_877 = arith.addf %add3A_789, %get3A_876 : vector<16xf32>
        %mul3A_878 = arith.constant 2 : i32
        %mul3A_879 = arith.muli %mul3A_878, %scan3A_705 : i32
        %add3A_880 = arith.constant 50 : i32
        %add3A_881 = arith.addi %add3A_880, %mul3A_879 : i32
        %add3A_882 = arith.constant 1 : i32
        %add3A_883 = arith.addi %add3A_881, %add3A_882 : i32
        %get3A_884 = arith.index_cast %add3A_883 : i32 to index
        %get3A_885 = arith.constant 48 : index
        %get3A_886 = tpu.vector_load %arg8[%get3A_884, %get3A_885] {strides = array<i32>} : memref<100x64xf32, #tpu.memory_space<vmem>>, vector<1x16xf32>,
        %get3A_887 = vector.shape_cast %get3A_886 : vector<1x16xf32> to vector<16xf32>
        %add3A_888 = arith.addf %add3A_800, %get3A_887 : vector<16xf32>
        scf.yield %add3A_811, %add3A_822, %add3A_833, %add3A_844, %add3A_855, %add3A_866, %add3A_877, %add3A_888 : vector<16xf32>, vector<16xf32>, vector<16xf32>, vector<16xf32>, vector<16xf32>, vector<16xf32>, vector<16xf32>, vector<16xf32>
      }
      %scan3A_455 = arith.constant 25 : i32
      %swap3A_456 = arith.index_cast %add3A_447 : i32 to index
      %swap3A_457 = arith.constant 0 : index
      %swap3A_458 = tpu.vector_load %arg11[%swap3A_456, %swap3A_457] {strides = array<i32>} : memref<64x128xf32, #tpu.memory_space<vmem>>, vector<1x16xf32>,
      %swap3A_459 = vector.shape_cast %swap3A_458 : vector<1x16xf32> to vector<16xf32>
      %swap3A_460 = vector.shape_cast %scan3A_454#0 : vector<16xf32> to vector<1x16xf32>
      tpu.vector_store %arg11[%swap3A_456, %swap3A_457], %swap3A_460 {strides = array<i32>} : memref<64x128xf32, #tpu.memory_space<vmem>>, vector<1x16xf32>,
      %swap3A_461 = arith.index_cast %add3A_447 : i32 to index
      %swap3A_462 = arith.constant 16 : index
      %swap3A_463 = tpu.vector_load %arg11[%swap3A_461, %swap3A_462] {strides = array<i32>} : memref<64x128xf32, #tpu.memory_space<vmem>>, vector<1x16xf32>,
      %swap3A_464 = vector.shape_cast %swap3A_463 : vector<1x16xf32> to vector<16xf32>
      %swap3A_465 = vector.shape_cast %scan3A_454#1 : vector<16xf32> to vector<1x16xf32>
      tpu.vector_store %arg11[%swap3A_461, %swap3A_462], %swap3A_465 {strides = array<i32>} : memref<64x128xf32, #tpu.memory_space<vmem>>, vector<1x16xf32>,
      %swap3A_466 = arith.index_cast %add3A_447 : i32 to index
      %swap3A_467 = arith.constant 32 : index
      %swap3A_468 = tpu.vector_load %arg11[%swap3A_466, %swap3A_467] {strides = array<i32>} : memref<64x128xf32, #tpu.memory_space<vmem>>, vector<1x16xf32>,
      %swap3A_469 = vector.shape_cast %swap3A_468 : vector<1x16xf32> to vector<16xf32>
      %swap3A_470 = vector.shape_cast %scan3A_454#2 : vector<16xf32> to vector<1x16xf32>
      tpu.vector_store %arg11[%swap3A_466, %swap3A_467], %swap3A_470 {strides = array<i32>} : memref<64x128xf32, #tpu.memory_space<vmem>>, vector<1x16xf32>,
      %swap3A_471 = arith.index_cast %add3A_447 : i32 to index
      %swap3A_472 = arith.constant 48 : index
      %swap3A_473 = tpu.vector_load %arg11[%swap3A_471, %swap3A_472] {strides = array<i32>} : memref<64x128xf32, #tpu.memory_space<vmem>>, vector<1x16xf32>,
      %swap3A_474 = vector.shape_cast %swap3A_473 : vector<1x16xf32> to vector<16xf32>
      %swap3A_475 = vector.shape_cast %scan3A_454#3 : vector<16xf32> to vector<1x16xf32>
      tpu.vector_store %arg11[%swap3A_471, %swap3A_472], %swap3A_475 {strides = array<i32>} : memref<64x128xf32, #tpu.memory_space<vmem>>, vector<1x16xf32>,
      %swap3A_476 = arith.index_cast %add3A_447 : i32 to index
      %swap3A_477 = arith.constant 64 : index
      %swap3A_478 = tpu.vector_load %arg11[%swap3A_476, %swap3A_477] {strides = array<i32>} : memref<64x128xf32, #tpu.memory_space<vmem>>, vector<1x16xf32>,
      %swap3A_479 = vector.shape_cast %swap3A_478 : vector<1x16xf32> to vector<16xf32>
      %swap3A_480 = vector.shape_cast %scan3A_454#4 : vector<16xf32> to vector<1x16xf32>
      tpu.vector_store %arg11[%swap3A_476, %swap3A_477], %swap3A_480 {strides = array<i32>} : memref<64x128xf32, #tpu.memory_space<vmem>>, vector<1x16xf32>,
      %swap3A_481 = arith.index_cast %add3A_447 : i32 to index
      %swap3A_482 = arith.constant 80 : index
      %swap3A_483 = tpu.vector_load %arg11[%swap3A_481, %swap3A_482] {strides = array<i32>} : memref<64x128xf32, #tpu.memory_space<vmem>>, vector<1x16xf32>,
      %swap3A_484 = vector.shape_cast %swap3A_483 : vector<1x16xf32> to vector<16xf32>
      %swap3A_485 = vector.shape_cast %scan3A_454#5 : vector<16xf32> to vector<1x16xf32>
      tpu.vector_store %arg11[%swap3A_481, %swap3A_482], %swap3A_485 {strides = array<i32>} : memref<64x128xf32, #tpu.memory_space<vmem>>, vector<1x16xf32>,
      %swap3A_486 = arith.index_cast %add3A_447 : i32 to index
      %swap3A_487 = arith.constant 96 : index
      %swap3A_488 = tpu.vector_load %arg11[%swap3A_486, %swap3A_487] {strides = array<i32>} : memref<64x128xf32, #tpu.memory_space<vmem>>, vector<1x16xf32>,
      %swap3A_489 = vector.shape_cast %swap3A_488 : vector<1x16xf32> to vector<16xf32>
      %swap3A_490 = vector.shape_cast %scan3A_454#6 : vector<16xf32> to vector<1x16xf32>
      tpu.vector_store %arg11[%swap3A_486, %swap3A_487], %swap3A_490 {strides = array<i32>} : memref<64x128xf32, #tpu.memory_space<vmem>>, vector<1x16xf32>,
      %swap3A_491 = arith.index_cast %add3A_447 : i32 to index
      %swap3A_492 = arith.constant 112 : index
      %swap3A_493 = tpu.vector_load %arg11[%swap3A_491, %swap3A_492] {strides = array<i32>} : memref<64x128xf32, #tpu.memory_space<vmem>>, vector<1x16xf32>,
      %swap3A_494 = vector.shape_cast %swap3A_493 : vector<1x16xf32> to vector<16xf32>
      %swap3A_495 = vector.shape_cast %scan3A_454#7 : vector<16xf32> to vector<1x16xf32>
      tpu.vector_store %arg11[%swap3A_491, %swap3A_492], %swap3A_495 {strides = array<i32>} : memref<64x128xf32, #tpu.memory_space<vmem>>, vector<1x16xf32>,
      %mul3A_496 = arith.constant 4 : i32
      %mul3A_497 = arith.muli %mul3A_496, %scan3A_346 : i32
      %add3A_498 = arith.constant 1 : i32
      %add3A_499 = arith.addi %mul3A_497, %add3A_498 : i32
      %add3A_500 = arith.constant 4 : i32
      %add3A_501 = arith.addi %add3A_499, %add3A_500 : i32
      %mul3A_502 = arith.constant 2 : i32
      %mul3A_503 = arith.muli %mul3A_502, %add3A_501 : i32
      %dma_start3A_504 = arith.constant 0 : i32
      %dma_start3A_505 = arith.constant 0 : i32
      %dma_start3A_506 = tpu.memref_slice %arg8[%dma_start3A_504, %dma_start3A_505] : memref<100x64xf32, #tpu.memory_space<vmem>> -> memref<50x64xf32, #tpu.memory_space<vmem>>
      %dma_start3A_507 = arith.constant 0 : i32
      %dma_start3A_508 = tpu.memref_slice %arg6[%mul3A_503, %dma_start3A_507] : memref<128x50xi32, #tpu.memory_space<vmem>> -> memref<1x50xi32, #tpu.memory_space<vmem>>
      %dma_start3A_509 = tpu.memref_squeeze %dma_start3A_508 : memref<1x50xi32, #tpu.memory_space<vmem>> -> memref<50xi32, #tpu.memory_space<vmem>>
      %dma_start3A_510 = arith.constant 0 : i32
      %dma_start3A_511 = arith.constant 0 : i32
      %dma_start3A_512 = tpu.memref_slice %arg3[%dma_start3A_510, %dma_start3A_511] : memref<100000x64xf32, #tpu.memory_space<hbm>> -> memref<100000x64xf32, #tpu.memory_space<hbm>>
      tpu.enqueue_indirect_dma source(%dma_start3A_512 : memref<100000x64xf32, #tpu.memory_space<hbm>>) target(%dma_start3A_506 : memref<50x64xf32, #tpu.memory_space<vmem>>) offsets(%dma_start3A_509 : memref<50xi32, #tpu.memory_space<vmem>>) semaphore(%arg13 : memref<!tpu.dma_semaphore, #tpu.memory_space<semaphore_mem>>)
      %mul3A_513 = arith.constant 2 : i32
      %mul3A_514 = arith.muli %mul3A_513, %add3A_501 : i32
      %add3A_515 = arith.constant 1 : i32
      %add3A_516 = arith.addi %mul3A_514, %add3A_515 : i32
      %dma_start3A_517 = arith.constant 50 : i32
      %dma_start3A_518 = arith.constant 0 : i32
      %dma_start3A_519 = tpu.memref_slice %arg8[%dma_start3A_517, %dma_start3A_518] : memref<100x64xf32, #tpu.memory_space<vmem>> -> memref<50x64xf32, #tpu.memory_space<vmem>>
      %dma_start3A_520 = arith.constant 0 : i32
      %dma_start3A_521 = tpu.memref_slice %arg6[%add3A_516, %dma_start3A_520] : memref<128x50xi32, #tpu.memory_space<vmem>> -> memref<1x50xi32, #tpu.memory_space<vmem>>
      %dma_start3A_522 = tpu.memref_squeeze %dma_start3A_521 : memref<1x50xi32, #tpu.memory_space<vmem>> -> memref<50xi32, #tpu.memory_space<vmem>>
      %dma_start3A_523 = arith.constant 0 : i32
      %dma_start3A_524 = arith.constant 0 : i32
      %dma_start3A_525 = tpu.memref_slice %arg3[%dma_start3A_523, %dma_start3A_524] : memref<100000x64xf32, #tpu.memory_space<hbm>> -> memref<100000x64xf32, #tpu.memory_space<hbm>>
      tpu.enqueue_indirect_dma source(%dma_start3A_525 : memref<100000x64xf32, #tpu.memory_space<hbm>>) target(%dma_start3A_519 : memref<50x64xf32, #tpu.memory_space<vmem>>) offsets(%dma_start3A_522 : memref<50xi32, #tpu.memory_space<vmem>>) semaphore(%arg13 : memref<!tpu.dma_semaphore, #tpu.memory_space<semaphore_mem>>)
      %dma_wait3A_526 = arith.constant 0 : i32
      %dma_wait3A_527 = arith.constant 0 : i32
      %dma_wait3A_528 = tpu.memref_slice %arg6[%dma_wait3A_526, %dma_wait3A_527] : memref<128x50xi32, #tpu.memory_space<vmem>> -> memref<1x50xi32, #tpu.memory_space<vmem>>
      %dma_wait3A_529 = tpu.memref_squeeze %dma_wait3A_528 : memref<1x50xi32, #tpu.memory_space<vmem>> -> memref<50xi32, #tpu.memory_space<vmem>>
      %dma_wait3A_530 = arith.constant 0 : i32
      %dma_wait3A_531 = arith.constant 0 : i32
      %dma_wait3A_532 = tpu.memref_slice %arg3[%dma_wait3A_530, %dma_wait3A_531] : memref<100000x64xf32, #tpu.memory_space<hbm>> -> memref<100000x64xf32, #tpu.memory_space<hbm>>
      tpu.wait_indirect_dma semaphore(%arg14 : memref<!tpu.dma_semaphore, #tpu.memory_space<semaphore_mem>>) src(%dma_wait3A_532 : memref<100000x64xf32, #tpu.memory_space<hbm>>) dst(%arg9 : memref<100x64xf32, #tpu.memory_space<vmem>>)
      %mul3A_533 = arith.constant 4 : i32
      %mul3A_534 = arith.muli %mul3A_533, %scan3A_346 : i32
      %add3A_535 = arith.constant 2 : i32
      %add3A_536 = arith.addi %mul3A_534, %add3A_535 : i32
      %broadcast_in_dim3A_537 = arith.constant 0.000000e+00 : f32
      %broadcast_in_dim3A_538 = vector.broadcast %broadcast_in_dim3A_537 : f32 to vector<16xf32>
      %scan3A_539 = arith.constant 0 : i32
      %scan3A_540 = arith.constant 25 : i32
      %scan3A_541 = arith.addi %scan3A_539, %scan3A_540 : i32
      %scan3A_542 = arith.constant 1 : i32
      %scan3A_543:8 = scf.for %scan3A_705 = %scan3A_539 to %scan3A_541 step %scan3A_542 iter_args(%scan3A_706 = %broadcast_in_dim3A_538, %scan3A_707 = %broadcast_in_dim3A_538, %scan3A_708 = %broadcast_in_dim3A_538, %scan3A_709 = %broadcast_in_dim3A_538, %scan3A_710 = %broadcast_in_dim3A_538, %scan3A_711 = %broadcast_in_dim3A_538, %scan3A_712 = %broadcast_in_dim3A_538, %scan3A_713 = %broadcast_in_dim3A_538) -> (vector<16xf32>, vector<16xf32>, vector<16xf32>, vector<16xf32>, vector<16xf32>, vector<16xf32>, vector<16xf32>, vector<16xf32>)  : i32 {
        %mul3A_714 = arith.constant 2 : i32
        %mul3A_715 = arith.muli %mul3A_714, %scan3A_705 : i32
        %add3A_716 = arith.constant 0 : i32
        %add3A_717 = arith.addi %add3A_716, %mul3A_715 : i32
        %add3A_718 = arith.constant 0 : i32
        %add3A_719 = arith.addi %add3A_717, %add3A_718 : i32
        %get3A = arith.index_cast %add3A_719 : i32 to index
        %get3A_720 = arith.constant 0 : index
        %get3A_721 = tpu.vector_load %arg9[%get3A, %get3A_720] {strides = array<i32>} : memref<100x64xf32, #tpu.memory_space<vmem>>, vector<1x16xf32>,
        %get3A_722 = vector.shape_cast %get3A_721 : vector<1x16xf32> to vector<16xf32>
        %add3A_723 = arith.addf %scan3A_706, %get3A_722 : vector<16xf32>
        %mul3A_724 = arith.constant 2 : i32
        %mul3A_725 = arith.muli %mul3A_724, %scan3A_705 : i32
        %add3A_726 = arith.constant 0 : i32
        %add3A_727 = arith.addi %add3A_726, %mul3A_725 : i32
        %add3A_728 = arith.constant 0 : i32
        %add3A_729 = arith.addi %add3A_727, %add3A_728 : i32
        %get3A_730 = arith.index_cast %add3A_729 : i32 to index
        %get3A_731 = arith.constant 16 : index
        %get3A_732 = tpu.vector_load %arg9[%get3A_730, %get3A_731] {strides = array<i32>} : memref<100x64xf32, #tpu.memory_space<vmem>>, vector<1x16xf32>,
        %get3A_733 = vector.shape_cast %get3A_732 : vector<1x16xf32> to vector<16xf32>
        %add3A_734 = arith.addf %scan3A_707, %get3A_733 : vector<16xf32>
        %mul3A_735 = arith.constant 2 : i32
        %mul3A_736 = arith.muli %mul3A_735, %scan3A_705 : i32
        %add3A_737 = arith.constant 0 : i32
        %add3A_738 = arith.addi %add3A_737, %mul3A_736 : i32
        %add3A_739 = arith.constant 0 : i32
        %add3A_740 = arith.addi %add3A_738, %add3A_739 : i32
        %get3A_741 = arith.index_cast %add3A_740 : i32 to index
        %get3A_742 = arith.constant 32 : index
        %get3A_743 = tpu.vector_load %arg9[%get3A_741, %get3A_742] {strides = array<i32>} : memref<100x64xf32, #tpu.memory_space<vmem>>, vector<1x16xf32>,
        %get3A_744 = vector.shape_cast %get3A_743 : vector<1x16xf32> to vector<16xf32>
        %add3A_745 = arith.addf %scan3A_708, %get3A_744 : vector<16xf32>
        %mul3A_746 = arith.constant 2 : i32
        %mul3A_747 = arith.muli %mul3A_746, %scan3A_705 : i32
        %add3A_748 = arith.constant 0 : i32
        %add3A_749 = arith.addi %add3A_748, %mul3A_747 : i32
        %add3A_750 = arith.constant 0 : i32
        %add3A_751 = arith.addi %add3A_749, %add3A_750 : i32
        %get3A_752 = arith.index_cast %add3A_751 : i32 to index
        %get3A_753 = arith.constant 48 : index
        %get3A_754 = tpu.vector_load %arg9[%get3A_752, %get3A_753] {strides = array<i32>} : memref<100x64xf32, #tpu.memory_space<vmem>>, vector<1x16xf32>,
        %get3A_755 = vector.shape_cast %get3A_754 : vector<1x16xf32> to vector<16xf32>
        %add3A_756 = arith.addf %scan3A_709, %get3A_755 : vector<16xf32>
        %mul3A_757 = arith.constant 2 : i32
        %mul3A_758 = arith.muli %mul3A_757, %scan3A_705 : i32
        %add3A_759 = arith.constant 50 : i32
        %add3A_760 = arith.addi %add3A_759, %mul3A_758 : i32
        %add3A_761 = arith.constant 0 : i32
        %add3A_762 = arith.addi %add3A_760, %add3A_761 : i32
        %get3A_763 = arith.index_cast %add3A_762 : i32 to index
        %get3A_764 = arith.constant 0 : index
        %get3A_765 = tpu.vector_load %arg9[%get3A_763, %get3A_764] {strides = array<i32>} : memref<100x64xf32, #tpu.memory_space<vmem>>, vector<1x16xf32>,
        %get3A_766 = vector.shape_cast %get3A_765 : vector<1x16xf32> to vector<16xf32>
        %add3A_767 = arith.addf %scan3A_710, %get3A_766 : vector<16xf32>
        %mul3A_768 = arith.constant 2 : i32
        %mul3A_769 = arith.muli %mul3A_768, %scan3A_705 : i32
        %add3A_770 = arith.constant 50 : i32
        %add3A_771 = arith.addi %add3A_770, %mul3A_769 : i32
        %add3A_772 = arith.constant 0 : i32
        %add3A_773 = arith.addi %add3A_771, %add3A_772 : i32
        %get3A_774 = arith.index_cast %add3A_773 : i32 to index
        %get3A_775 = arith.constant 16 : index
        %get3A_776 = tpu.vector_load %arg9[%get3A_774, %get3A_775] {strides = array<i32>} : memref<100x64xf32, #tpu.memory_space<vmem>>, vector<1x16xf32>,
        %get3A_777 = vector.shape_cast %get3A_776 : vector<1x16xf32> to vector<16xf32>
        %add3A_778 = arith.addf %scan3A_711, %get3A_777 : vector<16xf32>
        %mul3A_779 = arith.constant 2 : i32
        %mul3A_780 = arith.muli %mul3A_779, %scan3A_705 : i32
        %add3A_781 = arith.constant 50 : i32
        %add3A_782 = arith.addi %add3A_781, %mul3A_780 : i32
        %add3A_783 = arith.constant 0 : i32
        %add3A_784 = arith.addi %add3A_782, %add3A_783 : i32
        %get3A_785 = arith.index_cast %add3A_784 : i32 to index
        %get3A_786 = arith.constant 32 : index
        %get3A_787 = tpu.vector_load %arg9[%get3A_785, %get3A_786] {strides = array<i32>} : memref<100x64xf32, #tpu.memory_space<vmem>>, vector<1x16xf32>,
        %get3A_788 = vector.shape_cast %get3A_787 : vector<1x16xf32> to vector<16xf32>
        %add3A_789 = arith.addf %scan3A_712, %get3A_788 : vector<16xf32>
        %mul3A_790 = arith.constant 2 : i32
        %mul3A_791 = arith.muli %mul3A_790, %scan3A_705 : i32
        %add3A_792 = arith.constant 50 : i32
        %add3A_793 = arith.addi %add3A_792, %mul3A_791 : i32
        %add3A_794 = arith.constant 0 : i32
        %add3A_795 = arith.addi %add3A_793, %add3A_794 : i32
        %get3A_796 = arith.index_cast %add3A_795 : i32 to index
        %get3A_797 = arith.constant 48 : index
        %get3A_798 = tpu.vector_load %arg9[%get3A_796, %get3A_797] {strides = array<i32>} : memref<100x64xf32, #tpu.memory_space<vmem>>, vector<1x16xf32>,
        %get3A_799 = vector.shape_cast %get3A_798 : vector<1x16xf32> to vector<16xf32>
        %add3A_800 = arith.addf %scan3A_713, %get3A_799 : vector<16xf32>
        %mul3A_801 = arith.constant 2 : i32
        %mul3A_802 = arith.muli %mul3A_801, %scan3A_705 : i32
        %add3A_803 = arith.constant 0 : i32
        %add3A_804 = arith.addi %add3A_803, %mul3A_802 : i32
        %add3A_805 = arith.constant 1 : i32
        %add3A_806 = arith.addi %add3A_804, %add3A_805 : i32
        %get3A_807 = arith.index_cast %add3A_806 : i32 to index
        %get3A_808 = arith.constant 0 : index
        %get3A_809 = tpu.vector_load %arg9[%get3A_807, %get3A_808] {strides = array<i32>} : memref<100x64xf32, #tpu.memory_space<vmem>>, vector<1x16xf32>,
        %get3A_810 = vector.shape_cast %get3A_809 : vector<1x16xf32> to vector<16xf32>
        %add3A_811 = arith.addf %add3A_723, %get3A_810 : vector<16xf32>
        %mul3A_812 = arith.constant 2 : i32
        %mul3A_813 = arith.muli %mul3A_812, %scan3A_705 : i32
        %add3A_814 = arith.constant 0 : i32
        %add3A_815 = arith.addi %add3A_814, %mul3A_813 : i32
        %add3A_816 = arith.constant 1 : i32
        %add3A_817 = arith.addi %add3A_815, %add3A_816 : i32
        %get3A_818 = arith.index_cast %add3A_817 : i32 to index
        %get3A_819 = arith.constant 16 : index
        %get3A_820 = tpu.vector_load %arg9[%get3A_818, %get3A_819] {strides = array<i32>} : memref<100x64xf32, #tpu.memory_space<vmem>>, vector<1x16xf32>,
        %get3A_821 = vector.shape_cast %get3A_820 : vector<1x16xf32> to vector<16xf32>
        %add3A_822 = arith.addf %add3A_734, %get3A_821 : vector<16xf32>
        %mul3A_823 = arith.constant 2 : i32
        %mul3A_824 = arith.muli %mul3A_823, %scan3A_705 : i32
        %add3A_825 = arith.constant 0 : i32
        %add3A_826 = arith.addi %add3A_825, %mul3A_824 : i32
        %add3A_827 = arith.constant 1 : i32
        %add3A_828 = arith.addi %add3A_826, %add3A_827 : i32
        %get3A_829 = arith.index_cast %add3A_828 : i32 to index
        %get3A_830 = arith.constant 32 : index
        %get3A_831 = tpu.vector_load %arg9[%get3A_829, %get3A_830] {strides = array<i32>} : memref<100x64xf32, #tpu.memory_space<vmem>>, vector<1x16xf32>,
        %get3A_832 = vector.shape_cast %get3A_831 : vector<1x16xf32> to vector<16xf32>
        %add3A_833 = arith.addf %add3A_745, %get3A_832 : vector<16xf32>
        %mul3A_834 = arith.constant 2 : i32
        %mul3A_835 = arith.muli %mul3A_834, %scan3A_705 : i32
        %add3A_836 = arith.constant 0 : i32
        %add3A_837 = arith.addi %add3A_836, %mul3A_835 : i32
        %add3A_838 = arith.constant 1 : i32
        %add3A_839 = arith.addi %add3A_837, %add3A_838 : i32
        %get3A_840 = arith.index_cast %add3A_839 : i32 to index
        %get3A_841 = arith.constant 48 : index
        %get3A_842 = tpu.vector_load %arg9[%get3A_840, %get3A_841] {strides = array<i32>} : memref<100x64xf32, #tpu.memory_space<vmem>>, vector<1x16xf32>,
        %get3A_843 = vector.shape_cast %get3A_842 : vector<1x16xf32> to vector<16xf32>
        %add3A_844 = arith.addf %add3A_756, %get3A_843 : vector<16xf32>
        %mul3A_845 = arith.constant 2 : i32
        %mul3A_846 = arith.muli %mul3A_845, %scan3A_705 : i32
        %add3A_847 = arith.constant 50 : i32
        %add3A_848 = arith.addi %add3A_847, %mul3A_846 : i32
        %add3A_849 = arith.constant 1 : i32
        %add3A_850 = arith.addi %add3A_848, %add3A_849 : i32
        %get3A_851 = arith.index_cast %add3A_850 : i32 to index
        %get3A_852 = arith.constant 0 : index
        %get3A_853 = tpu.vector_load %arg9[%get3A_851, %get3A_852] {strides = array<i32>} : memref<100x64xf32, #tpu.memory_space<vmem>>, vector<1x16xf32>,
        %get3A_854 = vector.shape_cast %get3A_853 : vector<1x16xf32> to vector<16xf32>
        %add3A_855 = arith.addf %add3A_767, %get3A_854 : vector<16xf32>
        %mul3A_856 = arith.constant 2 : i32
        %mul3A_857 = arith.muli %mul3A_856, %scan3A_705 : i32
        %add3A_858 = arith.constant 50 : i32
        %add3A_859 = arith.addi %add3A_858, %mul3A_857 : i32
        %add3A_860 = arith.constant 1 : i32
        %add3A_861 = arith.addi %add3A_859, %add3A_860 : i32
        %get3A_862 = arith.index_cast %add3A_861 : i32 to index
        %get3A_863 = arith.constant 16 : index
        %get3A_864 = tpu.vector_load %arg9[%get3A_862, %get3A_863] {strides = array<i32>} : memref<100x64xf32, #tpu.memory_space<vmem>>, vector<1x16xf32>,
        %get3A_865 = vector.shape_cast %get3A_864 : vector<1x16xf32> to vector<16xf32>
        %add3A_866 = arith.addf %add3A_778, %get3A_865 : vector<16xf32>
        %mul3A_867 = arith.constant 2 : i32
        %mul3A_868 = arith.muli %mul3A_867, %scan3A_705 : i32
        %add3A_869 = arith.constant 50 : i32
        %add3A_870 = arith.addi %add3A_869, %mul3A_868 : i32
        %add3A_871 = arith.constant 1 : i32
        %add3A_872 = arith.addi %add3A_870, %add3A_871 : i32
        %get3A_873 = arith.index_cast %add3A_872 : i32 to index
        %get3A_874 = arith.constant 32 : index
        %get3A_875 = tpu.vector_load %arg9[%get3A_873, %get3A_874] {strides = array<i32>} : memref<100x64xf32, #tpu.memory_space<vmem>>, vector<1x16xf32>,
        %get3A_876 = vector.shape_cast %get3A_875 : vector<1x16xf32> to vector<16xf32>
        %add3A_877 = arith.addf %add3A_789, %get3A_876 : vector<16xf32>
        %mul3A_878 = arith.constant 2 : i32
        %mul3A_879 = arith.muli %mul3A_878, %scan3A_705 : i32
        %add3A_880 = arith.constant 50 : i32
        %add3A_881 = arith.addi %add3A_880, %mul3A_879 : i32
        %add3A_882 = arith.constant 1 : i32
        %add3A_883 = arith.addi %add3A_881, %add3A_882 : i32
        %get3A_884 = arith.index_cast %add3A_883 : i32 to index
        %get3A_885 = arith.constant 48 : index
        %get3A_886 = tpu.vector_load %arg9[%get3A_884, %get3A_885] {strides = array<i32>} : memref<100x64xf32, #tpu.memory_space<vmem>>, vector<1x16xf32>,
        %get3A_887 = vector.shape_cast %get3A_886 : vector<1x16xf32> to vector<16xf32>
        %add3A_888 = arith.addf %add3A_800, %get3A_887 : vector<16xf32>
        scf.yield %add3A_811, %add3A_822, %add3A_833, %add3A_844, %add3A_855, %add3A_866, %add3A_877, %add3A_888 : vector<16xf32>, vector<16xf32>, vector<16xf32>, vector<16xf32>, vector<16xf32>, vector<16xf32>, vector<16xf32>, vector<16xf32>
      }
      %scan3A_544 = arith.constant 25 : i32
      %swap3A_545 = arith.index_cast %add3A_536 : i32 to index
      %swap3A_546 = arith.constant 0 : index
      %swap3A_547 = tpu.vector_load %arg11[%swap3A_545, %swap3A_546] {strides = array<i32>} : memref<64x128xf32, #tpu.memory_space<vmem>>, vector<1x16xf32>,
      %swap3A_548 = vector.shape_cast %swap3A_547 : vector<1x16xf32> to vector<16xf32>
      %swap3A_549 = vector.shape_cast %scan3A_543#0 : vector<16xf32> to vector<1x16xf32>
      tpu.vector_store %arg11[%swap3A_545, %swap3A_546], %swap3A_549 {strides = array<i32>} : memref<64x128xf32, #tpu.memory_space<vmem>>, vector<1x16xf32>,
      %swap3A_550 = arith.index_cast %add3A_536 : i32 to index
      %swap3A_551 = arith.constant 16 : index
      %swap3A_552 = tpu.vector_load %arg11[%swap3A_550, %swap3A_551] {strides = array<i32>} : memref<64x128xf32, #tpu.memory_space<vmem>>, vector<1x16xf32>,
      %swap3A_553 = vector.shape_cast %swap3A_552 : vector<1x16xf32> to vector<16xf32>
      %swap3A_554 = vector.shape_cast %scan3A_543#1 : vector<16xf32> to vector<1x16xf32>
      tpu.vector_store %arg11[%swap3A_550, %swap3A_551], %swap3A_554 {strides = array<i32>} : memref<64x128xf32, #tpu.memory_space<vmem>>, vector<1x16xf32>,
      %swap3A_555 = arith.index_cast %add3A_536 : i32 to index
      %swap3A_556 = arith.constant 32 : index
      %swap3A_557 = tpu.vector_load %arg11[%swap3A_555, %swap3A_556] {strides = array<i32>} : memref<64x128xf32, #tpu.memory_space<vmem>>, vector<1x16xf32>,
      %swap3A_558 = vector.shape_cast %swap3A_557 : vector<1x16xf32> to vector<16xf32>
      %swap3A_559 = vector.shape_cast %scan3A_543#2 : vector<16xf32> to vector<1x16xf32>
      tpu.vector_store %arg11[%swap3A_555, %swap3A_556], %swap3A_559 {strides = array<i32>} : memref<64x128xf32, #tpu.memory_space<vmem>>, vector<1x16xf32>,
      %swap3A_560 = arith.index_cast %add3A_536 : i32 to index
      %swap3A_561 = arith.constant 48 : index
      %swap3A_562 = tpu.vector_load %arg11[%swap3A_560, %swap3A_561] {strides = array<i32>} : memref<64x128xf32, #tpu.memory_space<vmem>>, vector<1x16xf32>,
      %swap3A_563 = vector.shape_cast %swap3A_562 : vector<1x16xf32> to vector<16xf32>
      %swap3A_564 = vector.shape_cast %scan3A_543#3 : vector<16xf32> to vector<1x16xf32>
      tpu.vector_store %arg11[%swap3A_560, %swap3A_561], %swap3A_564 {strides = array<i32>} : memref<64x128xf32, #tpu.memory_space<vmem>>, vector<1x16xf32>,
      %swap3A_565 = arith.index_cast %add3A_536 : i32 to index
      %swap3A_566 = arith.constant 64 : index
      %swap3A_567 = tpu.vector_load %arg11[%swap3A_565, %swap3A_566] {strides = array<i32>} : memref<64x128xf32, #tpu.memory_space<vmem>>, vector<1x16xf32>,
      %swap3A_568 = vector.shape_cast %swap3A_567 : vector<1x16xf32> to vector<16xf32>
      %swap3A_569 = vector.shape_cast %scan3A_543#4 : vector<16xf32> to vector<1x16xf32>
      tpu.vector_store %arg11[%swap3A_565, %swap3A_566], %swap3A_569 {strides = array<i32>} : memref<64x128xf32, #tpu.memory_space<vmem>>, vector<1x16xf32>,
      %swap3A_570 = arith.index_cast %add3A_536 : i32 to index
      %swap3A_571 = arith.constant 80 : index
      %swap3A_572 = tpu.vector_load %arg11[%swap3A_570, %swap3A_571] {strides = array<i32>} : memref<64x128xf32, #tpu.memory_space<vmem>>, vector<1x16xf32>,
      %swap3A_573 = vector.shape_cast %swap3A_572 : vector<1x16xf32> to vector<16xf32>
      %swap3A_574 = vector.shape_cast %scan3A_543#5 : vector<16xf32> to vector<1x16xf32>
      tpu.vector_store %arg11[%swap3A_570, %swap3A_571], %swap3A_574 {strides = array<i32>} : memref<64x128xf32, #tpu.memory_space<vmem>>, vector<1x16xf32>,
      %swap3A_575 = arith.index_cast %add3A_536 : i32 to index
      %swap3A_576 = arith.constant 96 : index
      %swap3A_577 = tpu.vector_load %arg11[%swap3A_575, %swap3A_576] {strides = array<i32>} : memref<64x128xf32, #tpu.memory_space<vmem>>, vector<1x16xf32>,
      %swap3A_578 = vector.shape_cast %swap3A_577 : vector<1x16xf32> to vector<16xf32>
      %swap3A_579 = vector.shape_cast %scan3A_543#6 : vector<16xf32> to vector<1x16xf32>
      tpu.vector_store %arg11[%swap3A_575, %swap3A_576], %swap3A_579 {strides = array<i32>} : memref<64x128xf32, #tpu.memory_space<vmem>>, vector<1x16xf32>,
      %swap3A_580 = arith.index_cast %add3A_536 : i32 to index
      %swap3A_581 = arith.constant 112 : index
      %swap3A_582 = tpu.vector_load %arg11[%swap3A_580, %swap3A_581] {strides = array<i32>} : memref<64x128xf32, #tpu.memory_space<vmem>>, vector<1x16xf32>,
      %swap3A_583 = vector.shape_cast %swap3A_582 : vector<1x16xf32> to vector<16xf32>
      %swap3A_584 = vector.shape_cast %scan3A_543#7 : vector<16xf32> to vector<1x16xf32>
      tpu.vector_store %arg11[%swap3A_580, %swap3A_581], %swap3A_584 {strides = array<i32>} : memref<64x128xf32, #tpu.memory_space<vmem>>, vector<1x16xf32>,
      %mul3A_585 = arith.constant 4 : i32
      %mul3A_586 = arith.muli %mul3A_585, %scan3A_346 : i32
      %add3A_587 = arith.constant 2 : i32
      %add3A_588 = arith.addi %mul3A_586, %add3A_587 : i32
      %add3A_589 = arith.constant 4 : i32
      %add3A_590 = arith.addi %add3A_588, %add3A_589 : i32
      %mul3A_591 = arith.constant 2 : i32
      %mul3A_592 = arith.muli %mul3A_591, %add3A_590 : i32
      %dma_start3A_593 = arith.constant 0 : i32
      %dma_start3A_594 = arith.constant 0 : i32
      %dma_start3A_595 = tpu.memref_slice %arg9[%dma_start3A_593, %dma_start3A_594] : memref<100x64xf32, #tpu.memory_space<vmem>> -> memref<50x64xf32, #tpu.memory_space<vmem>>
      %dma_start3A_596 = arith.constant 0 : i32
      %dma_start3A_597 = tpu.memref_slice %arg6[%mul3A_592, %dma_start3A_596] : memref<128x50xi32, #tpu.memory_space<vmem>> -> memref<1x50xi32, #tpu.memory_space<vmem>>
      %dma_start3A_598 = tpu.memref_squeeze %dma_start3A_597 : memref<1x50xi32, #tpu.memory_space<vmem>> -> memref<50xi32, #tpu.memory_space<vmem>>
      %dma_start3A_599 = arith.constant 0 : i32
      %dma_start3A_600 = arith.constant 0 : i32
      %dma_start3A_601 = tpu.memref_slice %arg3[%dma_start3A_599, %dma_start3A_600] : memref<100000x64xf32, #tpu.memory_space<hbm>> -> memref<100000x64xf32, #tpu.memory_space<hbm>>
      tpu.enqueue_indirect_dma source(%dma_start3A_601 : memref<100000x64xf32, #tpu.memory_space<hbm>>) target(%dma_start3A_595 : memref<50x64xf32, #tpu.memory_space<vmem>>) offsets(%dma_start3A_598 : memref<50xi32, #tpu.memory_space<vmem>>) semaphore(%arg14 : memref<!tpu.dma_semaphore, #tpu.memory_space<semaphore_mem>>)
      %mul3A_602 = arith.constant 2 : i32
      %mul3A_603 = arith.muli %mul3A_602, %add3A_590 : i32
      %add3A_604 = arith.constant 1 : i32
      %add3A_605 = arith.addi %mul3A_603, %add3A_604 : i32
      %dma_start3A_606 = arith.constant 50 : i32
      %dma_start3A_607 = arith.constant 0 : i32
      %dma_start3A_608 = tpu.memref_slice %arg9[%dma_start3A_606, %dma_start3A_607] : memref<100x64xf32, #tpu.memory_space<vmem>> -> memref<50x64xf32, #tpu.memory_space<vmem>>
      %dma_start3A_609 = arith.constant 0 : i32
      %dma_start3A_610 = tpu.memref_slice %arg6[%add3A_605, %dma_start3A_609] : memref<128x50xi32, #tpu.memory_space<vmem>> -> memref<1x50xi32, #tpu.memory_space<vmem>>
      %dma_start3A_611 = tpu.memref_squeeze %dma_start3A_610 : memref<1x50xi32, #tpu.memory_space<vmem>> -> memref<50xi32, #tpu.memory_space<vmem>>
      %dma_start3A_612 = arith.constant 0 : i32
      %dma_start3A_613 = arith.constant 0 : i32
      %dma_start3A_614 = tpu.memref_slice %arg3[%dma_start3A_612, %dma_start3A_613] : memref<100000x64xf32, #tpu.memory_space<hbm>> -> memref<100000x64xf32, #tpu.memory_space<hbm>>
      tpu.enqueue_indirect_dma source(%dma_start3A_614 : memref<100000x64xf32, #tpu.memory_space<hbm>>) target(%dma_start3A_608 : memref<50x64xf32, #tpu.memory_space<vmem>>) offsets(%dma_start3A_611 : memref<50xi32, #tpu.memory_space<vmem>>) semaphore(%arg14 : memref<!tpu.dma_semaphore, #tpu.memory_space<semaphore_mem>>)
      %dma_wait3A_615 = arith.constant 0 : i32
      %dma_wait3A_616 = arith.constant 0 : i32
      %dma_wait3A_617 = tpu.memref_slice %arg6[%dma_wait3A_615, %dma_wait3A_616] : memref<128x50xi32, #tpu.memory_space<vmem>> -> memref<1x50xi32, #tpu.memory_space<vmem>>
      %dma_wait3A_618 = tpu.memref_squeeze %dma_wait3A_617 : memref<1x50xi32, #tpu.memory_space<vmem>> -> memref<50xi32, #tpu.memory_space<vmem>>
      %dma_wait3A_619 = arith.constant 0 : i32
      %dma_wait3A_620 = arith.constant 0 : i32
      %dma_wait3A_621 = tpu.memref_slice %arg3[%dma_wait3A_619, %dma_wait3A_620] : memref<100000x64xf32, #tpu.memory_space<hbm>> -> memref<100000x64xf32, #tpu.memory_space<hbm>>
      tpu.wait_indirect_dma semaphore(%arg15 : memref<!tpu.dma_semaphore, #tpu.memory_space<semaphore_mem>>) src(%dma_wait3A_621 : memref<100000x64xf32, #tpu.memory_space<hbm>>) dst(%arg10 : memref<100x64xf32, #tpu.memory_space<vmem>>)
      %mul3A_622 = arith.constant 4 : i32
      %mul3A_623 = arith.muli %mul3A_622, %scan3A_346 : i32
      %add3A_624 = arith.constant 3 : i32
      %add3A_625 = arith.addi %mul3A_623, %add3A_624 : i32
      %broadcast_in_dim3A_626 = arith.constant 0.000000e+00 : f32
      %broadcast_in_dim3A_627 = vector.broadcast %broadcast_in_dim3A_626 : f32 to vector<16xf32>
      %scan3A_628 = arith.constant 0 : i32
      %scan3A_629 = arith.constant 25 : i32
      %scan3A_630 = arith.addi %scan3A_628, %scan3A_629 : i32
      %scan3A_631 = arith.constant 1 : i32
      %scan3A_632:8 = scf.for %scan3A_705 = %scan3A_628 to %scan3A_630 step %scan3A_631 iter_args(%scan3A_706 = %broadcast_in_dim3A_627, %scan3A_707 = %broadcast_in_dim3A_627, %scan3A_708 = %broadcast_in_dim3A_627, %scan3A_709 = %broadcast_in_dim3A_627, %scan3A_710 = %broadcast_in_dim3A_627, %scan3A_711 = %broadcast_in_dim3A_627, %scan3A_712 = %broadcast_in_dim3A_627, %scan3A_713 = %broadcast_in_dim3A_627) -> (vector<16xf32>, vector<16xf32>, vector<16xf32>, vector<16xf32>, vector<16xf32>, vector<16xf32>, vector<16xf32>, vector<16xf32>)  : i32 {
        %mul3A_714 = arith.constant 2 : i32
        %mul3A_715 = arith.muli %mul3A_714, %scan3A_705 : i32
        %add3A_716 = arith.constant 0 : i32
        %add3A_717 = arith.addi %add3A_716, %mul3A_715 : i32
        %add3A_718 = arith.constant 0 : i32
        %add3A_719 = arith.addi %add3A_717, %add3A_718 : i32
        %get3A = arith.index_cast %add3A_719 : i32 to index
        %get3A_720 = arith.constant 0 : index
        %get3A_721 = tpu.vector_load %arg10[%get3A, %get3A_720] {strides = array<i32>} : memref<100x64xf32, #tpu.memory_space<vmem>>, vector<1x16xf32>,
        %get3A_722 = vector.shape_cast %get3A_721 : vector<1x16xf32> to vector<16xf32>
        %add3A_723 = arith.addf %scan3A_706, %get3A_722 : vector<16xf32>
        %mul3A_724 = arith.constant 2 : i32
        %mul3A_725 = arith.muli %mul3A_724, %scan3A_705 : i32
        %add3A_726 = arith.constant 0 : i32
        %add3A_727 = arith.addi %add3A_726, %mul3A_725 : i32
        %add3A_728 = arith.constant 0 : i32
        %add3A_729 = arith.addi %add3A_727, %add3A_728 : i32
        %get3A_730 = arith.index_cast %add3A_729 : i32 to index
        %get3A_731 = arith.constant 16 : index
        %get3A_732 = tpu.vector_load %arg10[%get3A_730, %get3A_731] {strides = array<i32>} : memref<100x64xf32, #tpu.memory_space<vmem>>, vector<1x16xf32>,
        %get3A_733 = vector.shape_cast %get3A_732 : vector<1x16xf32> to vector<16xf32>
        %add3A_734 = arith.addf %scan3A_707, %get3A_733 : vector<16xf32>
        %mul3A_735 = arith.constant 2 : i32
        %mul3A_736 = arith.muli %mul3A_735, %scan3A_705 : i32
        %add3A_737 = arith.constant 0 : i32
        %add3A_738 = arith.addi %add3A_737, %mul3A_736 : i32
        %add3A_739 = arith.constant 0 : i32
        %add3A_740 = arith.addi %add3A_738, %add3A_739 : i32
        %get3A_741 = arith.index_cast %add3A_740 : i32 to index
        %get3A_742 = arith.constant 32 : index
        %get3A_743 = tpu.vector_load %arg10[%get3A_741, %get3A_742] {strides = array<i32>} : memref<100x64xf32, #tpu.memory_space<vmem>>, vector<1x16xf32>,
        %get3A_744 = vector.shape_cast %get3A_743 : vector<1x16xf32> to vector<16xf32>
        %add3A_745 = arith.addf %scan3A_708, %get3A_744 : vector<16xf32>
        %mul3A_746 = arith.constant 2 : i32
        %mul3A_747 = arith.muli %mul3A_746, %scan3A_705 : i32
        %add3A_748 = arith.constant 0 : i32
        %add3A_749 = arith.addi %add3A_748, %mul3A_747 : i32
        %add3A_750 = arith.constant 0 : i32
        %add3A_751 = arith.addi %add3A_749, %add3A_750 : i32
        %get3A_752 = arith.index_cast %add3A_751 : i32 to index
        %get3A_753 = arith.constant 48 : index
        %get3A_754 = tpu.vector_load %arg10[%get3A_752, %get3A_753] {strides = array<i32>} : memref<100x64xf32, #tpu.memory_space<vmem>>, vector<1x16xf32>,
        %get3A_755 = vector.shape_cast %get3A_754 : vector<1x16xf32> to vector<16xf32>
        %add3A_756 = arith.addf %scan3A_709, %get3A_755 : vector<16xf32>
        %mul3A_757 = arith.constant 2 : i32
        %mul3A_758 = arith.muli %mul3A_757, %scan3A_705 : i32
        %add3A_759 = arith.constant 50 : i32
        %add3A_760 = arith.addi %add3A_759, %mul3A_758 : i32
        %add3A_761 = arith.constant 0 : i32
        %add3A_762 = arith.addi %add3A_760, %add3A_761 : i32
        %get3A_763 = arith.index_cast %add3A_762 : i32 to index
        %get3A_764 = arith.constant 0 : index
        %get3A_765 = tpu.vector_load %arg10[%get3A_763, %get3A_764] {strides = array<i32>} : memref<100x64xf32, #tpu.memory_space<vmem>>, vector<1x16xf32>,
        %get3A_766 = vector.shape_cast %get3A_765 : vector<1x16xf32> to vector<16xf32>
        %add3A_767 = arith.addf %scan3A_710, %get3A_766 : vector<16xf32>
        %mul3A_768 = arith.constant 2 : i32
        %mul3A_769 = arith.muli %mul3A_768, %scan3A_705 : i32
        %add3A_770 = arith.constant 50 : i32
        %add3A_771 = arith.addi %add3A_770, %mul3A_769 : i32
        %add3A_772 = arith.constant 0 : i32
        %add3A_773 = arith.addi %add3A_771, %add3A_772 : i32
        %get3A_774 = arith.index_cast %add3A_773 : i32 to index
        %get3A_775 = arith.constant 16 : index
        %get3A_776 = tpu.vector_load %arg10[%get3A_774, %get3A_775] {strides = array<i32>} : memref<100x64xf32, #tpu.memory_space<vmem>>, vector<1x16xf32>,
        %get3A_777 = vector.shape_cast %get3A_776 : vector<1x16xf32> to vector<16xf32>
        %add3A_778 = arith.addf %scan3A_711, %get3A_777 : vector<16xf32>
        %mul3A_779 = arith.constant 2 : i32
        %mul3A_780 = arith.muli %mul3A_779, %scan3A_705 : i32
        %add3A_781 = arith.constant 50 : i32
        %add3A_782 = arith.addi %add3A_781, %mul3A_780 : i32
        %add3A_783 = arith.constant 0 : i32
        %add3A_784 = arith.addi %add3A_782, %add3A_783 : i32
        %get3A_785 = arith.index_cast %add3A_784 : i32 to index
        %get3A_786 = arith.constant 32 : index
        %get3A_787 = tpu.vector_load %arg10[%get3A_785, %get3A_786] {strides = array<i32>} : memref<100x64xf32, #tpu.memory_space<vmem>>, vector<1x16xf32>,
        %get3A_788 = vector.shape_cast %get3A_787 : vector<1x16xf32> to vector<16xf32>
        %add3A_789 = arith.addf %scan3A_712, %get3A_788 : vector<16xf32>
        %mul3A_790 = arith.constant 2 : i32
        %mul3A_791 = arith.muli %mul3A_790, %scan3A_705 : i32
        %add3A_792 = arith.constant 50 : i32
        %add3A_793 = arith.addi %add3A_792, %mul3A_791 : i32
        %add3A_794 = arith.constant 0 : i32
        %add3A_795 = arith.addi %add3A_793, %add3A_794 : i32
        %get3A_796 = arith.index_cast %add3A_795 : i32 to index
        %get3A_797 = arith.constant 48 : index
        %get3A_798 = tpu.vector_load %arg10[%get3A_796, %get3A_797] {strides = array<i32>} : memref<100x64xf32, #tpu.memory_space<vmem>>, vector<1x16xf32>,
        %get3A_799 = vector.shape_cast %get3A_798 : vector<1x16xf32> to vector<16xf32>
        %add3A_800 = arith.addf %scan3A_713, %get3A_799 : vector<16xf32>
        %mul3A_801 = arith.constant 2 : i32
        %mul3A_802 = arith.muli %mul3A_801, %scan3A_705 : i32
        %add3A_803 = arith.constant 0 : i32
        %add3A_804 = arith.addi %add3A_803, %mul3A_802 : i32
        %add3A_805 = arith.constant 1 : i32
        %add3A_806 = arith.addi %add3A_804, %add3A_805 : i32
        %get3A_807 = arith.index_cast %add3A_806 : i32 to index
        %get3A_808 = arith.constant 0 : index
        %get3A_809 = tpu.vector_load %arg10[%get3A_807, %get3A_808] {strides = array<i32>} : memref<100x64xf32, #tpu.memory_space<vmem>>, vector<1x16xf32>,
        %get3A_810 = vector.shape_cast %get3A_809 : vector<1x16xf32> to vector<16xf32>
        %add3A_811 = arith.addf %add3A_723, %get3A_810 : vector<16xf32>
        %mul3A_812 = arith.constant 2 : i32
        %mul3A_813 = arith.muli %mul3A_812, %scan3A_705 : i32
        %add3A_814 = arith.constant 0 : i32
        %add3A_815 = arith.addi %add3A_814, %mul3A_813 : i32
        %add3A_816 = arith.constant 1 : i32
        %add3A_817 = arith.addi %add3A_815, %add3A_816 : i32
        %get3A_818 = arith.index_cast %add3A_817 : i32 to index
        %get3A_819 = arith.constant 16 : index
        %get3A_820 = tpu.vector_load %arg10[%get3A_818, %get3A_819] {strides = array<i32>} : memref<100x64xf32, #tpu.memory_space<vmem>>, vector<1x16xf32>,
        %get3A_821 = vector.shape_cast %get3A_820 : vector<1x16xf32> to vector<16xf32>
        %add3A_822 = arith.addf %add3A_734, %get3A_821 : vector<16xf32>
        %mul3A_823 = arith.constant 2 : i32
        %mul3A_824 = arith.muli %mul3A_823, %scan3A_705 : i32
        %add3A_825 = arith.constant 0 : i32
        %add3A_826 = arith.addi %add3A_825, %mul3A_824 : i32
        %add3A_827 = arith.constant 1 : i32
        %add3A_828 = arith.addi %add3A_826, %add3A_827 : i32
        %get3A_829 = arith.index_cast %add3A_828 : i32 to index
        %get3A_830 = arith.constant 32 : index
        %get3A_831 = tpu.vector_load %arg10[%get3A_829, %get3A_830] {strides = array<i32>} : memref<100x64xf32, #tpu.memory_space<vmem>>, vector<1x16xf32>,
        %get3A_832 = vector.shape_cast %get3A_831 : vector<1x16xf32> to vector<16xf32>
        %add3A_833 = arith.addf %add3A_745, %get3A_832 : vector<16xf32>
        %mul3A_834 = arith.constant 2 : i32
        %mul3A_835 = arith.muli %mul3A_834, %scan3A_705 : i32
        %add3A_836 = arith.constant 0 : i32
        %add3A_837 = arith.addi %add3A_836, %mul3A_835 : i32
        %add3A_838 = arith.constant 1 : i32
        %add3A_839 = arith.addi %add3A_837, %add3A_838 : i32
        %get3A_840 = arith.index_cast %add3A_839 : i32 to index
        %get3A_841 = arith.constant 48 : index
        %get3A_842 = tpu.vector_load %arg10[%get3A_840, %get3A_841] {strides = array<i32>} : memref<100x64xf32, #tpu.memory_space<vmem>>, vector<1x16xf32>,
        %get3A_843 = vector.shape_cast %get3A_842 : vector<1x16xf32> to vector<16xf32>
        %add3A_844 = arith.addf %add3A_756, %get3A_843 : vector<16xf32>
        %mul3A_845 = arith.constant 2 : i32
        %mul3A_846 = arith.muli %mul3A_845, %scan3A_705 : i32
        %add3A_847 = arith.constant 50 : i32
        %add3A_848 = arith.addi %add3A_847, %mul3A_846 : i32
        %add3A_849 = arith.constant 1 : i32
        %add3A_850 = arith.addi %add3A_848, %add3A_849 : i32
        %get3A_851 = arith.index_cast %add3A_850 : i32 to index
        %get3A_852 = arith.constant 0 : index
        %get3A_853 = tpu.vector_load %arg10[%get3A_851, %get3A_852] {strides = array<i32>} : memref<100x64xf32, #tpu.memory_space<vmem>>, vector<1x16xf32>,
        %get3A_854 = vector.shape_cast %get3A_853 : vector<1x16xf32> to vector<16xf32>
        %add3A_855 = arith.addf %add3A_767, %get3A_854 : vector<16xf32>
        %mul3A_856 = arith.constant 2 : i32
        %mul3A_857 = arith.muli %mul3A_856, %scan3A_705 : i32
        %add3A_858 = arith.constant 50 : i32
        %add3A_859 = arith.addi %add3A_858, %mul3A_857 : i32
        %add3A_860 = arith.constant 1 : i32
        %add3A_861 = arith.addi %add3A_859, %add3A_860 : i32
        %get3A_862 = arith.index_cast %add3A_861 : i32 to index
        %get3A_863 = arith.constant 16 : index
        %get3A_864 = tpu.vector_load %arg10[%get3A_862, %get3A_863] {strides = array<i32>} : memref<100x64xf32, #tpu.memory_space<vmem>>, vector<1x16xf32>,
        %get3A_865 = vector.shape_cast %get3A_864 : vector<1x16xf32> to vector<16xf32>
        %add3A_866 = arith.addf %add3A_778, %get3A_865 : vector<16xf32>
        %mul3A_867 = arith.constant 2 : i32
        %mul3A_868 = arith.muli %mul3A_867, %scan3A_705 : i32
        %add3A_869 = arith.constant 50 : i32
        %add3A_870 = arith.addi %add3A_869, %mul3A_868 : i32
        %add3A_871 = arith.constant 1 : i32
        %add3A_872 = arith.addi %add3A_870, %add3A_871 : i32
        %get3A_873 = arith.index_cast %add3A_872 : i32 to index
        %get3A_874 = arith.constant 32 : index
        %get3A_875 = tpu.vector_load %arg10[%get3A_873, %get3A_874] {strides = array<i32>} : memref<100x64xf32, #tpu.memory_space<vmem>>, vector<1x16xf32>,
        %get3A_876 = vector.shape_cast %get3A_875 : vector<1x16xf32> to vector<16xf32>
        %add3A_877 = arith.addf %add3A_789, %get3A_876 : vector<16xf32>
        %mul3A_878 = arith.constant 2 : i32
        %mul3A_879 = arith.muli %mul3A_878, %scan3A_705 : i32
        %add3A_880 = arith.constant 50 : i32
        %add3A_881 = arith.addi %add3A_880, %mul3A_879 : i32
        %add3A_882 = arith.constant 1 : i32
        %add3A_883 = arith.addi %add3A_881, %add3A_882 : i32
        %get3A_884 = arith.index_cast %add3A_883 : i32 to index
        %get3A_885 = arith.constant 48 : index
        %get3A_886 = tpu.vector_load %arg10[%get3A_884, %get3A_885] {strides = array<i32>} : memref<100x64xf32, #tpu.memory_space<vmem>>, vector<1x16xf32>,
        %get3A_887 = vector.shape_cast %get3A_886 : vector<1x16xf32> to vector<16xf32>
        %add3A_888 = arith.addf %add3A_800, %get3A_887 : vector<16xf32>
        scf.yield %add3A_811, %add3A_822, %add3A_833, %add3A_844, %add3A_855, %add3A_866, %add3A_877, %add3A_888 : vector<16xf32>, vector<16xf32>, vector<16xf32>, vector<16xf32>, vector<16xf32>, vector<16xf32>, vector<16xf32>, vector<16xf32>
      }
      %scan3A_633 = arith.constant 25 : i32
      %swap3A_634 = arith.index_cast %add3A_625 : i32 to index
      %swap3A_635 = arith.constant 0 : index
      %swap3A_636 = tpu.vector_load %arg11[%swap3A_634, %swap3A_635] {strides = array<i32>} : memref<64x128xf32, #tpu.memory_space<vmem>>, vector<1x16xf32>,
      %swap3A_637 = vector.shape_cast %swap3A_636 : vector<1x16xf32> to vector<16xf32>
      %swap3A_638 = vector.shape_cast %scan3A_632#0 : vector<16xf32> to vector<1x16xf32>
      tpu.vector_store %arg11[%swap3A_634, %swap3A_635], %swap3A_638 {strides = array<i32>} : memref<64x128xf32, #tpu.memory_space<vmem>>, vector<1x16xf32>,
      %swap3A_639 = arith.index_cast %add3A_625 : i32 to index
      %swap3A_640 = arith.constant 16 : index
      %swap3A_641 = tpu.vector_load %arg11[%swap3A_639, %swap3A_640] {strides = array<i32>} : memref<64x128xf32, #tpu.memory_space<vmem>>, vector<1x16xf32>,
      %swap3A_642 = vector.shape_cast %swap3A_641 : vector<1x16xf32> to vector<16xf32>
      %swap3A_643 = vector.shape_cast %scan3A_632#1 : vector<16xf32> to vector<1x16xf32>
      tpu.vector_store %arg11[%swap3A_639, %swap3A_640], %swap3A_643 {strides = array<i32>} : memref<64x128xf32, #tpu.memory_space<vmem>>, vector<1x16xf32>,
      %swap3A_644 = arith.index_cast %add3A_625 : i32 to index
      %swap3A_645 = arith.constant 32 : index
      %swap3A_646 = tpu.vector_load %arg11[%swap3A_644, %swap3A_645] {strides = array<i32>} : memref<64x128xf32, #tpu.memory_space<vmem>>, vector<1x16xf32>,
      %swap3A_647 = vector.shape_cast %swap3A_646 : vector<1x16xf32> to vector<16xf32>
      %swap3A_648 = vector.shape_cast %scan3A_632#2 : vector<16xf32> to vector<1x16xf32>
      tpu.vector_store %arg11[%swap3A_644, %swap3A_645], %swap3A_648 {strides = array<i32>} : memref<64x128xf32, #tpu.memory_space<vmem>>, vector<1x16xf32>,
      %swap3A_649 = arith.index_cast %add3A_625 : i32 to index
      %swap3A_650 = arith.constant 48 : index
      %swap3A_651 = tpu.vector_load %arg11[%swap3A_649, %swap3A_650] {strides = array<i32>} : memref<64x128xf32, #tpu.memory_space<vmem>>, vector<1x16xf32>,
      %swap3A_652 = vector.shape_cast %swap3A_651 : vector<1x16xf32> to vector<16xf32>
      %swap3A_653 = vector.shape_cast %scan3A_632#3 : vector<16xf32> to vector<1x16xf32>
      tpu.vector_store %arg11[%swap3A_649, %swap3A_650], %swap3A_653 {strides = array<i32>} : memref<64x128xf32, #tpu.memory_space<vmem>>, vector<1x16xf32>,
      %swap3A_654 = arith.index_cast %add3A_625 : i32 to index
      %swap3A_655 = arith.constant 64 : index
      %swap3A_656 = tpu.vector_load %arg11[%swap3A_654, %swap3A_655] {strides = array<i32>} : memref<64x128xf32, #tpu.memory_space<vmem>>, vector<1x16xf32>,
      %swap3A_657 = vector.shape_cast %swap3A_656 : vector<1x16xf32> to vector<16xf32>
      %swap3A_658 = vector.shape_cast %scan3A_632#4 : vector<16xf32> to vector<1x16xf32>
      tpu.vector_store %arg11[%swap3A_654, %swap3A_655], %swap3A_658 {strides = array<i32>} : memref<64x128xf32, #tpu.memory_space<vmem>>, vector<1x16xf32>,
      %swap3A_659 = arith.index_cast %add3A_625 : i32 to index
      %swap3A_660 = arith.constant 80 : index
      %swap3A_661 = tpu.vector_load %arg11[%swap3A_659, %swap3A_660] {strides = array<i32>} : memref<64x128xf32, #tpu.memory_space<vmem>>, vector<1x16xf32>,
      %swap3A_662 = vector.shape_cast %swap3A_661 : vector<1x16xf32> to vector<16xf32>
      %swap3A_663 = vector.shape_cast %scan3A_632#5 : vector<16xf32> to vector<1x16xf32>
      tpu.vector_store %arg11[%swap3A_659, %swap3A_660], %swap3A_663 {strides = array<i32>} : memref<64x128xf32, #tpu.memory_space<vmem>>, vector<1x16xf32>,
      %swap3A_664 = arith.index_cast %add3A_625 : i32 to index
      %swap3A_665 = arith.constant 96 : index
      %swap3A_666 = tpu.vector_load %arg11[%swap3A_664, %swap3A_665] {strides = array<i32>} : memref<64x128xf32, #tpu.memory_space<vmem>>, vector<1x16xf32>,
      %swap3A_667 = vector.shape_cast %swap3A_666 : vector<1x16xf32> to vector<16xf32>
      %swap3A_668 = vector.shape_cast %scan3A_632#6 : vector<16xf32> to vector<1x16xf32>
      tpu.vector_store %arg11[%swap3A_664, %swap3A_665], %swap3A_668 {strides = array<i32>} : memref<64x128xf32, #tpu.memory_space<vmem>>, vector<1x16xf32>,
      %swap3A_669 = arith.index_cast %add3A_625 : i32 to index
      %swap3A_670 = arith.constant 112 : index
      %swap3A_671 = tpu.vector_load %arg11[%swap3A_669, %swap3A_670] {strides = array<i32>} : memref<64x128xf32, #tpu.memory_space<vmem>>, vector<1x16xf32>,
      %swap3A_672 = vector.shape_cast %swap3A_671 : vector<1x16xf32> to vector<16xf32>
      %swap3A_673 = vector.shape_cast %scan3A_632#7 : vector<16xf32> to vector<1x16xf32>
      tpu.vector_store %arg11[%swap3A_669, %swap3A_670], %swap3A_673 {strides = array<i32>} : memref<64x128xf32, #tpu.memory_space<vmem>>, vector<1x16xf32>,
      %mul3A_674 = arith.constant 4 : i32
      %mul3A_675 = arith.muli %mul3A_674, %scan3A_346 : i32
      %add3A_676 = arith.constant 3 : i32
      %add3A_677 = arith.addi %mul3A_675, %add3A_676 : i32
      %add3A_678 = arith.constant 4 : i32
      %add3A_679 = arith.addi %add3A_677, %add3A_678 : i32
      %mul3A_680 = arith.constant 2 : i32
      %mul3A_681 = arith.muli %mul3A_680, %add3A_679 : i32
      %dma_start3A_682 = arith.constant 0 : i32
      %dma_start3A_683 = arith.constant 0 : i32
      %dma_start3A_684 = tpu.memref_slice %arg10[%dma_start3A_682, %dma_start3A_683] : memref<100x64xf32, #tpu.memory_space<vmem>> -> memref<50x64xf32, #tpu.memory_space<vmem>>
      %dma_start3A_685 = arith.constant 0 : i32
      %dma_start3A_686 = tpu.memref_slice %arg6[%mul3A_681, %dma_start3A_685] : memref<128x50xi32, #tpu.memory_space<vmem>> -> memref<1x50xi32, #tpu.memory_space<vmem>>
      %dma_start3A_687 = tpu.memref_squeeze %dma_start3A_686 : memref<1x50xi32, #tpu.memory_space<vmem>> -> memref<50xi32, #tpu.memory_space<vmem>>
      %dma_start3A_688 = arith.constant 0 : i32
      %dma_start3A_689 = arith.constant 0 : i32
      %dma_start3A_690 = tpu.memref_slice %arg3[%dma_start3A_688, %dma_start3A_689] : memref<100000x64xf32, #tpu.memory_space<hbm>> -> memref<100000x64xf32, #tpu.memory_space<hbm>>
      tpu.enqueue_indirect_dma source(%dma_start3A_690 : memref<100000x64xf32, #tpu.memory_space<hbm>>) target(%dma_start3A_684 : memref<50x64xf32, #tpu.memory_space<vmem>>) offsets(%dma_start3A_687 : memref<50xi32, #tpu.memory_space<vmem>>) semaphore(%arg15 : memref<!tpu.dma_semaphore, #tpu.memory_space<semaphore_mem>>)
      %mul3A_691 = arith.constant 2 : i32
      %mul3A_692 = arith.muli %mul3A_691, %add3A_679 : i32
      %add3A_693 = arith.constant 1 : i32
      %add3A_694 = arith.addi %mul3A_692, %add3A_693 : i32
      %dma_start3A_695 = arith.constant 50 : i32
      %dma_start3A_696 = arith.constant 0 : i32
      %dma_start3A_697 = tpu.memref_slice %arg10[%dma_start3A_695, %dma_start3A_696] : memref<100x64xf32, #tpu.memory_space<vmem>> -> memref<50x64xf32, #tpu.memory_space<vmem>>
      %dma_start3A_698 = arith.constant 0 : i32
      %dma_start3A_699 = tpu.memref_slice %arg6[%add3A_694, %dma_start3A_698] : memref<128x50xi32, #tpu.memory_space<vmem>> -> memref<1x50xi32, #tpu.memory_space<vmem>>
      %dma_start3A_700 = tpu.memref_squeeze %dma_start3A_699 : memref<1x50xi32, #tpu.memory_space<vmem>> -> memref<50xi32, #tpu.memory_space<vmem>>
      %dma_start3A_701 = arith.constant 0 : i32
      %dma_start3A_702 = arith.constant 0 : i32
      %dma_start3A_703 = tpu.memref_slice %arg3[%dma_start3A_701, %dma_start3A_702] : memref<100000x64xf32, #tpu.memory_space<hbm>> -> memref<100000x64xf32, #tpu.memory_space<hbm>>
      tpu.enqueue_indirect_dma source(%dma_start3A_703 : memref<100000x64xf32, #tpu.memory_space<hbm>>) target(%dma_start3A_697 : memref<50x64xf32, #tpu.memory_space<vmem>>) offsets(%dma_start3A_700 : memref<50xi32, #tpu.memory_space<vmem>>) semaphore(%arg15 : memref<!tpu.dma_semaphore, #tpu.memory_space<semaphore_mem>>)
      %scan3A_704 = arith.constant 0 : i32
      scf.yield %scan3A_704 : i32
    }
    %scan3A_94 = arith.constant 15 : i32
    %dma_wait3A = arith.constant 0 : i32
    %dma_wait3A_95 = arith.constant 0 : i32
    %dma_wait3A_96 = tpu.memref_slice %arg6[%dma_wait3A, %dma_wait3A_95] : memref<128x50xi32, #tpu.memory_space<vmem>> -> memref<1x50xi32, #tpu.memory_space<vmem>>
    %dma_wait3A_97 = tpu.memref_squeeze %dma_wait3A_96 : memref<1x50xi32, #tpu.memory_space<vmem>> -> memref<50xi32, #tpu.memory_space<vmem>>
    %dma_wait3A_98 = arith.constant 0 : i32
    %dma_wait3A_99 = arith.constant 0 : i32
    %dma_wait3A_100 = tpu.memref_slice %arg3[%dma_wait3A_98, %dma_wait3A_99] : memref<100000x64xf32, #tpu.memory_space<hbm>> -> memref<100000x64xf32, #tpu.memory_space<hbm>>
    tpu.wait_indirect_dma semaphore(%arg12 : memref<!tpu.dma_semaphore, #tpu.memory_space<semaphore_mem>>) src(%dma_wait3A_100 : memref<100000x64xf32, #tpu.memory_space<hbm>>) dst(%arg7 : memref<100x64xf32, #tpu.memory_space<vmem>>)
    %broadcast_in_dim3A = arith.constant 0.000000e+00 : f32
    %broadcast_in_dim3A_101 = vector.broadcast %broadcast_in_dim3A : f32 to vector<16xf32>
    %scan3A_102 = arith.constant 0 : i32
    %scan3A_103 = arith.constant 25 : i32
    %scan3A_104 = arith.addi %scan3A_102, %scan3A_103 : i32
    %scan3A_105 = arith.constant 1 : i32
    %scan3A_106:8 = scf.for %scan3A_346 = %scan3A_102 to %scan3A_104 step %scan3A_105 iter_args(%scan3A_347 = %broadcast_in_dim3A_101, %scan3A_348 = %broadcast_in_dim3A_101, %scan3A_349 = %broadcast_in_dim3A_101, %scan3A_350 = %broadcast_in_dim3A_101, %scan3A_351 = %broadcast_in_dim3A_101, %scan3A_352 = %broadcast_in_dim3A_101, %scan3A_353 = %broadcast_in_dim3A_101, %scan3A_354 = %broadcast_in_dim3A_101) -> (vector<16xf32>, vector<16xf32>, vector<16xf32>, vector<16xf32>, vector<16xf32>, vector<16xf32>, vector<16xf32>, vector<16xf32>)  : i32 {
      %mul3A_355 = arith.constant 2 : i32
      %mul3A_356 = arith.muli %mul3A_355, %scan3A_346 : i32
      %add3A_357 = arith.constant 0 : i32
      %add3A_358 = arith.addi %add3A_357, %mul3A_356 : i32
      %add3A_359 = arith.constant 0 : i32
      %add3A_360 = arith.addi %add3A_358, %add3A_359 : i32
      %get3A = arith.index_cast %add3A_360 : i32 to index
      %get3A_361 = arith.constant 0 : index
      %get3A_362 = tpu.vector_load %arg7[%get3A, %get3A_361] {strides = array<i32>} : memref<100x64xf32, #tpu.memory_space<vmem>>, vector<1x16xf32>,
      %get3A_363 = vector.shape_cast %get3A_362 : vector<1x16xf32> to vector<16xf32>
      %add3A_364 = arith.addf %scan3A_347, %get3A_363 : vector<16xf32>
      %mul3A_365 = arith.constant 2 : i32
      %mul3A_366 = arith.muli %mul3A_365, %scan3A_346 : i32
      %add3A_367 = arith.constant 0 : i32
      %add3A_368 = arith.addi %add3A_367, %mul3A_366 : i32
      %add3A_369 = arith.constant 0 : i32
      %add3A_370 = arith.addi %add3A_368, %add3A_369 : i32
      %get3A_371 = arith.index_cast %add3A_370 : i32 to index
      %get3A_372 = arith.constant 16 : index
      %get3A_373 = tpu.vector_load %arg7[%get3A_371, %get3A_372] {strides = array<i32>} : memref<100x64xf32, #tpu.memory_space<vmem>>, vector<1x16xf32>,
      %get3A_374 = vector.shape_cast %get3A_373 : vector<1x16xf32> to vector<16xf32>
      %add3A_375 = arith.addf %scan3A_348, %get3A_374 : vector<16xf32>
      %mul3A_376 = arith.constant 2 : i32
      %mul3A_377 = arith.muli %mul3A_376, %scan3A_346 : i32
      %add3A_378 = arith.constant 0 : i32
      %add3A_379 = arith.addi %add3A_378, %mul3A_377 : i32
      %add3A_380 = arith.constant 0 : i32
      %add3A_381 = arith.addi %add3A_379, %add3A_380 : i32
      %get3A_382 = arith.index_cast %add3A_381 : i32 to index
      %get3A_383 = arith.constant 32 : index
      %get3A_384 = tpu.vector_load %arg7[%get3A_382, %get3A_383] {strides = array<i32>} : memref<100x64xf32, #tpu.memory_space<vmem>>, vector<1x16xf32>,
      %get3A_385 = vector.shape_cast %get3A_384 : vector<1x16xf32> to vector<16xf32>
      %add3A_386 = arith.addf %scan3A_349, %get3A_385 : vector<16xf32>
      %mul3A_387 = arith.constant 2 : i32
      %mul3A_388 = arith.muli %mul3A_387, %scan3A_346 : i32
      %add3A_389 = arith.constant 0 : i32
      %add3A_390 = arith.addi %add3A_389, %mul3A_388 : i32
      %add3A_391 = arith.constant 0 : i32
      %add3A_392 = arith.addi %add3A_390, %add3A_391 : i32
      %get3A_393 = arith.index_cast %add3A_392 : i32 to index
      %get3A_394 = arith.constant 48 : index
      %get3A_395 = tpu.vector_load %arg7[%get3A_393, %get3A_394] {strides = array<i32>} : memref<100x64xf32, #tpu.memory_space<vmem>>, vector<1x16xf32>,
      %get3A_396 = vector.shape_cast %get3A_395 : vector<1x16xf32> to vector<16xf32>
      %add3A_397 = arith.addf %scan3A_350, %get3A_396 : vector<16xf32>
      %mul3A_398 = arith.constant 2 : i32
      %mul3A_399 = arith.muli %mul3A_398, %scan3A_346 : i32
      %add3A_400 = arith.constant 50 : i32
      %add3A_401 = arith.addi %add3A_400, %mul3A_399 : i32
      %add3A_402 = arith.constant 0 : i32
      %add3A_403 = arith.addi %add3A_401, %add3A_402 : i32
      %get3A_404 = arith.index_cast %add3A_403 : i32 to index
      %get3A_405 = arith.constant 0 : index
      %get3A_406 = tpu.vector_load %arg7[%get3A_404, %get3A_405] {strides = array<i32>} : memref<100x64xf32, #tpu.memory_space<vmem>>, vector<1x16xf32>,
      %get3A_407 = vector.shape_cast %get3A_406 : vector<1x16xf32> to vector<16xf32>
      %add3A_408 = arith.addf %scan3A_351, %get3A_407 : vector<16xf32>
      %mul3A_409 = arith.constant 2 : i32
      %mul3A_410 = arith.muli %mul3A_409, %scan3A_346 : i32
      %add3A_411 = arith.constant 50 : i32
      %add3A_412 = arith.addi %add3A_411, %mul3A_410 : i32
      %add3A_413 = arith.constant 0 : i32
      %add3A_414 = arith.addi %add3A_412, %add3A_413 : i32
      %get3A_415 = arith.index_cast %add3A_414 : i32 to index
      %get3A_416 = arith.constant 16 : index
      %get3A_417 = tpu.vector_load %arg7[%get3A_415, %get3A_416] {strides = array<i32>} : memref<100x64xf32, #tpu.memory_space<vmem>>, vector<1x16xf32>,
      %get3A_418 = vector.shape_cast %get3A_417 : vector<1x16xf32> to vector<16xf32>
      %add3A_419 = arith.addf %scan3A_352, %get3A_418 : vector<16xf32>
      %mul3A_420 = arith.constant 2 : i32
      %mul3A_421 = arith.muli %mul3A_420, %scan3A_346 : i32
      %add3A_422 = arith.constant 50 : i32
      %add3A_423 = arith.addi %add3A_422, %mul3A_421 : i32
      %add3A_424 = arith.constant 0 : i32
      %add3A_425 = arith.addi %add3A_423, %add3A_424 : i32
      %get3A_426 = arith.index_cast %add3A_425 : i32 to index
      %get3A_427 = arith.constant 32 : index
      %get3A_428 = tpu.vector_load %arg7[%get3A_426, %get3A_427] {strides = array<i32>} : memref<100x64xf32, #tpu.memory_space<vmem>>, vector<1x16xf32>,
      %get3A_429 = vector.shape_cast %get3A_428 : vector<1x16xf32> to vector<16xf32>
      %add3A_430 = arith.addf %scan3A_353, %get3A_429 : vector<16xf32>
      %mul3A_431 = arith.constant 2 : i32
      %mul3A_432 = arith.muli %mul3A_431, %scan3A_346 : i32
      %add3A_433 = arith.constant 50 : i32
      %add3A_434 = arith.addi %add3A_433, %mul3A_432 : i32
      %add3A_435 = arith.constant 0 : i32
      %add3A_436 = arith.addi %add3A_434, %add3A_435 : i32
      %get3A_437 = arith.index_cast %add3A_436 : i32 to index
      %get3A_438 = arith.constant 48 : index
      %get3A_439 = tpu.vector_load %arg7[%get3A_437, %get3A_438] {strides = array<i32>} : memref<100x64xf32, #tpu.memory_space<vmem>>, vector<1x16xf32>,
      %get3A_440 = vector.shape_cast %get3A_439 : vector<1x16xf32> to vector<16xf32>
      %add3A_441 = arith.addf %scan3A_354, %get3A_440 : vector<16xf32>
      %mul3A_442 = arith.constant 2 : i32
      %mul3A_443 = arith.muli %mul3A_442, %scan3A_346 : i32
      %add3A_444 = arith.constant 0 : i32
      %add3A_445 = arith.addi %add3A_444, %mul3A_443 : i32
      %add3A_446 = arith.constant 1 : i32
      %add3A_447 = arith.addi %add3A_445, %add3A_446 : i32
      %get3A_448 = arith.index_cast %add3A_447 : i32 to index
      %get3A_449 = arith.constant 0 : index
      %get3A_450 = tpu.vector_load %arg7[%get3A_448, %get3A_449] {strides = array<i32>} : memref<100x64xf32, #tpu.memory_space<vmem>>, vector<1x16xf32>,
      %get3A_451 = vector.shape_cast %get3A_450 : vector<1x16xf32> to vector<16xf32>
      %add3A_452 = arith.addf %add3A_364, %get3A_451 : vector<16xf32>
      %mul3A_453 = arith.constant 2 : i32
      %mul3A_454 = arith.muli %mul3A_453, %scan3A_346 : i32
      %add3A_455 = arith.constant 0 : i32
      %add3A_456 = arith.addi %add3A_455, %mul3A_454 : i32
      %add3A_457 = arith.constant 1 : i32
      %add3A_458 = arith.addi %add3A_456, %add3A_457 : i32
      %get3A_459 = arith.index_cast %add3A_458 : i32 to index
      %get3A_460 = arith.constant 16 : index
      %get3A_461 = tpu.vector_load %arg7[%get3A_459, %get3A_460] {strides = array<i32>} : memref<100x64xf32, #tpu.memory_space<vmem>>, vector<1x16xf32>,
      %get3A_462 = vector.shape_cast %get3A_461 : vector<1x16xf32> to vector<16xf32>
      %add3A_463 = arith.addf %add3A_375, %get3A_462 : vector<16xf32>
      %mul3A_464 = arith.constant 2 : i32
      %mul3A_465 = arith.muli %mul3A_464, %scan3A_346 : i32
      %add3A_466 = arith.constant 0 : i32
      %add3A_467 = arith.addi %add3A_466, %mul3A_465 : i32
      %add3A_468 = arith.constant 1 : i32
      %add3A_469 = arith.addi %add3A_467, %add3A_468 : i32
      %get3A_470 = arith.index_cast %add3A_469 : i32 to index
      %get3A_471 = arith.constant 32 : index
      %get3A_472 = tpu.vector_load %arg7[%get3A_470, %get3A_471] {strides = array<i32>} : memref<100x64xf32, #tpu.memory_space<vmem>>, vector<1x16xf32>,
      %get3A_473 = vector.shape_cast %get3A_472 : vector<1x16xf32> to vector<16xf32>
      %add3A_474 = arith.addf %add3A_386, %get3A_473 : vector<16xf32>
      %mul3A_475 = arith.constant 2 : i32
      %mul3A_476 = arith.muli %mul3A_475, %scan3A_346 : i32
      %add3A_477 = arith.constant 0 : i32
      %add3A_478 = arith.addi %add3A_477, %mul3A_476 : i32
      %add3A_479 = arith.constant 1 : i32
      %add3A_480 = arith.addi %add3A_478, %add3A_479 : i32
      %get3A_481 = arith.index_cast %add3A_480 : i32 to index
      %get3A_482 = arith.constant 48 : index
      %get3A_483 = tpu.vector_load %arg7[%get3A_481, %get3A_482] {strides = array<i32>} : memref<100x64xf32, #tpu.memory_space<vmem>>, vector<1x16xf32>,
      %get3A_484 = vector.shape_cast %get3A_483 : vector<1x16xf32> to vector<16xf32>
      %add3A_485 = arith.addf %add3A_397, %get3A_484 : vector<16xf32>
      %mul3A_486 = arith.constant 2 : i32
      %mul3A_487 = arith.muli %mul3A_486, %scan3A_346 : i32
      %add3A_488 = arith.constant 50 : i32
      %add3A_489 = arith.addi %add3A_488, %mul3A_487 : i32
      %add3A_490 = arith.constant 1 : i32
      %add3A_491 = arith.addi %add3A_489, %add3A_490 : i32
      %get3A_492 = arith.index_cast %add3A_491 : i32 to index
      %get3A_493 = arith.constant 0 : index
      %get3A_494 = tpu.vector_load %arg7[%get3A_492, %get3A_493] {strides = array<i32>} : memref<100x64xf32, #tpu.memory_space<vmem>>, vector<1x16xf32>,
      %get3A_495 = vector.shape_cast %get3A_494 : vector<1x16xf32> to vector<16xf32>
      %add3A_496 = arith.addf %add3A_408, %get3A_495 : vector<16xf32>
      %mul3A_497 = arith.constant 2 : i32
      %mul3A_498 = arith.muli %mul3A_497, %scan3A_346 : i32
      %add3A_499 = arith.constant 50 : i32
      %add3A_500 = arith.addi %add3A_499, %mul3A_498 : i32
      %add3A_501 = arith.constant 1 : i32
      %add3A_502 = arith.addi %add3A_500, %add3A_501 : i32
      %get3A_503 = arith.index_cast %add3A_502 : i32 to index
      %get3A_504 = arith.constant 16 : index
      %get3A_505 = tpu.vector_load %arg7[%get3A_503, %get3A_504] {strides = array<i32>} : memref<100x64xf32, #tpu.memory_space<vmem>>, vector<1x16xf32>,
      %get3A_506 = vector.shape_cast %get3A_505 : vector<1x16xf32> to vector<16xf32>
      %add3A_507 = arith.addf %add3A_419, %get3A_506 : vector<16xf32>
      %mul3A_508 = arith.constant 2 : i32
      %mul3A_509 = arith.muli %mul3A_508, %scan3A_346 : i32
      %add3A_510 = arith.constant 50 : i32
      %add3A_511 = arith.addi %add3A_510, %mul3A_509 : i32
      %add3A_512 = arith.constant 1 : i32
      %add3A_513 = arith.addi %add3A_511, %add3A_512 : i32
      %get3A_514 = arith.index_cast %add3A_513 : i32 to index
      %get3A_515 = arith.constant 32 : index
      %get3A_516 = tpu.vector_load %arg7[%get3A_514, %get3A_515] {strides = array<i32>} : memref<100x64xf32, #tpu.memory_space<vmem>>, vector<1x16xf32>,
      %get3A_517 = vector.shape_cast %get3A_516 : vector<1x16xf32> to vector<16xf32>
      %add3A_518 = arith.addf %add3A_430, %get3A_517 : vector<16xf32>
      %mul3A_519 = arith.constant 2 : i32
      %mul3A_520 = arith.muli %mul3A_519, %scan3A_346 : i32
      %add3A_521 = arith.constant 50 : i32
      %add3A_522 = arith.addi %add3A_521, %mul3A_520 : i32
      %add3A_523 = arith.constant 1 : i32
      %add3A_524 = arith.addi %add3A_522, %add3A_523 : i32
      %get3A_525 = arith.index_cast %add3A_524 : i32 to index
      %get3A_526 = arith.constant 48 : index
      %get3A_527 = tpu.vector_load %arg7[%get3A_525, %get3A_526] {strides = array<i32>} : memref<100x64xf32, #tpu.memory_space<vmem>>, vector<1x16xf32>,
      %get3A_528 = vector.shape_cast %get3A_527 : vector<1x16xf32> to vector<16xf32>
      %add3A_529 = arith.addf %add3A_441, %get3A_528 : vector<16xf32>
      scf.yield %add3A_452, %add3A_463, %add3A_474, %add3A_485, %add3A_496, %add3A_507, %add3A_518, %add3A_529 : vector<16xf32>, vector<16xf32>, vector<16xf32>, vector<16xf32>, vector<16xf32>, vector<16xf32>, vector<16xf32>, vector<16xf32>
    }
    %scan3A_107 = arith.constant 25 : i32
    %swap3A = arith.constant 60 : i32
    %swap3A_108 = arith.index_cast %swap3A : i32 to index
    %swap3A_109 = arith.constant 0 : index
    %swap3A_110 = tpu.vector_load %arg11[%swap3A_108, %swap3A_109] {strides = array<i32>} : memref<64x128xf32, #tpu.memory_space<vmem>>, vector<1x16xf32>,
    %swap3A_111 = vector.shape_cast %swap3A_110 : vector<1x16xf32> to vector<16xf32>
    %swap3A_112 = vector.shape_cast %scan3A_106#0 : vector<16xf32> to vector<1x16xf32>
    tpu.vector_store %arg11[%swap3A_108, %swap3A_109], %swap3A_112 {strides = array<i32>} : memref<64x128xf32, #tpu.memory_space<vmem>>, vector<1x16xf32>,
    %swap3A_113 = arith.constant 60 : i32
    %swap3A_114 = arith.index_cast %swap3A_113 : i32 to index
    %swap3A_115 = arith.constant 16 : index
    %swap3A_116 = tpu.vector_load %arg11[%swap3A_114, %swap3A_115] {strides = array<i32>} : memref<64x128xf32, #tpu.memory_space<vmem>>, vector<1x16xf32>,
    %swap3A_117 = vector.shape_cast %swap3A_116 : vector<1x16xf32> to vector<16xf32>
    %swap3A_118 = vector.shape_cast %scan3A_106#1 : vector<16xf32> to vector<1x16xf32>
    tpu.vector_store %arg11[%swap3A_114, %swap3A_115], %swap3A_118 {strides = array<i32>} : memref<64x128xf32, #tpu.memory_space<vmem>>, vector<1x16xf32>,
    %swap3A_119 = arith.constant 60 : i32
    %swap3A_120 = arith.index_cast %swap3A_119 : i32 to index
    %swap3A_121 = arith.constant 32 : index
    %swap3A_122 = tpu.vector_load %arg11[%swap3A_120, %swap3A_121] {strides = array<i32>} : memref<64x128xf32, #tpu.memory_space<vmem>>, vector<1x16xf32>,
    %swap3A_123 = vector.shape_cast %swap3A_122 : vector<1x16xf32> to vector<16xf32>
    %swap3A_124 = vector.shape_cast %scan3A_106#2 : vector<16xf32> to vector<1x16xf32>
    tpu.vector_store %arg11[%swap3A_120, %swap3A_121], %swap3A_124 {strides = array<i32>} : memref<64x128xf32, #tpu.memory_space<vmem>>, vector<1x16xf32>,
    %swap3A_125 = arith.constant 60 : i32
    %swap3A_126 = arith.index_cast %swap3A_125 : i32 to index
    %swap3A_127 = arith.constant 48 : index
    %swap3A_128 = tpu.vector_load %arg11[%swap3A_126, %swap3A_127] {strides = array<i32>} : memref<64x128xf32, #tpu.memory_space<vmem>>, vector<1x16xf32>,
    %swap3A_129 = vector.shape_cast %swap3A_128 : vector<1x16xf32> to vector<16xf32>
    %swap3A_130 = vector.shape_cast %scan3A_106#3 : vector<16xf32> to vector<1x16xf32>
    tpu.vector_store %arg11[%swap3A_126, %swap3A_127], %swap3A_130 {strides = array<i32>} : memref<64x128xf32, #tpu.memory_space<vmem>>, vector<1x16xf32>,
    %swap3A_131 = arith.constant 60 : i32
    %swap3A_132 = arith.index_cast %swap3A_131 : i32 to index
    %swap3A_133 = arith.constant 64 : index
    %swap3A_134 = tpu.vector_load %arg11[%swap3A_132, %swap3A_133] {strides = array<i32>} : memref<64x128xf32, #tpu.memory_space<vmem>>, vector<1x16xf32>,
    %swap3A_135 = vector.shape_cast %swap3A_134 : vector<1x16xf32> to vector<16xf32>
    %swap3A_136 = vector.shape_cast %scan3A_106#4 : vector<16xf32> to vector<1x16xf32>
    tpu.vector_store %arg11[%swap3A_132, %swap3A_133], %swap3A_136 {strides = array<i32>} : memref<64x128xf32, #tpu.memory_space<vmem>>, vector<1x16xf32>,
    %swap3A_137 = arith.constant 60 : i32
    %swap3A_138 = arith.index_cast %swap3A_137 : i32 to index
    %swap3A_139 = arith.constant 80 : index
    %swap3A_140 = tpu.vector_load %arg11[%swap3A_138, %swap3A_139] {strides = array<i32>} : memref<64x128xf32, #tpu.memory_space<vmem>>, vector<1x16xf32>,
    %swap3A_141 = vector.shape_cast %swap3A_140 : vector<1x16xf32> to vector<16xf32>
    %swap3A_142 = vector.shape_cast %scan3A_106#5 : vector<16xf32> to vector<1x16xf32>
    tpu.vector_store %arg11[%swap3A_138, %swap3A_139], %swap3A_142 {strides = array<i32>} : memref<64x128xf32, #tpu.memory_space<vmem>>, vector<1x16xf32>,
    %swap3A_143 = arith.constant 60 : i32
    %swap3A_144 = arith.index_cast %swap3A_143 : i32 to index
    %swap3A_145 = arith.constant 96 : index
    %swap3A_146 = tpu.vector_load %arg11[%swap3A_144, %swap3A_145] {strides = array<i32>} : memref<64x128xf32, #tpu.memory_space<vmem>>, vector<1x16xf32>,
    %swap3A_147 = vector.shape_cast %swap3A_146 : vector<1x16xf32> to vector<16xf32>
    %swap3A_148 = vector.shape_cast %scan3A_106#6 : vector<16xf32> to vector<1x16xf32>
    tpu.vector_store %arg11[%swap3A_144, %swap3A_145], %swap3A_148 {strides = array<i32>} : memref<64x128xf32, #tpu.memory_space<vmem>>, vector<1x16xf32>,
    %swap3A_149 = arith.constant 60 : i32
    %swap3A_150 = arith.index_cast %swap3A_149 : i32 to index
    %swap3A_151 = arith.constant 112 : index
    %swap3A_152 = tpu.vector_load %arg11[%swap3A_150, %swap3A_151] {strides = array<i32>} : memref<64x128xf32, #tpu.memory_space<vmem>>, vector<1x16xf32>,
    %swap3A_153 = vector.shape_cast %swap3A_152 : vector<1x16xf32> to vector<16xf32>
    %swap3A_154 = vector.shape_cast %scan3A_106#7 : vector<16xf32> to vector<1x16xf32>
    tpu.vector_store %arg11[%swap3A_150, %swap3A_151], %swap3A_154 {strides = array<i32>} : memref<64x128xf32, #tpu.memory_space<vmem>>, vector<1x16xf32>,
    %dma_wait3A_155 = arith.constant 0 : i32
    %dma_wait3A_156 = arith.constant 0 : i32
    %dma_wait3A_157 = tpu.memref_slice %arg6[%dma_wait3A_155, %dma_wait3A_156] : memref<128x50xi32, #tpu.memory_space<vmem>> -> memref<1x50xi32, #tpu.memory_space<vmem>>
    %dma_wait3A_158 = tpu.memref_squeeze %dma_wait3A_157 : memref<1x50xi32, #tpu.memory_space<vmem>> -> memref<50xi32, #tpu.memory_space<vmem>>
    %dma_wait3A_159 = arith.constant 0 : i32
    %dma_wait3A_160 = arith.constant 0 : i32
    %dma_wait3A_161 = tpu.memref_slice %arg3[%dma_wait3A_159, %dma_wait3A_160] : memref<100000x64xf32, #tpu.memory_space<hbm>> -> memref<100000x64xf32, #tpu.memory_space<hbm>>
    tpu.wait_indirect_dma semaphore(%arg13 : memref<!tpu.dma_semaphore, #tpu.memory_space<semaphore_mem>>) src(%dma_wait3A_161 : memref<100000x64xf32, #tpu.memory_space<hbm>>) dst(%arg8 : memref<100x64xf32, #tpu.memory_space<vmem>>)
    %broadcast_in_dim3A_162 = arith.constant 0.000000e+00 : f32
    %broadcast_in_dim3A_163 = vector.broadcast %broadcast_in_dim3A_162 : f32 to vector<16xf32>
    %scan3A_164 = arith.constant 0 : i32
    %scan3A_165 = arith.constant 25 : i32
    %scan3A_166 = arith.addi %scan3A_164, %scan3A_165 : i32
    %scan3A_167 = arith.constant 1 : i32
    %scan3A_168:8 = scf.for %scan3A_346 = %scan3A_164 to %scan3A_166 step %scan3A_167 iter_args(%scan3A_347 = %broadcast_in_dim3A_163, %scan3A_348 = %broadcast_in_dim3A_163, %scan3A_349 = %broadcast_in_dim3A_163, %scan3A_350 = %broadcast_in_dim3A_163, %scan3A_351 = %broadcast_in_dim3A_163, %scan3A_352 = %broadcast_in_dim3A_163, %scan3A_353 = %broadcast_in_dim3A_163, %scan3A_354 = %broadcast_in_dim3A_163) -> (vector<16xf32>, vector<16xf32>, vector<16xf32>, vector<16xf32>, vector<16xf32>, vector<16xf32>, vector<16xf32>, vector<16xf32>)  : i32 {
      %mul3A_355 = arith.constant 2 : i32
      %mul3A_356 = arith.muli %mul3A_355, %scan3A_346 : i32
      %add3A_357 = arith.constant 0 : i32
      %add3A_358 = arith.addi %add3A_357, %mul3A_356 : i32
      %add3A_359 = arith.constant 0 : i32
      %add3A_360 = arith.addi %add3A_358, %add3A_359 : i32
      %get3A = arith.index_cast %add3A_360 : i32 to index
      %get3A_361 = arith.constant 0 : index
      %get3A_362 = tpu.vector_load %arg8[%get3A, %get3A_361] {strides = array<i32>} : memref<100x64xf32, #tpu.memory_space<vmem>>, vector<1x16xf32>,
      %get3A_363 = vector.shape_cast %get3A_362 : vector<1x16xf32> to vector<16xf32>
      %add3A_364 = arith.addf %scan3A_347, %get3A_363 : vector<16xf32>
      %mul3A_365 = arith.constant 2 : i32
      %mul3A_366 = arith.muli %mul3A_365, %scan3A_346 : i32
      %add3A_367 = arith.constant 0 : i32
      %add3A_368 = arith.addi %add3A_367, %mul3A_366 : i32
      %add3A_369 = arith.constant 0 : i32
      %add3A_370 = arith.addi %add3A_368, %add3A_369 : i32
      %get3A_371 = arith.index_cast %add3A_370 : i32 to index
      %get3A_372 = arith.constant 16 : index
      %get3A_373 = tpu.vector_load %arg8[%get3A_371, %get3A_372] {strides = array<i32>} : memref<100x64xf32, #tpu.memory_space<vmem>>, vector<1x16xf32>,
      %get3A_374 = vector.shape_cast %get3A_373 : vector<1x16xf32> to vector<16xf32>
      %add3A_375 = arith.addf %scan3A_348, %get3A_374 : vector<16xf32>
      %mul3A_376 = arith.constant 2 : i32
      %mul3A_377 = arith.muli %mul3A_376, %scan3A_346 : i32
      %add3A_378 = arith.constant 0 : i32
      %add3A_379 = arith.addi %add3A_378, %mul3A_377 : i32
      %add3A_380 = arith.constant 0 : i32
      %add3A_381 = arith.addi %add3A_379, %add3A_380 : i32
      %get3A_382 = arith.index_cast %add3A_381 : i32 to index
      %get3A_383 = arith.constant 32 : index
      %get3A_384 = tpu.vector_load %arg8[%get3A_382, %get3A_383] {strides = array<i32>} : memref<100x64xf32, #tpu.memory_space<vmem>>, vector<1x16xf32>,
      %get3A_385 = vector.shape_cast %get3A_384 : vector<1x16xf32> to vector<16xf32>
      %add3A_386 = arith.addf %scan3A_349, %get3A_385 : vector<16xf32>
      %mul3A_387 = arith.constant 2 : i32
      %mul3A_388 = arith.muli %mul3A_387, %scan3A_346 : i32
      %add3A_389 = arith.constant 0 : i32
      %add3A_390 = arith.addi %add3A_389, %mul3A_388 : i32
      %add3A_391 = arith.constant 0 : i32
      %add3A_392 = arith.addi %add3A_390, %add3A_391 : i32
      %get3A_393 = arith.index_cast %add3A_392 : i32 to index
      %get3A_394 = arith.constant 48 : index
      %get3A_395 = tpu.vector_load %arg8[%get3A_393, %get3A_394] {strides = array<i32>} : memref<100x64xf32, #tpu.memory_space<vmem>>, vector<1x16xf32>,
      %get3A_396 = vector.shape_cast %get3A_395 : vector<1x16xf32> to vector<16xf32>
      %add3A_397 = arith.addf %scan3A_350, %get3A_396 : vector<16xf32>
      %mul3A_398 = arith.constant 2 : i32
      %mul3A_399 = arith.muli %mul3A_398, %scan3A_346 : i32
      %add3A_400 = arith.constant 50 : i32
      %add3A_401 = arith.addi %add3A_400, %mul3A_399 : i32
      %add3A_402 = arith.constant 0 : i32
      %add3A_403 = arith.addi %add3A_401, %add3A_402 : i32
      %get3A_404 = arith.index_cast %add3A_403 : i32 to index
      %get3A_405 = arith.constant 0 : index
      %get3A_406 = tpu.vector_load %arg8[%get3A_404, %get3A_405] {strides = array<i32>} : memref<100x64xf32, #tpu.memory_space<vmem>>, vector<1x16xf32>,
      %get3A_407 = vector.shape_cast %get3A_406 : vector<1x16xf32> to vector<16xf32>
      %add3A_408 = arith.addf %scan3A_351, %get3A_407 : vector<16xf32>
      %mul3A_409 = arith.constant 2 : i32
      %mul3A_410 = arith.muli %mul3A_409, %scan3A_346 : i32
      %add3A_411 = arith.constant 50 : i32
      %add3A_412 = arith.addi %add3A_411, %mul3A_410 : i32
      %add3A_413 = arith.constant 0 : i32
      %add3A_414 = arith.addi %add3A_412, %add3A_413 : i32
      %get3A_415 = arith.index_cast %add3A_414 : i32 to index
      %get3A_416 = arith.constant 16 : index
      %get3A_417 = tpu.vector_load %arg8[%get3A_415, %get3A_416] {strides = array<i32>} : memref<100x64xf32, #tpu.memory_space<vmem>>, vector<1x16xf32>,
      %get3A_418 = vector.shape_cast %get3A_417 : vector<1x16xf32> to vector<16xf32>
      %add3A_419 = arith.addf %scan3A_352, %get3A_418 : vector<16xf32>
      %mul3A_420 = arith.constant 2 : i32
      %mul3A_421 = arith.muli %mul3A_420, %scan3A_346 : i32
      %add3A_422 = arith.constant 50 : i32
      %add3A_423 = arith.addi %add3A_422, %mul3A_421 : i32
      %add3A_424 = arith.constant 0 : i32
      %add3A_425 = arith.addi %add3A_423, %add3A_424 : i32
      %get3A_426 = arith.index_cast %add3A_425 : i32 to index
      %get3A_427 = arith.constant 32 : index
      %get3A_428 = tpu.vector_load %arg8[%get3A_426, %get3A_427] {strides = array<i32>} : memref<100x64xf32, #tpu.memory_space<vmem>>, vector<1x16xf32>,
      %get3A_429 = vector.shape_cast %get3A_428 : vector<1x16xf32> to vector<16xf32>
      %add3A_430 = arith.addf %scan3A_353, %get3A_429 : vector<16xf32>
      %mul3A_431 = arith.constant 2 : i32
      %mul3A_432 = arith.muli %mul3A_431, %scan3A_346 : i32
      %add3A_433 = arith.constant 50 : i32
      %add3A_434 = arith.addi %add3A_433, %mul3A_432 : i32
      %add3A_435 = arith.constant 0 : i32
      %add3A_436 = arith.addi %add3A_434, %add3A_435 : i32
      %get3A_437 = arith.index_cast %add3A_436 : i32 to index
      %get3A_438 = arith.constant 48 : index
      %get3A_439 = tpu.vector_load %arg8[%get3A_437, %get3A_438] {strides = array<i32>} : memref<100x64xf32, #tpu.memory_space<vmem>>, vector<1x16xf32>,
      %get3A_440 = vector.shape_cast %get3A_439 : vector<1x16xf32> to vector<16xf32>
      %add3A_441 = arith.addf %scan3A_354, %get3A_440 : vector<16xf32>
      %mul3A_442 = arith.constant 2 : i32
      %mul3A_443 = arith.muli %mul3A_442, %scan3A_346 : i32
      %add3A_444 = arith.constant 0 : i32
      %add3A_445 = arith.addi %add3A_444, %mul3A_443 : i32
      %add3A_446 = arith.constant 1 : i32
      %add3A_447 = arith.addi %add3A_445, %add3A_446 : i32
      %get3A_448 = arith.index_cast %add3A_447 : i32 to index
      %get3A_449 = arith.constant 0 : index
      %get3A_450 = tpu.vector_load %arg8[%get3A_448, %get3A_449] {strides = array<i32>} : memref<100x64xf32, #tpu.memory_space<vmem>>, vector<1x16xf32>,
      %get3A_451 = vector.shape_cast %get3A_450 : vector<1x16xf32> to vector<16xf32>
      %add3A_452 = arith.addf %add3A_364, %get3A_451 : vector<16xf32>
      %mul3A_453 = arith.constant 2 : i32
      %mul3A_454 = arith.muli %mul3A_453, %scan3A_346 : i32
      %add3A_455 = arith.constant 0 : i32
      %add3A_456 = arith.addi %add3A_455, %mul3A_454 : i32
      %add3A_457 = arith.constant 1 : i32
      %add3A_458 = arith.addi %add3A_456, %add3A_457 : i32
      %get3A_459 = arith.index_cast %add3A_458 : i32 to index
      %get3A_460 = arith.constant 16 : index
      %get3A_461 = tpu.vector_load %arg8[%get3A_459, %get3A_460] {strides = array<i32>} : memref<100x64xf32, #tpu.memory_space<vmem>>, vector<1x16xf32>,
      %get3A_462 = vector.shape_cast %get3A_461 : vector<1x16xf32> to vector<16xf32>
      %add3A_463 = arith.addf %add3A_375, %get3A_462 : vector<16xf32>
      %mul3A_464 = arith.constant 2 : i32
      %mul3A_465 = arith.muli %mul3A_464, %scan3A_346 : i32
      %add3A_466 = arith.constant 0 : i32
      %add3A_467 = arith.addi %add3A_466, %mul3A_465 : i32
      %add3A_468 = arith.constant 1 : i32
      %add3A_469 = arith.addi %add3A_467, %add3A_468 : i32
      %get3A_470 = arith.index_cast %add3A_469 : i32 to index
      %get3A_471 = arith.constant 32 : index
      %get3A_472 = tpu.vector_load %arg8[%get3A_470, %get3A_471] {strides = array<i32>} : memref<100x64xf32, #tpu.memory_space<vmem>>, vector<1x16xf32>,
      %get3A_473 = vector.shape_cast %get3A_472 : vector<1x16xf32> to vector<16xf32>
      %add3A_474 = arith.addf %add3A_386, %get3A_473 : vector<16xf32>
      %mul3A_475 = arith.constant 2 : i32
      %mul3A_476 = arith.muli %mul3A_475, %scan3A_346 : i32
      %add3A_477 = arith.constant 0 : i32
      %add3A_478 = arith.addi %add3A_477, %mul3A_476 : i32
      %add3A_479 = arith.constant 1 : i32
      %add3A_480 = arith.addi %add3A_478, %add3A_479 : i32
      %get3A_481 = arith.index_cast %add3A_480 : i32 to index
      %get3A_482 = arith.constant 48 : index
      %get3A_483 = tpu.vector_load %arg8[%get3A_481, %get3A_482] {strides = array<i32>} : memref<100x64xf32, #tpu.memory_space<vmem>>, vector<1x16xf32>,
      %get3A_484 = vector.shape_cast %get3A_483 : vector<1x16xf32> to vector<16xf32>
      %add3A_485 = arith.addf %add3A_397, %get3A_484 : vector<16xf32>
      %mul3A_486 = arith.constant 2 : i32
      %mul3A_487 = arith.muli %mul3A_486, %scan3A_346 : i32
      %add3A_488 = arith.constant 50 : i32
      %add3A_489 = arith.addi %add3A_488, %mul3A_487 : i32
      %add3A_490 = arith.constant 1 : i32
      %add3A_491 = arith.addi %add3A_489, %add3A_490 : i32
      %get3A_492 = arith.index_cast %add3A_491 : i32 to index
      %get3A_493 = arith.constant 0 : index
      %get3A_494 = tpu.vector_load %arg8[%get3A_492, %get3A_493] {strides = array<i32>} : memref<100x64xf32, #tpu.memory_space<vmem>>, vector<1x16xf32>,
      %get3A_495 = vector.shape_cast %get3A_494 : vector<1x16xf32> to vector<16xf32>
      %add3A_496 = arith.addf %add3A_408, %get3A_495 : vector<16xf32>
      %mul3A_497 = arith.constant 2 : i32
      %mul3A_498 = arith.muli %mul3A_497, %scan3A_346 : i32
      %add3A_499 = arith.constant 50 : i32
      %add3A_500 = arith.addi %add3A_499, %mul3A_498 : i32
      %add3A_501 = arith.constant 1 : i32
      %add3A_502 = arith.addi %add3A_500, %add3A_501 : i32
      %get3A_503 = arith.index_cast %add3A_502 : i32 to index
      %get3A_504 = arith.constant 16 : index
      %get3A_505 = tpu.vector_load %arg8[%get3A_503, %get3A_504] {strides = array<i32>} : memref<100x64xf32, #tpu.memory_space<vmem>>, vector<1x16xf32>,
      %get3A_506 = vector.shape_cast %get3A_505 : vector<1x16xf32> to vector<16xf32>
      %add3A_507 = arith.addf %add3A_419, %get3A_506 : vector<16xf32>
      %mul3A_508 = arith.constant 2 : i32
      %mul3A_509 = arith.muli %mul3A_508, %scan3A_346 : i32
      %add3A_510 = arith.constant 50 : i32
      %add3A_511 = arith.addi %add3A_510, %mul3A_509 : i32
      %add3A_512 = arith.constant 1 : i32
      %add3A_513 = arith.addi %add3A_511, %add3A_512 : i32
      %get3A_514 = arith.index_cast %add3A_513 : i32 to index
      %get3A_515 = arith.constant 32 : index
      %get3A_516 = tpu.vector_load %arg8[%get3A_514, %get3A_515] {strides = array<i32>} : memref<100x64xf32, #tpu.memory_space<vmem>>, vector<1x16xf32>,
      %get3A_517 = vector.shape_cast %get3A_516 : vector<1x16xf32> to vector<16xf32>
      %add3A_518 = arith.addf %add3A_430, %get3A_517 : vector<16xf32>
      %mul3A_519 = arith.constant 2 : i32
      %mul3A_520 = arith.muli %mul3A_519, %scan3A_346 : i32
      %add3A_521 = arith.constant 50 : i32
      %add3A_522 = arith.addi %add3A_521, %mul3A_520 : i32
      %add3A_523 = arith.constant 1 : i32
      %add3A_524 = arith.addi %add3A_522, %add3A_523 : i32
      %get3A_525 = arith.index_cast %add3A_524 : i32 to index
      %get3A_526 = arith.constant 48 : index
      %get3A_527 = tpu.vector_load %arg8[%get3A_525, %get3A_526] {strides = array<i32>} : memref<100x64xf32, #tpu.memory_space<vmem>>, vector<1x16xf32>,
      %get3A_528 = vector.shape_cast %get3A_527 : vector<1x16xf32> to vector<16xf32>
      %add3A_529 = arith.addf %add3A_441, %get3A_528 : vector<16xf32>
      scf.yield %add3A_452, %add3A_463, %add3A_474, %add3A_485, %add3A_496, %add3A_507, %add3A_518, %add3A_529 : vector<16xf32>, vector<16xf32>, vector<16xf32>, vector<16xf32>, vector<16xf32>, vector<16xf32>, vector<16xf32>, vector<16xf32>
    }
    %scan3A_169 = arith.constant 25 : i32
    %swap3A_170 = arith.constant 61 : i32
    %swap3A_171 = arith.index_cast %swap3A_170 : i32 to index
    %swap3A_172 = arith.constant 0 : index
    %swap3A_173 = tpu.vector_load %arg11[%swap3A_171, %swap3A_172] {strides = array<i32>} : memref<64x128xf32, #tpu.memory_space<vmem>>, vector<1x16xf32>,
    %swap3A_174 = vector.shape_cast %swap3A_173 : vector<1x16xf32> to vector<16xf32>
    %swap3A_175 = vector.shape_cast %scan3A_168#0 : vector<16xf32> to vector<1x16xf32>
    tpu.vector_store %arg11[%swap3A_171, %swap3A_172], %swap3A_175 {strides = array<i32>} : memref<64x128xf32, #tpu.memory_space<vmem>>, vector<1x16xf32>,
    %swap3A_176 = arith.constant 61 : i32
    %swap3A_177 = arith.index_cast %swap3A_176 : i32 to index
    %swap3A_178 = arith.constant 16 : index
    %swap3A_179 = tpu.vector_load %arg11[%swap3A_177, %swap3A_178] {strides = array<i32>} : memref<64x128xf32, #tpu.memory_space<vmem>>, vector<1x16xf32>,
    %swap3A_180 = vector.shape_cast %swap3A_179 : vector<1x16xf32> to vector<16xf32>
    %swap3A_181 = vector.shape_cast %scan3A_168#1 : vector<16xf32> to vector<1x16xf32>
    tpu.vector_store %arg11[%swap3A_177, %swap3A_178], %swap3A_181 {strides = array<i32>} : memref<64x128xf32, #tpu.memory_space<vmem>>, vector<1x16xf32>,
    %swap3A_182 = arith.constant 61 : i32
    %swap3A_183 = arith.index_cast %swap3A_182 : i32 to index
    %swap3A_184 = arith.constant 32 : index
    %swap3A_185 = tpu.vector_load %arg11[%swap3A_183, %swap3A_184] {strides = array<i32>} : memref<64x128xf32, #tpu.memory_space<vmem>>, vector<1x16xf32>,
    %swap3A_186 = vector.shape_cast %swap3A_185 : vector<1x16xf32> to vector<16xf32>
    %swap3A_187 = vector.shape_cast %scan3A_168#2 : vector<16xf32> to vector<1x16xf32>
    tpu.vector_store %arg11[%swap3A_183, %swap3A_184], %swap3A_187 {strides = array<i32>} : memref<64x128xf32, #tpu.memory_space<vmem>>, vector<1x16xf32>,
    %swap3A_188 = arith.constant 61 : i32
    %swap3A_189 = arith.index_cast %swap3A_188 : i32 to index
    %swap3A_190 = arith.constant 48 : index
    %swap3A_191 = tpu.vector_load %arg11[%swap3A_189, %swap3A_190] {strides = array<i32>} : memref<64x128xf32, #tpu.memory_space<vmem>>, vector<1x16xf32>,
    %swap3A_192 = vector.shape_cast %swap3A_191 : vector<1x16xf32> to vector<16xf32>
    %swap3A_193 = vector.shape_cast %scan3A_168#3 : vector<16xf32> to vector<1x16xf32>
    tpu.vector_store %arg11[%swap3A_189, %swap3A_190], %swap3A_193 {strides = array<i32>} : memref<64x128xf32, #tpu.memory_space<vmem>>, vector<1x16xf32>,
    %swap3A_194 = arith.constant 61 : i32
    %swap3A_195 = arith.index_cast %swap3A_194 : i32 to index
    %swap3A_196 = arith.constant 64 : index
    %swap3A_197 = tpu.vector_load %arg11[%swap3A_195, %swap3A_196] {strides = array<i32>} : memref<64x128xf32, #tpu.memory_space<vmem>>, vector<1x16xf32>,
    %swap3A_198 = vector.shape_cast %swap3A_197 : vector<1x16xf32> to vector<16xf32>
    %swap3A_199 = vector.shape_cast %scan3A_168#4 : vector<16xf32> to vector<1x16xf32>
    tpu.vector_store %arg11[%swap3A_195, %swap3A_196], %swap3A_199 {strides = array<i32>} : memref<64x128xf32, #tpu.memory_space<vmem>>, vector<1x16xf32>,
    %swap3A_200 = arith.constant 61 : i32
    %swap3A_201 = arith.index_cast %swap3A_200 : i32 to index
    %swap3A_202 = arith.constant 80 : index
    %swap3A_203 = tpu.vector_load %arg11[%swap3A_201, %swap3A_202] {strides = array<i32>} : memref<64x128xf32, #tpu.memory_space<vmem>>, vector<1x16xf32>,
    %swap3A_204 = vector.shape_cast %swap3A_203 : vector<1x16xf32> to vector<16xf32>
    %swap3A_205 = vector.shape_cast %scan3A_168#5 : vector<16xf32> to vector<1x16xf32>
    tpu.vector_store %arg11[%swap3A_201, %swap3A_202], %swap3A_205 {strides = array<i32>} : memref<64x128xf32, #tpu.memory_space<vmem>>, vector<1x16xf32>,
    %swap3A_206 = arith.constant 61 : i32
    %swap3A_207 = arith.index_cast %swap3A_206 : i32 to index
    %swap3A_208 = arith.constant 96 : index
    %swap3A_209 = tpu.vector_load %arg11[%swap3A_207, %swap3A_208] {strides = array<i32>} : memref<64x128xf32, #tpu.memory_space<vmem>>, vector<1x16xf32>,
    %swap3A_210 = vector.shape_cast %swap3A_209 : vector<1x16xf32> to vector<16xf32>
    %swap3A_211 = vector.shape_cast %scan3A_168#6 : vector<16xf32> to vector<1x16xf32>
    tpu.vector_store %arg11[%swap3A_207, %swap3A_208], %swap3A_211 {strides = array<i32>} : memref<64x128xf32, #tpu.memory_space<vmem>>, vector<1x16xf32>,
    %swap3A_212 = arith.constant 61 : i32
    %swap3A_213 = arith.index_cast %swap3A_212 : i32 to index
    %swap3A_214 = arith.constant 112 : index
    %swap3A_215 = tpu.vector_load %arg11[%swap3A_213, %swap3A_214] {strides = array<i32>} : memref<64x128xf32, #tpu.memory_space<vmem>>, vector<1x16xf32>,
    %swap3A_216 = vector.shape_cast %swap3A_215 : vector<1x16xf32> to vector<16xf32>
    %swap3A_217 = vector.shape_cast %scan3A_168#7 : vector<16xf32> to vector<1x16xf32>
    tpu.vector_store %arg11[%swap3A_213, %swap3A_214], %swap3A_217 {strides = array<i32>} : memref<64x128xf32, #tpu.memory_space<vmem>>, vector<1x16xf32>,
    %dma_wait3A_218 = arith.constant 0 : i32
    %dma_wait3A_219 = arith.constant 0 : i32
    %dma_wait3A_220 = tpu.memref_slice %arg6[%dma_wait3A_218, %dma_wait3A_219] : memref<128x50xi32, #tpu.memory_space<vmem>> -> memref<1x50xi32, #tpu.memory_space<vmem>>
    %dma_wait3A_221 = tpu.memref_squeeze %dma_wait3A_220 : memref<1x50xi32, #tpu.memory_space<vmem>> -> memref<50xi32, #tpu.memory_space<vmem>>
    %dma_wait3A_222 = arith.constant 0 : i32
    %dma_wait3A_223 = arith.constant 0 : i32
    %dma_wait3A_224 = tpu.memref_slice %arg3[%dma_wait3A_222, %dma_wait3A_223] : memref<100000x64xf32, #tpu.memory_space<hbm>> -> memref<100000x64xf32, #tpu.memory_space<hbm>>
    tpu.wait_indirect_dma semaphore(%arg14 : memref<!tpu.dma_semaphore, #tpu.memory_space<semaphore_mem>>) src(%dma_wait3A_224 : memref<100000x64xf32, #tpu.memory_space<hbm>>) dst(%arg9 : memref<100x64xf32, #tpu.memory_space<vmem>>)
    %broadcast_in_dim3A_225 = arith.constant 0.000000e+00 : f32
    %broadcast_in_dim3A_226 = vector.broadcast %broadcast_in_dim3A_225 : f32 to vector<16xf32>
    %scan3A_227 = arith.constant 0 : i32
    %scan3A_228 = arith.constant 25 : i32
    %scan3A_229 = arith.addi %scan3A_227, %scan3A_228 : i32
    %scan3A_230 = arith.constant 1 : i32
    %scan3A_231:8 = scf.for %scan3A_346 = %scan3A_227 to %scan3A_229 step %scan3A_230 iter_args(%scan3A_347 = %broadcast_in_dim3A_226, %scan3A_348 = %broadcast_in_dim3A_226, %scan3A_349 = %broadcast_in_dim3A_226, %scan3A_350 = %broadcast_in_dim3A_226, %scan3A_351 = %broadcast_in_dim3A_226, %scan3A_352 = %broadcast_in_dim3A_226, %scan3A_353 = %broadcast_in_dim3A_226, %scan3A_354 = %broadcast_in_dim3A_226) -> (vector<16xf32>, vector<16xf32>, vector<16xf32>, vector<16xf32>, vector<16xf32>, vector<16xf32>, vector<16xf32>, vector<16xf32>)  : i32 {
      %mul3A_355 = arith.constant 2 : i32
      %mul3A_356 = arith.muli %mul3A_355, %scan3A_346 : i32
      %add3A_357 = arith.constant 0 : i32
      %add3A_358 = arith.addi %add3A_357, %mul3A_356 : i32
      %add3A_359 = arith.constant 0 : i32
      %add3A_360 = arith.addi %add3A_358, %add3A_359 : i32
      %get3A = arith.index_cast %add3A_360 : i32 to index
      %get3A_361 = arith.constant 0 : index
      %get3A_362 = tpu.vector_load %arg9[%get3A, %get3A_361] {strides = array<i32>} : memref<100x64xf32, #tpu.memory_space<vmem>>, vector<1x16xf32>,
      %get3A_363 = vector.shape_cast %get3A_362 : vector<1x16xf32> to vector<16xf32>
      %add3A_364 = arith.addf %scan3A_347, %get3A_363 : vector<16xf32>
      %mul3A_365 = arith.constant 2 : i32
      %mul3A_366 = arith.muli %mul3A_365, %scan3A_346 : i32
      %add3A_367 = arith.constant 0 : i32
      %add3A_368 = arith.addi %add3A_367, %mul3A_366 : i32
      %add3A_369 = arith.constant 0 : i32
      %add3A_370 = arith.addi %add3A_368, %add3A_369 : i32
      %get3A_371 = arith.index_cast %add3A_370 : i32 to index
      %get3A_372 = arith.constant 16 : index
      %get3A_373 = tpu.vector_load %arg9[%get3A_371, %get3A_372] {strides = array<i32>} : memref<100x64xf32, #tpu.memory_space<vmem>>, vector<1x16xf32>,
      %get3A_374 = vector.shape_cast %get3A_373 : vector<1x16xf32> to vector<16xf32>
      %add3A_375 = arith.addf %scan3A_348, %get3A_374 : vector<16xf32>
      %mul3A_376 = arith.constant 2 : i32
      %mul3A_377 = arith.muli %mul3A_376, %scan3A_346 : i32
      %add3A_378 = arith.constant 0 : i32
      %add3A_379 = arith.addi %add3A_378, %mul3A_377 : i32
      %add3A_380 = arith.constant 0 : i32
      %add3A_381 = arith.addi %add3A_379, %add3A_380 : i32
      %get3A_382 = arith.index_cast %add3A_381 : i32 to index
      %get3A_383 = arith.constant 32 : index
      %get3A_384 = tpu.vector_load %arg9[%get3A_382, %get3A_383] {strides = array<i32>} : memref<100x64xf32, #tpu.memory_space<vmem>>, vector<1x16xf32>,
      %get3A_385 = vector.shape_cast %get3A_384 : vector<1x16xf32> to vector<16xf32>
      %add3A_386 = arith.addf %scan3A_349, %get3A_385 : vector<16xf32>
      %mul3A_387 = arith.constant 2 : i32
      %mul3A_388 = arith.muli %mul3A_387, %scan3A_346 : i32
      %add3A_389 = arith.constant 0 : i32
      %add3A_390 = arith.addi %add3A_389, %mul3A_388 : i32
      %add3A_391 = arith.constant 0 : i32
      %add3A_392 = arith.addi %add3A_390, %add3A_391 : i32
      %get3A_393 = arith.index_cast %add3A_392 : i32 to index
      %get3A_394 = arith.constant 48 : index
      %get3A_395 = tpu.vector_load %arg9[%get3A_393, %get3A_394] {strides = array<i32>} : memref<100x64xf32, #tpu.memory_space<vmem>>, vector<1x16xf32>,
      %get3A_396 = vector.shape_cast %get3A_395 : vector<1x16xf32> to vector<16xf32>
      %add3A_397 = arith.addf %scan3A_350, %get3A_396 : vector<16xf32>
      %mul3A_398 = arith.constant 2 : i32
      %mul3A_399 = arith.muli %mul3A_398, %scan3A_346 : i32
      %add3A_400 = arith.constant 50 : i32
      %add3A_401 = arith.addi %add3A_400, %mul3A_399 : i32
      %add3A_402 = arith.constant 0 : i32
      %add3A_403 = arith.addi %add3A_401, %add3A_402 : i32
      %get3A_404 = arith.index_cast %add3A_403 : i32 to index
      %get3A_405 = arith.constant 0 : index
      %get3A_406 = tpu.vector_load %arg9[%get3A_404, %get3A_405] {strides = array<i32>} : memref<100x64xf32, #tpu.memory_space<vmem>>, vector<1x16xf32>,
      %get3A_407 = vector.shape_cast %get3A_406 : vector<1x16xf32> to vector<16xf32>
      %add3A_408 = arith.addf %scan3A_351, %get3A_407 : vector<16xf32>
      %mul3A_409 = arith.constant 2 : i32
      %mul3A_410 = arith.muli %mul3A_409, %scan3A_346 : i32
      %add3A_411 = arith.constant 50 : i32
      %add3A_412 = arith.addi %add3A_411, %mul3A_410 : i32
      %add3A_413 = arith.constant 0 : i32
      %add3A_414 = arith.addi %add3A_412, %add3A_413 : i32
      %get3A_415 = arith.index_cast %add3A_414 : i32 to index
      %get3A_416 = arith.constant 16 : index
      %get3A_417 = tpu.vector_load %arg9[%get3A_415, %get3A_416] {strides = array<i32>} : memref<100x64xf32, #tpu.memory_space<vmem>>, vector<1x16xf32>,
      %get3A_418 = vector.shape_cast %get3A_417 : vector<1x16xf32> to vector<16xf32>
      %add3A_419 = arith.addf %scan3A_352, %get3A_418 : vector<16xf32>
      %mul3A_420 = arith.constant 2 : i32
      %mul3A_421 = arith.muli %mul3A_420, %scan3A_346 : i32
      %add3A_422 = arith.constant 50 : i32
      %add3A_423 = arith.addi %add3A_422, %mul3A_421 : i32
      %add3A_424 = arith.constant 0 : i32
      %add3A_425 = arith.addi %add3A_423, %add3A_424 : i32
      %get3A_426 = arith.index_cast %add3A_425 : i32 to index
      %get3A_427 = arith.constant 32 : index
      %get3A_428 = tpu.vector_load %arg9[%get3A_426, %get3A_427] {strides = array<i32>} : memref<100x64xf32, #tpu.memory_space<vmem>>, vector<1x16xf32>,
      %get3A_429 = vector.shape_cast %get3A_428 : vector<1x16xf32> to vector<16xf32>
      %add3A_430 = arith.addf %scan3A_353, %get3A_429 : vector<16xf32>
      %mul3A_431 = arith.constant 2 : i32
      %mul3A_432 = arith.muli %mul3A_431, %scan3A_346 : i32
      %add3A_433 = arith.constant 50 : i32
      %add3A_434 = arith.addi %add3A_433, %mul3A_432 : i32
      %add3A_435 = arith.constant 0 : i32
      %add3A_436 = arith.addi %add3A_434, %add3A_435 : i32
      %get3A_437 = arith.index_cast %add3A_436 : i32 to index
      %get3A_438 = arith.constant 48 : index
      %get3A_439 = tpu.vector_load %arg9[%get3A_437, %get3A_438] {strides = array<i32>} : memref<100x64xf32, #tpu.memory_space<vmem>>, vector<1x16xf32>,
      %get3A_440 = vector.shape_cast %get3A_439 : vector<1x16xf32> to vector<16xf32>
      %add3A_441 = arith.addf %scan3A_354, %get3A_440 : vector<16xf32>
      %mul3A_442 = arith.constant 2 : i32
      %mul3A_443 = arith.muli %mul3A_442, %scan3A_346 : i32
      %add3A_444 = arith.constant 0 : i32
      %add3A_445 = arith.addi %add3A_444, %mul3A_443 : i32
      %add3A_446 = arith.constant 1 : i32
      %add3A_447 = arith.addi %add3A_445, %add3A_446 : i32
      %get3A_448 = arith.index_cast %add3A_447 : i32 to index
      %get3A_449 = arith.constant 0 : index
      %get3A_450 = tpu.vector_load %arg9[%get3A_448, %get3A_449] {strides = array<i32>} : memref<100x64xf32, #tpu.memory_space<vmem>>, vector<1x16xf32>,
      %get3A_451 = vector.shape_cast %get3A_450 : vector<1x16xf32> to vector<16xf32>
      %add3A_452 = arith.addf %add3A_364, %get3A_451 : vector<16xf32>
      %mul3A_453 = arith.constant 2 : i32
      %mul3A_454 = arith.muli %mul3A_453, %scan3A_346 : i32
      %add3A_455 = arith.constant 0 : i32
      %add3A_456 = arith.addi %add3A_455, %mul3A_454 : i32
      %add3A_457 = arith.constant 1 : i32
      %add3A_458 = arith.addi %add3A_456, %add3A_457 : i32
      %get3A_459 = arith.index_cast %add3A_458 : i32 to index
      %get3A_460 = arith.constant 16 : index
      %get3A_461 = tpu.vector_load %arg9[%get3A_459, %get3A_460] {strides = array<i32>} : memref<100x64xf32, #tpu.memory_space<vmem>>, vector<1x16xf32>,
      %get3A_462 = vector.shape_cast %get3A_461 : vector<1x16xf32> to vector<16xf32>
      %add3A_463 = arith.addf %add3A_375, %get3A_462 : vector<16xf32>
      %mul3A_464 = arith.constant 2 : i32
      %mul3A_465 = arith.muli %mul3A_464, %scan3A_346 : i32
      %add3A_466 = arith.constant 0 : i32
      %add3A_467 = arith.addi %add3A_466, %mul3A_465 : i32
      %add3A_468 = arith.constant 1 : i32
      %add3A_469 = arith.addi %add3A_467, %add3A_468 : i32
      %get3A_470 = arith.index_cast %add3A_469 : i32 to index
      %get3A_471 = arith.constant 32 : index
      %get3A_472 = tpu.vector_load %arg9[%get3A_470, %get3A_471] {strides = array<i32>} : memref<100x64xf32, #tpu.memory_space<vmem>>, vector<1x16xf32>,
      %get3A_473 = vector.shape_cast %get3A_472 : vector<1x16xf32> to vector<16xf32>
      %add3A_474 = arith.addf %add3A_386, %get3A_473 : vector<16xf32>
      %mul3A_475 = arith.constant 2 : i32
      %mul3A_476 = arith.muli %mul3A_475, %scan3A_346 : i32
      %add3A_477 = arith.constant 0 : i32
      %add3A_478 = arith.addi %add3A_477, %mul3A_476 : i32
      %add3A_479 = arith.constant 1 : i32
      %add3A_480 = arith.addi %add3A_478, %add3A_479 : i32
      %get3A_481 = arith.index_cast %add3A_480 : i32 to index
      %get3A_482 = arith.constant 48 : index
      %get3A_483 = tpu.vector_load %arg9[%get3A_481, %get3A_482] {strides = array<i32>} : memref<100x64xf32, #tpu.memory_space<vmem>>, vector<1x16xf32>,
      %get3A_484 = vector.shape_cast %get3A_483 : vector<1x16xf32> to vector<16xf32>
      %add3A_485 = arith.addf %add3A_397, %get3A_484 : vector<16xf32>
      %mul3A_486 = arith.constant 2 : i32
      %mul3A_487 = arith.muli %mul3A_486, %scan3A_346 : i32
      %add3A_488 = arith.constant 50 : i32
      %add3A_489 = arith.addi %add3A_488, %mul3A_487 : i32
      %add3A_490 = arith.constant 1 : i32
      %add3A_491 = arith.addi %add3A_489, %add3A_490 : i32
      %get3A_492 = arith.index_cast %add3A_491 : i32 to index
      %get3A_493 = arith.constant 0 : index
      %get3A_494 = tpu.vector_load %arg9[%get3A_492, %get3A_493] {strides = array<i32>} : memref<100x64xf32, #tpu.memory_space<vmem>>, vector<1x16xf32>,
      %get3A_495 = vector.shape_cast %get3A_494 : vector<1x16xf32> to vector<16xf32>
      %add3A_496 = arith.addf %add3A_408, %get3A_495 : vector<16xf32>
      %mul3A_497 = arith.constant 2 : i32
      %mul3A_498 = arith.muli %mul3A_497, %scan3A_346 : i32
      %add3A_499 = arith.constant 50 : i32
      %add3A_500 = arith.addi %add3A_499, %mul3A_498 : i32
      %add3A_501 = arith.constant 1 : i32
      %add3A_502 = arith.addi %add3A_500, %add3A_501 : i32
      %get3A_503 = arith.index_cast %add3A_502 : i32 to index
      %get3A_504 = arith.constant 16 : index
      %get3A_505 = tpu.vector_load %arg9[%get3A_503, %get3A_504] {strides = array<i32>} : memref<100x64xf32, #tpu.memory_space<vmem>>, vector<1x16xf32>,
      %get3A_506 = vector.shape_cast %get3A_505 : vector<1x16xf32> to vector<16xf32>
      %add3A_507 = arith.addf %add3A_419, %get3A_506 : vector<16xf32>
      %mul3A_508 = arith.constant 2 : i32
      %mul3A_509 = arith.muli %mul3A_508, %scan3A_346 : i32
      %add3A_510 = arith.constant 50 : i32
      %add3A_511 = arith.addi %add3A_510, %mul3A_509 : i32
      %add3A_512 = arith.constant 1 : i32
      %add3A_513 = arith.addi %add3A_511, %add3A_512 : i32
      %get3A_514 = arith.index_cast %add3A_513 : i32 to index
      %get3A_515 = arith.constant 32 : index
      %get3A_516 = tpu.vector_load %arg9[%get3A_514, %get3A_515] {strides = array<i32>} : memref<100x64xf32, #tpu.memory_space<vmem>>, vector<1x16xf32>,
      %get3A_517 = vector.shape_cast %get3A_516 : vector<1x16xf32> to vector<16xf32>
      %add3A_518 = arith.addf %add3A_430, %get3A_517 : vector<16xf32>
      %mul3A_519 = arith.constant 2 : i32
      %mul3A_520 = arith.muli %mul3A_519, %scan3A_346 : i32
      %add3A_521 = arith.constant 50 : i32
      %add3A_522 = arith.addi %add3A_521, %mul3A_520 : i32
      %add3A_523 = arith.constant 1 : i32
      %add3A_524 = arith.addi %add3A_522, %add3A_523 : i32
      %get3A_525 = arith.index_cast %add3A_524 : i32 to index
      %get3A_526 = arith.constant 48 : index
      %get3A_527 = tpu.vector_load %arg9[%get3A_525, %get3A_526] {strides = array<i32>} : memref<100x64xf32, #tpu.memory_space<vmem>>, vector<1x16xf32>,
      %get3A_528 = vector.shape_cast %get3A_527 : vector<1x16xf32> to vector<16xf32>
      %add3A_529 = arith.addf %add3A_441, %get3A_528 : vector<16xf32>
      scf.yield %add3A_452, %add3A_463, %add3A_474, %add3A_485, %add3A_496, %add3A_507, %add3A_518, %add3A_529 : vector<16xf32>, vector<16xf32>, vector<16xf32>, vector<16xf32>, vector<16xf32>, vector<16xf32>, vector<16xf32>, vector<16xf32>
    }
    %scan3A_232 = arith.constant 25 : i32
    %swap3A_233 = arith.constant 62 : i32
    %swap3A_234 = arith.index_cast %swap3A_233 : i32 to index
    %swap3A_235 = arith.constant 0 : index
    %swap3A_236 = tpu.vector_load %arg11[%swap3A_234, %swap3A_235] {strides = array<i32>} : memref<64x128xf32, #tpu.memory_space<vmem>>, vector<1x16xf32>,
    %swap3A_237 = vector.shape_cast %swap3A_236 : vector<1x16xf32> to vector<16xf32>
    %swap3A_238 = vector.shape_cast %scan3A_231#0 : vector<16xf32> to vector<1x16xf32>
    tpu.vector_store %arg11[%swap3A_234, %swap3A_235], %swap3A_238 {strides = array<i32>} : memref<64x128xf32, #tpu.memory_space<vmem>>, vector<1x16xf32>,
    %swap3A_239 = arith.constant 62 : i32
    %swap3A_240 = arith.index_cast %swap3A_239 : i32 to index
    %swap3A_241 = arith.constant 16 : index
    %swap3A_242 = tpu.vector_load %arg11[%swap3A_240, %swap3A_241] {strides = array<i32>} : memref<64x128xf32, #tpu.memory_space<vmem>>, vector<1x16xf32>,
    %swap3A_243 = vector.shape_cast %swap3A_242 : vector<1x16xf32> to vector<16xf32>
    %swap3A_244 = vector.shape_cast %scan3A_231#1 : vector<16xf32> to vector<1x16xf32>
    tpu.vector_store %arg11[%swap3A_240, %swap3A_241], %swap3A_244 {strides = array<i32>} : memref<64x128xf32, #tpu.memory_space<vmem>>, vector<1x16xf32>,
    %swap3A_245 = arith.constant 62 : i32
    %swap3A_246 = arith.index_cast %swap3A_245 : i32 to index
    %swap3A_247 = arith.constant 32 : index
    %swap3A_248 = tpu.vector_load %arg11[%swap3A_246, %swap3A_247] {strides = array<i32>} : memref<64x128xf32, #tpu.memory_space<vmem>>, vector<1x16xf32>,
    %swap3A_249 = vector.shape_cast %swap3A_248 : vector<1x16xf32> to vector<16xf32>
    %swap3A_250 = vector.shape_cast %scan3A_231#2 : vector<16xf32> to vector<1x16xf32>
    tpu.vector_store %arg11[%swap3A_246, %swap3A_247], %swap3A_250 {strides = array<i32>} : memref<64x128xf32, #tpu.memory_space<vmem>>, vector<1x16xf32>,
    %swap3A_251 = arith.constant 62 : i32
    %swap3A_252 = arith.index_cast %swap3A_251 : i32 to index
    %swap3A_253 = arith.constant 48 : index
    %swap3A_254 = tpu.vector_load %arg11[%swap3A_252, %swap3A_253] {strides = array<i32>} : memref<64x128xf32, #tpu.memory_space<vmem>>, vector<1x16xf32>,
    %swap3A_255 = vector.shape_cast %swap3A_254 : vector<1x16xf32> to vector<16xf32>
    %swap3A_256 = vector.shape_cast %scan3A_231#3 : vector<16xf32> to vector<1x16xf32>
    tpu.vector_store %arg11[%swap3A_252, %swap3A_253], %swap3A_256 {strides = array<i32>} : memref<64x128xf32, #tpu.memory_space<vmem>>, vector<1x16xf32>,
    %swap3A_257 = arith.constant 62 : i32
    %swap3A_258 = arith.index_cast %swap3A_257 : i32 to index
    %swap3A_259 = arith.constant 64 : index
    %swap3A_260 = tpu.vector_load %arg11[%swap3A_258, %swap3A_259] {strides = array<i32>} : memref<64x128xf32, #tpu.memory_space<vmem>>, vector<1x16xf32>,
    %swap3A_261 = vector.shape_cast %swap3A_260 : vector<1x16xf32> to vector<16xf32>
    %swap3A_262 = vector.shape_cast %scan3A_231#4 : vector<16xf32> to vector<1x16xf32>
    tpu.vector_store %arg11[%swap3A_258, %swap3A_259], %swap3A_262 {strides = array<i32>} : memref<64x128xf32, #tpu.memory_space<vmem>>, vector<1x16xf32>,
    %swap3A_263 = arith.constant 62 : i32
    %swap3A_264 = arith.index_cast %swap3A_263 : i32 to index
    %swap3A_265 = arith.constant 80 : index
    %swap3A_266 = tpu.vector_load %arg11[%swap3A_264, %swap3A_265] {strides = array<i32>} : memref<64x128xf32, #tpu.memory_space<vmem>>, vector<1x16xf32>,
    %swap3A_267 = vector.shape_cast %swap3A_266 : vector<1x16xf32> to vector<16xf32>
    %swap3A_268 = vector.shape_cast %scan3A_231#5 : vector<16xf32> to vector<1x16xf32>
    tpu.vector_store %arg11[%swap3A_264, %swap3A_265], %swap3A_268 {strides = array<i32>} : memref<64x128xf32, #tpu.memory_space<vmem>>, vector<1x16xf32>,
    %swap3A_269 = arith.constant 62 : i32
    %swap3A_270 = arith.index_cast %swap3A_269 : i32 to index
    %swap3A_271 = arith.constant 96 : index
    %swap3A_272 = tpu.vector_load %arg11[%swap3A_270, %swap3A_271] {strides = array<i32>} : memref<64x128xf32, #tpu.memory_space<vmem>>, vector<1x16xf32>,
    %swap3A_273 = vector.shape_cast %swap3A_272 : vector<1x16xf32> to vector<16xf32>
    %swap3A_274 = vector.shape_cast %scan3A_231#6 : vector<16xf32> to vector<1x16xf32>
    tpu.vector_store %arg11[%swap3A_270, %swap3A_271], %swap3A_274 {strides = array<i32>} : memref<64x128xf32, #tpu.memory_space<vmem>>, vector<1x16xf32>,
    %swap3A_275 = arith.constant 62 : i32
    %swap3A_276 = arith.index_cast %swap3A_275 : i32 to index
    %swap3A_277 = arith.constant 112 : index
    %swap3A_278 = tpu.vector_load %arg11[%swap3A_276, %swap3A_277] {strides = array<i32>} : memref<64x128xf32, #tpu.memory_space<vmem>>, vector<1x16xf32>,
    %swap3A_279 = vector.shape_cast %swap3A_278 : vector<1x16xf32> to vector<16xf32>
    %swap3A_280 = vector.shape_cast %scan3A_231#7 : vector<16xf32> to vector<1x16xf32>
    tpu.vector_store %arg11[%swap3A_276, %swap3A_277], %swap3A_280 {strides = array<i32>} : memref<64x128xf32, #tpu.memory_space<vmem>>, vector<1x16xf32>,
    %dma_wait3A_281 = arith.constant 0 : i32
    %dma_wait3A_282 = arith.constant 0 : i32
    %dma_wait3A_283 = tpu.memref_slice %arg6[%dma_wait3A_281, %dma_wait3A_282] : memref<128x50xi32, #tpu.memory_space<vmem>> -> memref<1x50xi32, #tpu.memory_space<vmem>>
    %dma_wait3A_284 = tpu.memref_squeeze %dma_wait3A_283 : memref<1x50xi32, #tpu.memory_space<vmem>> -> memref<50xi32, #tpu.memory_space<vmem>>
    %dma_wait3A_285 = arith.constant 0 : i32
    %dma_wait3A_286 = arith.constant 0 : i32
    %dma_wait3A_287 = tpu.memref_slice %arg3[%dma_wait3A_285, %dma_wait3A_286] : memref<100000x64xf32, #tpu.memory_space<hbm>> -> memref<100000x64xf32, #tpu.memory_space<hbm>>
    tpu.wait_indirect_dma semaphore(%arg15 : memref<!tpu.dma_semaphore, #tpu.memory_space<semaphore_mem>>) src(%dma_wait3A_287 : memref<100000x64xf32, #tpu.memory_space<hbm>>) dst(%arg10 : memref<100x64xf32, #tpu.memory_space<vmem>>)
    %broadcast_in_dim3A_288 = arith.constant 0.000000e+00 : f32
    %broadcast_in_dim3A_289 = vector.broadcast %broadcast_in_dim3A_288 : f32 to vector<16xf32>
    %scan3A_290 = arith.constant 0 : i32
    %scan3A_291 = arith.constant 25 : i32
    %scan3A_292 = arith.addi %scan3A_290, %scan3A_291 : i32
    %scan3A_293 = arith.constant 1 : i32
    %scan3A_294:8 = scf.for %scan3A_346 = %scan3A_290 to %scan3A_292 step %scan3A_293 iter_args(%scan3A_347 = %broadcast_in_dim3A_289, %scan3A_348 = %broadcast_in_dim3A_289, %scan3A_349 = %broadcast_in_dim3A_289, %scan3A_350 = %broadcast_in_dim3A_289, %scan3A_351 = %broadcast_in_dim3A_289, %scan3A_352 = %broadcast_in_dim3A_289, %scan3A_353 = %broadcast_in_dim3A_289, %scan3A_354 = %broadcast_in_dim3A_289) -> (vector<16xf32>, vector<16xf32>, vector<16xf32>, vector<16xf32>, vector<16xf32>, vector<16xf32>, vector<16xf32>, vector<16xf32>)  : i32 {
      %mul3A_355 = arith.constant 2 : i32
      %mul3A_356 = arith.muli %mul3A_355, %scan3A_346 : i32
      %add3A_357 = arith.constant 0 : i32
      %add3A_358 = arith.addi %add3A_357, %mul3A_356 : i32
      %add3A_359 = arith.constant 0 : i32
      %add3A_360 = arith.addi %add3A_358, %add3A_359 : i32
      %get3A = arith.index_cast %add3A_360 : i32 to index
      %get3A_361 = arith.constant 0 : index
      %get3A_362 = tpu.vector_load %arg10[%get3A, %get3A_361] {strides = array<i32>} : memref<100x64xf32, #tpu.memory_space<vmem>>, vector<1x16xf32>,
      %get3A_363 = vector.shape_cast %get3A_362 : vector<1x16xf32> to vector<16xf32>
      %add3A_364 = arith.addf %scan3A_347, %get3A_363 : vector<16xf32>
      %mul3A_365 = arith.constant 2 : i32
      %mul3A_366 = arith.muli %mul3A_365, %scan3A_346 : i32
      %add3A_367 = arith.constant 0 : i32
      %add3A_368 = arith.addi %add3A_367, %mul3A_366 : i32
      %add3A_369 = arith.constant 0 : i32
      %add3A_370 = arith.addi %add3A_368, %add3A_369 : i32
      %get3A_371 = arith.index_cast %add3A_370 : i32 to index
      %get3A_372 = arith.constant 16 : index
      %get3A_373 = tpu.vector_load %arg10[%get3A_371, %get3A_372] {strides = array<i32>} : memref<100x64xf32, #tpu.memory_space<vmem>>, vector<1x16xf32>,
      %get3A_374 = vector.shape_cast %get3A_373 : vector<1x16xf32> to vector<16xf32>
      %add3A_375 = arith.addf %scan3A_348, %get3A_374 : vector<16xf32>
      %mul3A_376 = arith.constant 2 : i32
      %mul3A_377 = arith.muli %mul3A_376, %scan3A_346 : i32
      %add3A_378 = arith.constant 0 : i32
      %add3A_379 = arith.addi %add3A_378, %mul3A_377 : i32
      %add3A_380 = arith.constant 0 : i32
      %add3A_381 = arith.addi %add3A_379, %add3A_380 : i32
      %get3A_382 = arith.index_cast %add3A_381 : i32 to index
      %get3A_383 = arith.constant 32 : index
      %get3A_384 = tpu.vector_load %arg10[%get3A_382, %get3A_383] {strides = array<i32>} : memref<100x64xf32, #tpu.memory_space<vmem>>, vector<1x16xf32>,
      %get3A_385 = vector.shape_cast %get3A_384 : vector<1x16xf32> to vector<16xf32>
      %add3A_386 = arith.addf %scan3A_349, %get3A_385 : vector<16xf32>
      %mul3A_387 = arith.constant 2 : i32
      %mul3A_388 = arith.muli %mul3A_387, %scan3A_346 : i32
      %add3A_389 = arith.constant 0 : i32
      %add3A_390 = arith.addi %add3A_389, %mul3A_388 : i32
      %add3A_391 = arith.constant 0 : i32
      %add3A_392 = arith.addi %add3A_390, %add3A_391 : i32
      %get3A_393 = arith.index_cast %add3A_392 : i32 to index
      %get3A_394 = arith.constant 48 : index
      %get3A_395 = tpu.vector_load %arg10[%get3A_393, %get3A_394] {strides = array<i32>} : memref<100x64xf32, #tpu.memory_space<vmem>>, vector<1x16xf32>,
      %get3A_396 = vector.shape_cast %get3A_395 : vector<1x16xf32> to vector<16xf32>
      %add3A_397 = arith.addf %scan3A_350, %get3A_396 : vector<16xf32>
      %mul3A_398 = arith.constant 2 : i32
      %mul3A_399 = arith.muli %mul3A_398, %scan3A_346 : i32
      %add3A_400 = arith.constant 50 : i32
      %add3A_401 = arith.addi %add3A_400, %mul3A_399 : i32
      %add3A_402 = arith.constant 0 : i32
      %add3A_403 = arith.addi %add3A_401, %add3A_402 : i32
      %get3A_404 = arith.index_cast %add3A_403 : i32 to index
      %get3A_405 = arith.constant 0 : index
      %get3A_406 = tpu.vector_load %arg10[%get3A_404, %get3A_405] {strides = array<i32>} : memref<100x64xf32, #tpu.memory_space<vmem>>, vector<1x16xf32>,
      %get3A_407 = vector.shape_cast %get3A_406 : vector<1x16xf32> to vector<16xf32>
      %add3A_408 = arith.addf %scan3A_351, %get3A_407 : vector<16xf32>
      %mul3A_409 = arith.constant 2 : i32
      %mul3A_410 = arith.muli %mul3A_409, %scan3A_346 : i32
      %add3A_411 = arith.constant 50 : i32
      %add3A_412 = arith.addi %add3A_411, %mul3A_410 : i32
      %add3A_413 = arith.constant 0 : i32
      %add3A_414 = arith.addi %add3A_412, %add3A_413 : i32
      %get3A_415 = arith.index_cast %add3A_414 : i32 to index
      %get3A_416 = arith.constant 16 : index
      %get3A_417 = tpu.vector_load %arg10[%get3A_415, %get3A_416] {strides = array<i32>} : memref<100x64xf32, #tpu.memory_space<vmem>>, vector<1x16xf32>,
      %get3A_418 = vector.shape_cast %get3A_417 : vector<1x16xf32> to vector<16xf32>
      %add3A_419 = arith.addf %scan3A_352, %get3A_418 : vector<16xf32>
      %mul3A_420 = arith.constant 2 : i32
      %mul3A_421 = arith.muli %mul3A_420, %scan3A_346 : i32
      %add3A_422 = arith.constant 50 : i32
      %add3A_423 = arith.addi %add3A_422, %mul3A_421 : i32
      %add3A_424 = arith.constant 0 : i32
      %add3A_425 = arith.addi %add3A_423, %add3A_424 : i32
      %get3A_426 = arith.index_cast %add3A_425 : i32 to index
      %get3A_427 = arith.constant 32 : index
      %get3A_428 = tpu.vector_load %arg10[%get3A_426, %get3A_427] {strides = array<i32>} : memref<100x64xf32, #tpu.memory_space<vmem>>, vector<1x16xf32>,
      %get3A_429 = vector.shape_cast %get3A_428 : vector<1x16xf32> to vector<16xf32>
      %add3A_430 = arith.addf %scan3A_353, %get3A_429 : vector<16xf32>
      %mul3A_431 = arith.constant 2 : i32
      %mul3A_432 = arith.muli %mul3A_431, %scan3A_346 : i32
      %add3A_433 = arith.constant 50 : i32
      %add3A_434 = arith.addi %add3A_433, %mul3A_432 : i32
      %add3A_435 = arith.constant 0 : i32
      %add3A_436 = arith.addi %add3A_434, %add3A_435 : i32
      %get3A_437 = arith.index_cast %add3A_436 : i32 to index
      %get3A_438 = arith.constant 48 : index
      %get3A_439 = tpu.vector_load %arg10[%get3A_437, %get3A_438] {strides = array<i32>} : memref<100x64xf32, #tpu.memory_space<vmem>>, vector<1x16xf32>,
      %get3A_440 = vector.shape_cast %get3A_439 : vector<1x16xf32> to vector<16xf32>
      %add3A_441 = arith.addf %scan3A_354, %get3A_440 : vector<16xf32>
      %mul3A_442 = arith.constant 2 : i32
      %mul3A_443 = arith.muli %mul3A_442, %scan3A_346 : i32
      %add3A_444 = arith.constant 0 : i32
      %add3A_445 = arith.addi %add3A_444, %mul3A_443 : i32
      %add3A_446 = arith.constant 1 : i32
      %add3A_447 = arith.addi %add3A_445, %add3A_446 : i32
      %get3A_448 = arith.index_cast %add3A_447 : i32 to index
      %get3A_449 = arith.constant 0 : index
      %get3A_450 = tpu.vector_load %arg10[%get3A_448, %get3A_449] {strides = array<i32>} : memref<100x64xf32, #tpu.memory_space<vmem>>, vector<1x16xf32>,
      %get3A_451 = vector.shape_cast %get3A_450 : vector<1x16xf32> to vector<16xf32>
      %add3A_452 = arith.addf %add3A_364, %get3A_451 : vector<16xf32>
      %mul3A_453 = arith.constant 2 : i32
      %mul3A_454 = arith.muli %mul3A_453, %scan3A_346 : i32
      %add3A_455 = arith.constant 0 : i32
      %add3A_456 = arith.addi %add3A_455, %mul3A_454 : i32
      %add3A_457 = arith.constant 1 : i32
      %add3A_458 = arith.addi %add3A_456, %add3A_457 : i32
      %get3A_459 = arith.index_cast %add3A_458 : i32 to index
      %get3A_460 = arith.constant 16 : index
      %get3A_461 = tpu.vector_load %arg10[%get3A_459, %get3A_460] {strides = array<i32>} : memref<100x64xf32, #tpu.memory_space<vmem>>, vector<1x16xf32>,
      %get3A_462 = vector.shape_cast %get3A_461 : vector<1x16xf32> to vector<16xf32>
      %add3A_463 = arith.addf %add3A_375, %get3A_462 : vector<16xf32>
      %mul3A_464 = arith.constant 2 : i32
      %mul3A_465 = arith.muli %mul3A_464, %scan3A_346 : i32
      %add3A_466 = arith.constant 0 : i32
      %add3A_467 = arith.addi %add3A_466, %mul3A_465 : i32
      %add3A_468 = arith.constant 1 : i32
      %add3A_469 = arith.addi %add3A_467, %add3A_468 : i32
      %get3A_470 = arith.index_cast %add3A_469 : i32 to index
      %get3A_471 = arith.constant 32 : index
      %get3A_472 = tpu.vector_load %arg10[%get3A_470, %get3A_471] {strides = array<i32>} : memref<100x64xf32, #tpu.memory_space<vmem>>, vector<1x16xf32>,
      %get3A_473 = vector.shape_cast %get3A_472 : vector<1x16xf32> to vector<16xf32>
      %add3A_474 = arith.addf %add3A_386, %get3A_473 : vector<16xf32>
      %mul3A_475 = arith.constant 2 : i32
      %mul3A_476 = arith.muli %mul3A_475, %scan3A_346 : i32
      %add3A_477 = arith.constant 0 : i32
      %add3A_478 = arith.addi %add3A_477, %mul3A_476 : i32
      %add3A_479 = arith.constant 1 : i32
      %add3A_480 = arith.addi %add3A_478, %add3A_479 : i32
      %get3A_481 = arith.index_cast %add3A_480 : i32 to index
      %get3A_482 = arith.constant 48 : index
      %get3A_483 = tpu.vector_load %arg10[%get3A_481, %get3A_482] {strides = array<i32>} : memref<100x64xf32, #tpu.memory_space<vmem>>, vector<1x16xf32>,
      %get3A_484 = vector.shape_cast %get3A_483 : vector<1x16xf32> to vector<16xf32>
      %add3A_485 = arith.addf %add3A_397, %get3A_484 : vector<16xf32>
      %mul3A_486 = arith.constant 2 : i32
      %mul3A_487 = arith.muli %mul3A_486, %scan3A_346 : i32
      %add3A_488 = arith.constant 50 : i32
      %add3A_489 = arith.addi %add3A_488, %mul3A_487 : i32
      %add3A_490 = arith.constant 1 : i32
      %add3A_491 = arith.addi %add3A_489, %add3A_490 : i32
      %get3A_492 = arith.index_cast %add3A_491 : i32 to index
      %get3A_493 = arith.constant 0 : index
      %get3A_494 = tpu.vector_load %arg10[%get3A_492, %get3A_493] {strides = array<i32>} : memref<100x64xf32, #tpu.memory_space<vmem>>, vector<1x16xf32>,
      %get3A_495 = vector.shape_cast %get3A_494 : vector<1x16xf32> to vector<16xf32>
      %add3A_496 = arith.addf %add3A_408, %get3A_495 : vector<16xf32>
      %mul3A_497 = arith.constant 2 : i32
      %mul3A_498 = arith.muli %mul3A_497, %scan3A_346 : i32
      %add3A_499 = arith.constant 50 : i32
      %add3A_500 = arith.addi %add3A_499, %mul3A_498 : i32
      %add3A_501 = arith.constant 1 : i32
      %add3A_502 = arith.addi %add3A_500, %add3A_501 : i32
      %get3A_503 = arith.index_cast %add3A_502 : i32 to index
      %get3A_504 = arith.constant 16 : index
      %get3A_505 = tpu.vector_load %arg10[%get3A_503, %get3A_504] {strides = array<i32>} : memref<100x64xf32, #tpu.memory_space<vmem>>, vector<1x16xf32>,
      %get3A_506 = vector.shape_cast %get3A_505 : vector<1x16xf32> to vector<16xf32>
      %add3A_507 = arith.addf %add3A_419, %get3A_506 : vector<16xf32>
      %mul3A_508 = arith.constant 2 : i32
      %mul3A_509 = arith.muli %mul3A_508, %scan3A_346 : i32
      %add3A_510 = arith.constant 50 : i32
      %add3A_511 = arith.addi %add3A_510, %mul3A_509 : i32
      %add3A_512 = arith.constant 1 : i32
      %add3A_513 = arith.addi %add3A_511, %add3A_512 : i32
      %get3A_514 = arith.index_cast %add3A_513 : i32 to index
      %get3A_515 = arith.constant 32 : index
      %get3A_516 = tpu.vector_load %arg10[%get3A_514, %get3A_515] {strides = array<i32>} : memref<100x64xf32, #tpu.memory_space<vmem>>, vector<1x16xf32>,
      %get3A_517 = vector.shape_cast %get3A_516 : vector<1x16xf32> to vector<16xf32>
      %add3A_518 = arith.addf %add3A_430, %get3A_517 : vector<16xf32>
      %mul3A_519 = arith.constant 2 : i32
      %mul3A_520 = arith.muli %mul3A_519, %scan3A_346 : i32
      %add3A_521 = arith.constant 50 : i32
      %add3A_522 = arith.addi %add3A_521, %mul3A_520 : i32
      %add3A_523 = arith.constant 1 : i32
      %add3A_524 = arith.addi %add3A_522, %add3A_523 : i32
      %get3A_525 = arith.index_cast %add3A_524 : i32 to index
      %get3A_526 = arith.constant 48 : index
      %get3A_527 = tpu.vector_load %arg10[%get3A_525, %get3A_526] {strides = array<i32>} : memref<100x64xf32, #tpu.memory_space<vmem>>, vector<1x16xf32>,
      %get3A_528 = vector.shape_cast %get3A_527 : vector<1x16xf32> to vector<16xf32>
      %add3A_529 = arith.addf %add3A_441, %get3A_528 : vector<16xf32>
      scf.yield %add3A_452, %add3A_463, %add3A_474, %add3A_485, %add3A_496, %add3A_507, %add3A_518, %add3A_529 : vector<16xf32>, vector<16xf32>, vector<16xf32>, vector<16xf32>, vector<16xf32>, vector<16xf32>, vector<16xf32>, vector<16xf32>
    }
    %scan3A_295 = arith.constant 25 : i32
    %swap3A_296 = arith.constant 63 : i32
    %swap3A_297 = arith.index_cast %swap3A_296 : i32 to index
    %swap3A_298 = arith.constant 0 : index
    %swap3A_299 = tpu.vector_load %arg11[%swap3A_297, %swap3A_298] {strides = array<i32>} : memref<64x128xf32, #tpu.memory_space<vmem>>, vector<1x16xf32>,
    %swap3A_300 = vector.shape_cast %swap3A_299 : vector<1x16xf32> to vector<16xf32>
    %swap3A_301 = vector.shape_cast %scan3A_294#0 : vector<16xf32> to vector<1x16xf32>
    tpu.vector_store %arg11[%swap3A_297, %swap3A_298], %swap3A_301 {strides = array<i32>} : memref<64x128xf32, #tpu.memory_space<vmem>>, vector<1x16xf32>,
    %swap3A_302 = arith.constant 63 : i32
    %swap3A_303 = arith.index_cast %swap3A_302 : i32 to index
    %swap3A_304 = arith.constant 16 : index
    %swap3A_305 = tpu.vector_load %arg11[%swap3A_303, %swap3A_304] {strides = array<i32>} : memref<64x128xf32, #tpu.memory_space<vmem>>, vector<1x16xf32>,
    %swap3A_306 = vector.shape_cast %swap3A_305 : vector<1x16xf32> to vector<16xf32>
    %swap3A_307 = vector.shape_cast %scan3A_294#1 : vector<16xf32> to vector<1x16xf32>
    tpu.vector_store %arg11[%swap3A_303, %swap3A_304], %swap3A_307 {strides = array<i32>} : memref<64x128xf32, #tpu.memory_space<vmem>>, vector<1x16xf32>,
    %swap3A_308 = arith.constant 63 : i32
    %swap3A_309 = arith.index_cast %swap3A_308 : i32 to index
    %swap3A_310 = arith.constant 32 : index
    %swap3A_311 = tpu.vector_load %arg11[%swap3A_309, %swap3A_310] {strides = array<i32>} : memref<64x128xf32, #tpu.memory_space<vmem>>, vector<1x16xf32>,
    %swap3A_312 = vector.shape_cast %swap3A_311 : vector<1x16xf32> to vector<16xf32>
    %swap3A_313 = vector.shape_cast %scan3A_294#2 : vector<16xf32> to vector<1x16xf32>
    tpu.vector_store %arg11[%swap3A_309, %swap3A_310], %swap3A_313 {strides = array<i32>} : memref<64x128xf32, #tpu.memory_space<vmem>>, vector<1x16xf32>,
    %swap3A_314 = arith.constant 63 : i32
    %swap3A_315 = arith.index_cast %swap3A_314 : i32 to index
    %swap3A_316 = arith.constant 48 : index
    %swap3A_317 = tpu.vector_load %arg11[%swap3A_315, %swap3A_316] {strides = array<i32>} : memref<64x128xf32, #tpu.memory_space<vmem>>, vector<1x16xf32>,
    %swap3A_318 = vector.shape_cast %swap3A_317 : vector<1x16xf32> to vector<16xf32>
    %swap3A_319 = vector.shape_cast %scan3A_294#3 : vector<16xf32> to vector<1x16xf32>
    tpu.vector_store %arg11[%swap3A_315, %swap3A_316], %swap3A_319 {strides = array<i32>} : memref<64x128xf32, #tpu.memory_space<vmem>>, vector<1x16xf32>,
    %swap3A_320 = arith.constant 63 : i32
    %swap3A_321 = arith.index_cast %swap3A_320 : i32 to index
    %swap3A_322 = arith.constant 64 : index
    %swap3A_323 = tpu.vector_load %arg11[%swap3A_321, %swap3A_322] {strides = array<i32>} : memref<64x128xf32, #tpu.memory_space<vmem>>, vector<1x16xf32>,
    %swap3A_324 = vector.shape_cast %swap3A_323 : vector<1x16xf32> to vector<16xf32>
    %swap3A_325 = vector.shape_cast %scan3A_294#4 : vector<16xf32> to vector<1x16xf32>
    tpu.vector_store %arg11[%swap3A_321, %swap3A_322], %swap3A_325 {strides = array<i32>} : memref<64x128xf32, #tpu.memory_space<vmem>>, vector<1x16xf32>,
    %swap3A_326 = arith.constant 63 : i32
    %swap3A_327 = arith.index_cast %swap3A_326 : i32 to index
    %swap3A_328 = arith.constant 80 : index
    %swap3A_329 = tpu.vector_load %arg11[%swap3A_327, %swap3A_328] {strides = array<i32>} : memref<64x128xf32, #tpu.memory_space<vmem>>, vector<1x16xf32>,
    %swap3A_330 = vector.shape_cast %swap3A_329 : vector<1x16xf32> to vector<16xf32>
    %swap3A_331 = vector.shape_cast %scan3A_294#5 : vector<16xf32> to vector<1x16xf32>
    tpu.vector_store %arg11[%swap3A_327, %swap3A_328], %swap3A_331 {strides = array<i32>} : memref<64x128xf32, #tpu.memory_space<vmem>>, vector<1x16xf32>,
    %swap3A_332 = arith.constant 63 : i32
    %swap3A_333 = arith.index_cast %swap3A_332 : i32 to index
    %swap3A_334 = arith.constant 96 : index
    %swap3A_335 = tpu.vector_load %arg11[%swap3A_333, %swap3A_334] {strides = array<i32>} : memref<64x128xf32, #tpu.memory_space<vmem>>, vector<1x16xf32>,
    %swap3A_336 = vector.shape_cast %swap3A_335 : vector<1x16xf32> to vector<16xf32>
    %swap3A_337 = vector.shape_cast %scan3A_294#6 : vector<16xf32> to vector<1x16xf32>
    tpu.vector_store %arg11[%swap3A_333, %swap3A_334], %swap3A_337 {strides = array<i32>} : memref<64x128xf32, #tpu.memory_space<vmem>>, vector<1x16xf32>,
    %swap3A_338 = arith.constant 63 : i32
    %swap3A_339 = arith.index_cast %swap3A_338 : i32 to index
    %swap3A_340 = arith.constant 112 : index
    %swap3A_341 = tpu.vector_load %arg11[%swap3A_339, %swap3A_340] {strides = array<i32>} : memref<64x128xf32, #tpu.memory_space<vmem>>, vector<1x16xf32>,
    %swap3A_342 = vector.shape_cast %swap3A_341 : vector<1x16xf32> to vector<16xf32>
    %swap3A_343 = vector.shape_cast %scan3A_294#7 : vector<16xf32> to vector<1x16xf32>
    tpu.vector_store %arg11[%swap3A_339, %swap3A_340], %swap3A_343 {strides = array<i32>} : memref<64x128xf32, #tpu.memory_space<vmem>>, vector<1x16xf32>,
    %mul3A_344 = arith.constant 64 : i32
    %mul3A_345 = arith.muli %add3A, %mul3A_344 : i32
    "tpu.region"() ({
      %run_scoped3A = tpu.sem_alloc : memref<!tpu.dma_semaphore, #tpu.memory_space<semaphore_mem>>
      %dma_start3A_346 = arith.constant 0 : i32
      %dma_start3A_347 = tpu.memref_slice %arg4[%mul3A_345, %dma_start3A_346] : memref<2048x128xf32, #tpu.memory_space<hbm>> -> memref<64x128xf32, #tpu.memory_space<hbm>>
      %dma_start3A_348 = arith.constant 0 : i32
      %dma_start3A_349 = tpu.memref_slice %arg4[%mul3A_345, %dma_start3A_348] : memref<2048x128xf32, #tpu.memory_space<hbm>> -> memref<64x128xf32, #tpu.memory_space<hbm>>
      tpu.enqueue_dma source(%arg11 : memref<64x128xf32, #tpu.memory_space<vmem>>) target(%dma_start3A_349 : memref<64x128xf32, #tpu.memory_space<hbm>>) target_semaphore(%run_scoped3A : memref<!tpu.dma_semaphore, #tpu.memory_space<semaphore_mem>>)
      %dma_wait3A_350 = arith.constant 0 : i32
      %dma_wait3A_351 = tpu.memref_slice %arg4[%mul3A_345, %dma_wait3A_350] : memref<2048x128xf32, #tpu.memory_space<hbm>> -> memref<64x128xf32, #tpu.memory_space<hbm>>
      %dma_wait3A_352 = arith.constant 0 : i32
      %dma_wait3A_353 = tpu.memref_slice %arg4[%mul3A_345, %dma_wait3A_352] : memref<2048x128xf32, #tpu.memory_space<hbm>> -> memref<64x128xf32, #tpu.memory_space<hbm>>
      tpu.wait_dma2 semaphore(%run_scoped3A : memref<!tpu.dma_semaphore, #tpu.memory_space<semaphore_mem>>) src(%arg11 : memref<64x128xf32, #tpu.memory_space<vmem>>) dst(%dma_wait3A_353 : memref<64x128xf32, #tpu.memory_space<hbm>>)
      tpu.yield
    }) : () -> ()
    return
  }
}

module attributes {stable_mosaic.version = 14 : i64} {
  func.func @_mlp_body(%arg0: memref<2048x128xf32, #tpu.memory_space<vmem>>, %arg1: memref<64x32xf32, #tpu.memory_space<vmem>>, %arg2: memref<1x32xf32, #tpu.memory_space<vmem>>, %arg3: memref<32x1xf32, #tpu.memory_space<vmem>>, %arg4: memref<1x1xf32, #tpu.memory_space<vmem>>, %arg5: memref<2048x2xf32, #tpu.memory_space<vmem>>) attributes {dimension_semantics = [], scalar_prefetch = 0 : i64, scratch_operands = 0 : i64, tpu.core_type = #tpu.core_type<tc>} {
    %get3A = arith.constant 0 : index
    %get3A_0 = arith.constant 0 : index
    %get3A_1 = vector.load %arg0[%get3A, %get3A_0] : memref<2048x128xf32, #tpu.memory_space<vmem>>, vector<2048x128xf32>
    %mul3A = arith.constant 2.000000e-02 : f32
    %mul3A_2 = vector.broadcast %mul3A : f32 to vector<2048x128xf32>
    %mul3A_3 = arith.mulf %get3A_1, %mul3A_2 : vector<2048x128xf32>
    %slice3A = vector.extract_strided_slice %mul3A_3 {offsets = [0, 0], sizes = [2048, 64], strides = [1, 1]} : vector<2048x128xf32> to vector<2048x64xf32>
    %slice3A_4 = vector.extract_strided_slice %mul3A_3 {offsets = [0, 64], sizes = [2048, 64], strides = [1, 1]} : vector<2048x128xf32> to vector<2048x64xf32>
    %concatenate3A = tpu.concatenate %slice3A, %slice3A_4 in 0 : vector<2048x64xf32>, vector<2048x64xf32> -> vector<4096x64xf32>
    %get3A_5 = arith.constant 0 : index
    %get3A_6 = arith.constant 0 : index
    %get3A_7 = vector.load %arg1[%get3A_5, %get3A_6] : memref<64x32xf32, #tpu.memory_space<vmem>>, vector<64x32xf32>
    %dot_general3A = arith.constant dense<0.000000e+00> : vector<4096x32xf32>
    %dot_general3A_8 = tpu.matmul %concatenate3A, %get3A_7, %dot_general3A {dimension_numbers = #tpu.dot_dimension_numbers<[1], [0], [0], [1], [0, 0, 1, 1], [], []>, transpose_lhs_hint = false} : vector<4096x64xf32>, vector<64x32xf32>, vector<4096x32xf32> -> vector<4096x32xf32>
    %get3A_9 = arith.constant 0 : index
    %get3A_10 = arith.constant 0 : index
    %get3A_11 = vector.load %arg2[%get3A_9, %get3A_10] : memref<1x32xf32, #tpu.memory_space<vmem>>, vector<1x32xf32>
    %add3A = vector.broadcast %get3A_11 : vector<1x32xf32> to vector<4096x32xf32>
    %add3A_12 = arith.addf %dot_general3A_8, %add3A : vector<4096x32xf32>
    %max3A = arith.constant 0.000000e+00 : f32
    %max3A_13 = vector.broadcast %max3A : f32 to vector<4096x32xf32>
    %max3A_14 = arith.maximumf %add3A_12, %max3A_13 : vector<4096x32xf32>
    %get3A_15 = arith.constant 0 : index
    %get3A_16 = arith.constant 0 : index
    %get3A_17 = vector.load %arg3[%get3A_15, %get3A_16] : memref<32x1xf32, #tpu.memory_space<vmem>>, vector<32x1xf32>
    %dot_general3A_18 = arith.constant dense<0.000000e+00> : vector<4096x1xf32>
    %dot_general3A_19 = tpu.matmul %max3A_14, %get3A_17, %dot_general3A_18 {dimension_numbers = #tpu.dot_dimension_numbers<[1], [0], [0], [1], [0, 0, 1, 1], [], []>, transpose_lhs_hint = false} : vector<4096x32xf32>, vector<32x1xf32>, vector<4096x1xf32> -> vector<4096x1xf32>
    %get3A_20 = arith.constant 0 : index
    %get3A_21 = arith.constant 0 : index
    %get3A_22 = vector.load %arg4[%get3A_20, %get3A_21] : memref<1x1xf32, #tpu.memory_space<vmem>>, vector<1x1xf32>
    %add3A_23 = vector.broadcast %get3A_22 : vector<1x1xf32> to vector<4096x1xf32>
    %add3A_24 = arith.addf %dot_general3A_19, %add3A_23 : vector<4096x1xf32>
    %logistic3A = arith.negf %add3A_24 : vector<4096x1xf32>
    %logistic3A_25 = math.exp %logistic3A : vector<4096x1xf32>
    %logistic3A_26 = arith.constant 1.000000e+00 : f32
    %logistic3A_27 = vector.broadcast %logistic3A_26 : f32 to vector<4096x1xf32>
    %logistic3A_28 = arith.addf %logistic3A_27, %logistic3A_25 : vector<4096x1xf32>
    %logistic3A_29 = arith.divf %logistic3A_27, %logistic3A_28 : vector<4096x1xf32>
    %slice3A_30 = vector.extract_strided_slice %logistic3A_29 {offsets = [0, 0], sizes = [2048, 1], strides = [1, 1]} : vector<4096x1xf32> to vector<2048x1xf32>
    %slice3A_31 = vector.extract_strided_slice %logistic3A_29 {offsets = [2048, 0], sizes = [2048, 1], strides = [1, 1]} : vector<4096x1xf32> to vector<2048x1xf32>
    %concatenate3A_32 = tpu.concatenate %slice3A_30, %slice3A_31 in 1 : vector<2048x1xf32>, vector<2048x1xf32> -> vector<2048x2xf32>
    %swap3A = arith.constant 0 : index
    %swap3A_33 = arith.constant 0 : index
    %swap3A_34 = vector.load %arg5[%swap3A, %swap3A_33] : memref<2048x2xf32, #tpu.memory_space<vmem>>, vector<2048x2xf32>
    tpu.vector_store %arg5[%swap3A, %swap3A_33], %concatenate3A_32 {strides = array<i32>} : memref<2048x2xf32, #tpu.memory_space<vmem>>, vector<2048x2xf32>,
    return
  }
}

</mosaic_0001>

<sc_bundles>
// kernel: kernel.4.cloned.1.call-start
scs
__scs_entry_jumppad:
0x0: {  	(pc) =	sbr.rel $0x88, $3  }
0x1: {  	(tag) =	ssettag $0x0;
	lr =	simm.s32 $0x1  }
0x2: {  	[smem:$0x3F9B] =	sst lr;
	_ =	strace $0xD0000000  }
0x3: {  	_ = 	snop  }
0x4: {  	_ = 	snop  }
0x5: {  	_ = 	snop  }
0x6: {  	_ = 	snop  }
0x7: {  	_ = 	snop  }
__scs_overlays_trampoline_lowered:
0x8: {  	[smem:$0x3FAA] =	sst s0  }
0x9: {  	[smem:$0x3FAB] =	sst s1  }
0xa: {  	[smem:$0x3FAC] =	sst s2  }
0xb: {  	[smem:$0x3FAD] =	sst s3  }
0xc: {  	[smem:$0x3FAE] =	sst s4  }
0xd: {  	[smem:$0x3FAF] =	sst s5  }
0xe: {  	[smem:$0x3FB0] =	sst s6  }
0xf: {  	[smem:$0x3FB1] =	sst s7  }
0x10: {  	[smem:$0x3FB2] =	sst s8  }
0x11: {  	[smem:$0x3FB3] =	sst s9;
	s0 =	simm.s32 @!p0 $0x0  }
0x12: {  	s1 =	sld [smem:$0x3F99];
	s0 =	simm.s32 @p0 $0x1  }
0x13: {  	[smem:$0x3FB4] =	sst s0;
	s0 =	simm.s32 @!p1 $0x0  }
0x14: {  	s2 =	sld [smem:$0x3F98];
	s0 =	simm.s32 @p1 $0x1  }
0x15: {  	[smem:$0x3FB5] =	sst s0;
	s0 =	simm.s32 @!p2 $0x0  }
0x16: {  	s3 =	sld [smem:$0x3FDB];
	s0 =	simm.s32 @p2 $0x1  }
0x17: {  	s4 =	simm.s32 $0x1BF5;
	[smem:$0x3FB7] =	sst s0  }
0x18: {  	s0 =	sld [smem:$0x3F9A];
	_ =	swait.ge [sflag:s4], $0x0  }
0x19: {  	s7 =	sld [smem:$0x3F9B]  }
0x1a: {  	s8 =	sadd.s32 $0xFFFFE003, lr  }
0x1b: {  	s9 =	sadd.s32 $0xFFFFFEF7, lr;
	s5 =	simm.s32 $0xFFFFFFFF;
	p2 =	slt.u32 s8, $0xFFFFF086  }
0x1c: {  	p1 =	slt.u32 s9, $0xF7A;
	s5 =	simm.s32 @!p2 $0x0  }
0x1d: {  	s5 =	simm.s32 @p1 $0x1;
	p0 =	seq.s32 s7, s2  }
0x1e: {  	s7 =	smul.u32 @!p0 $0xF7A, s2;
	p2 =	seq.s32 @!p0 s5, $0x0  }
0x1f: {  	s9 =	smul.u32 $0xF7A, s1;
	s8 =	simm.s32 @!p0 $0x1BF5;
	p2 =	por !p2, p0  }
0x20: {  	[sflag:s8] =	ssyncset.s32 @!p0 $0xFFFFF086;
	s6 =	sadd.s32 @!p0 s3, s7;
	s7 =	simm.s32 @!p0 $0x108  }
0x21: {  	s3 =	sadd.s32 s3, s9;
	s6 =	sadd.s32 @!p0 $0x88, s6;
	s7 =	simm.s32 @p2 $0x1082  }
0x22: {  	[simem:s7], [sflag:s8] =	dma.local @!p0 [hbm:s6], $0xF7A  }
0x23: {  	s9 =	sor.u32 $0xD0000000, s2;
	s6 =	simm.s32 $0x108;
	_ =	swait.ge @!p0 [sflag:s8], $0x0  }
0x24: {  	s3 =	sadd.s32 $0x88, s3;
	s6 =	simm.s32 @!p1 $0x1082;
	[sflag:s4] =	ssyncset.s32 $0xFFFFF086  }
0x25: {  	[simem:s6], [sflag:s4] =	dma.local [hbm:s3], $0xF7A  }
0x26: {  	[smem:$0x3F9B] =	sst s1;
	(tag) =	ssettag s2;
	_ =	strace s9  }
0x27: {  	s1 =	sld [smem:$0x3FAB]  }
0x28: {  	s2 =	sld [smem:$0x3FAC]  }
0x29: {  	s4 =	sld [smem:$0x3FAE]  }
0x2a: {  	p0 =	seq.s32 s5, $0x0;
	s5 =	sld [smem:$0x3FAF]  }
0x2b: {  	s6 =	sld [smem:$0x3FB0]  }
0x2c: {  	s7 =	sld [smem:$0x3FB1]  }
0x2d: {  	s3 =	simm.s32 $0x108;
	s8 =	sld [smem:$0x3FB2]  }
0x2e: {  	s3 =	simm.s32 @!p0 $0x1082;
	s9 =	sld [smem:$0x3FB3]  }
0x2f: {  	lr =	sadd.s32 s0, s3;
	s0 =	sld [smem:$0x3FAA]  }
0x30: {  	s3 =	sld [smem:$0x3FAD]  }
0x31: {  	[smem:$0x3FB6] =	sst s10  }
0x32: {  	s10 =	sld [smem:$0x3FB4];
	_ =	sdelay $0x3  }
0x33: {  	p0 =	seq.s32 s10, $0x1;
	s10 =	sld [smem:$0x3FB6];
	_ =	sdelay $0x3  }
0x34: {  	[smem:$0x3FB6] =	sst s10  }
0x35: {  	s10 =	sld [smem:$0x3FB5];
	_ =	sdelay $0x3  }
0x36: {  	p1 =	seq.s32 s10, $0x1;
	s10 =	sld [smem:$0x3FB6];
	_ =	sdelay $0x3  }
0x37: {  	[smem:$0x3FB6] =	sst s10  }
0x38: {  	s10 =	sld [smem:$0x3FB7]  }
0x39: {  	_ = 	snop;
	(pc) =	sbr.ind lr, $3  }
0x3a: {  	_ = 	snop  }
0x3b: {  	_ = 	snop  }
0x3c: {  	p2 =	seq.s32 s10, $0x1;
	s10 =	sld [smem:$0x3FB6]  }
0x3d: {  	_ =	shalt  }
0x3e: {  	_ =	shalt  }
0x3f: {  	_ =	shalt  }
0x40: {  	_ =	shalt  }
0x41: {  	_ =	shalt  }
0x42: {  	_ =	shalt  }
0x43: {  	_ =	shalt  }
0x44: {  	_ =	shalt  }
0x45: {  	_ =	shalt  }
0x46: {  	_ =	shalt  }
0x47: {  	_ =	shalt  }
0x48: {  	_ =	shalt  }
0x49: {  	_ =	shalt  }
0x4a: {  	_ =	shalt  }
0x4b: {  	_ =	shalt  }
0x4c: {  	_ =	shalt  }
0x4d: {  	_ =	shalt  }
0x4e: {  	_ =	shalt  }
0x4f: {  	_ =	shalt  }
0x50: {  	_ =	shalt  }
0x51: {  	_ =	shalt  }
0x52: {  	_ =	shalt  }
0x53: {  	_ =	shalt  }
0x54: {  	_ =	shalt  }
0x55: {  	_ =	shalt  }
0x56: {  	_ =	shalt  }
0x57: {  	_ =	shalt  }
0x58: {  	_ =	shalt  }
0x59: {  	_ =	shalt  }
0x5a: {  	_ =	shalt  }
0x5b: {  	_ =	shalt  }
0x5c: {  	_ =	shalt  }
0x5d: {  	_ =	shalt  }
0x5e: {  	_ =	shalt  }
0x5f: {  	_ =	shalt  }
0x60: {  	_ =	shalt  }
0x61: {  	_ =	shalt  }
0x62: {  	_ =	shalt  }
0x63: {  	_ =	shalt  }
0x64: {  	_ =	shalt  }
0x65: {  	_ =	shalt  }
0x66: {  	_ =	shalt  }
0x67: {  	_ =	shalt  }
0x68: {  	_ =	shalt  }
0x69: {  	_ =	shalt  }
0x6a: {  	_ =	shalt  }
0x6b: {  	_ =	shalt  }
0x6c: {  	_ =	shalt  }
0x6d: {  	_ =	shalt  }
0x6e: {  	_ =	shalt  }
0x6f: {  	_ =	shalt  }
0x70: {  	_ =	shalt  }
0x71: {  	_ =	shalt  }
0x72: {  	_ =	shalt  }
0x73: {  	_ =	shalt  }
0x74: {  	_ =	shalt  }
0x75: {  	_ =	shalt  }
0x76: {  	_ =	shalt  }
0x77: {  	_ =	shalt  }
0x78: {  	_ =	shalt  }
0x79: {  	_ =	shalt  }
0x7a: {  	_ =	shalt  }
0x7b: {  	_ =	shalt  }
0x7c: {  	_ =	shalt  }
0x7d: {  	_ =	shalt  }
0x7e: {  	_ =	shalt  }
0x7f: {  	_ =	shalt  }
0x80: {  	_ =	shalt  }
0x81: {  	_ =	shalt  }
0x82: {  	_ =	shalt  }
0x83: {  	_ =	shalt  }
0x84: {  	_ =	shalt  }
0x85: {  	_ =	shalt  }
0x86: {  	_ =	shalt  }
0x87: {  	_ =	shalt  }
.Lfunc_end0:
.L_simem_size_0:
called_computation_lowered:
.L_overlay_start_0:
0x88: {  	s2 =	sld [smem:$0x3FD9]  }
0x89: {  	s3 =	sld [smem:$0x3FFE];
	_ =	sdelay $0x1  }
0x8a: {  	s1 =	srdreg.scid  }
0x8b: {  	s0 =	sand.u32 $0x1, s1  }
0x8c: {  	s16 =	sshll.u32 s0, $0xA;
	s2 =	sadd.s32 s3, s2  }
0x8d: {  	s2 =	sadd.s32 s2, s16  }
0x8e: {  	[smem:$0x3FC2] =	sst s2  }
0x8f: {  	_ = 	snop  }
0x90: {  	(tm) =	ssettm $0x1  }
0x91: {  	s17 =	sld [smem:$0x3FFB];
	_ =	sdelay $0x3  }
0x92: {  	_ =	strace s17  }
0x93: {  	s2 =	sld [smem:$0x3FFC];
	_ =	sdelay $0x3  }
0x94: {  	_ =	strace s2  }
0x95: {  	s2 =	sld [smem:$0x3FFD];
	_ =	sdelay $0x3  }
0x96: {  	_ =	strace s2  }
0x97: {  	_ =	strace $0x8FFFFFFF  }
0x98: {  	s18 =	sld [smem:$0x3FDB];
	_ =	sdelay $0x1  }
0x99: {  	s19 =	simm.s32 $_scs_section_size  }
0x9a: {  	s4 =	simm.s32 $_size__tile_overlayer_lowered;
	s5 =	simm.s32 $_tile_overlayer_lowered  }
0x9b: {  	s22 =	simm.s32 $0x1BFF;
	s21 =	sshll.u32 s5, $0x1;
	s2 =	sadd.s32 s19, s18  }
0x9c: {  	s6 =	simm.s32 $0x0;
	s20 =	sshll.u32 s4, $0x1;
	s4 =	sadd.s32 s21, s2  }
0x9d: {  	[timem:s6], [sflag:s22] =	dma.local [hbm:s4], s20  }
0x9e: {  	_ =	swait.ge [sflag:s22], s20  }
0x9f: {  	s3 =	ssub.s32 $0x0, s20;
	[sflag:s22] =	ssyncset.done $0x0  }
0xa0: {  	[sflag:s22] =	ssyncadd.s32 s3;
	_ =	sdelay $0x1  }
0xa1: {  	s23 =	simm.s32 $0x1B8B  }
0xa2: {  	_ =	swait.ge [sflag:s23], $0x1  }
0xa3: {  	[sflag:s23] =	ssyncset.done $0x0  }
0xa4: {  	s25 =	simm.s32 $0x1B8E;
	s24 =	sld [smem:$0x3FFE];
	[sflag:s23] =	ssyncadd.s32 $0xFFFFFFFF  }
0xa5: {  	s26 =	simm.s32 $execute0_lowered;
	[smem:$0x3FD2] =	sst s25  }
0xa6: {  	s4 =	sshll.u32 s26, $0x1;
	_ =	strace $0x80000046;
	[dreg:$0x1] =	wrdreg $0xFFFFFFFF  }
0xa7: {  	s28 =	simm.s32 $_size_execute0_lowered;
	s2 =	sadd.s32 s2, s4;
	[dreg:$0x0] =	wrdreg $0x0  }
0xa8: {  	s4 =	sshll.u32 s28, $0x1;
	[dreg:$0x2] =	wrdreg s2  }
0xa9: {  	[dreg:$0x3] =	wrdreg s4  }
0xaa: {  	[dreg:$0x4] =	wrdreg $0xC0  }
0xab: {  	_ =	task [dreg:s6], $0x5FFFF  }
0xac: {  	[dreg:$0x1] =	wrdreg $0xFFFFFFFF  }
0xad: {  	[dreg:$0x0] =	wrdreg $0x60  }
0xae: {  	[dreg:$0x2] =	wrdreg s24  }
0xaf: {  	[dreg:$0x3] =	wrdreg $0x9  }
0xb0: {  	_ =	task.clear_ibuf [dreg:s6], $0x4FFFF;
	_ =	strace $0x90000046  }
0xb1: {  	s29 =	simm.s32 $0x9;
	_ =	strace $0x80000048  }
0xb2: {  	_ =	swait.ge [sflag:s29], $0x1  }
0xb3: {  	[sflag:s29] =	ssyncadd.s32 $0xFFFFFFFF  }
0xb4: {  	_ =	strace $0x90000048  }
0xb5: {  	_ =	sfence  }
0xb6: {  	s30 =	sld [smem:$0x0];
	_ =	sdelay $0x2  }
0xb7: {  	s31 =	sshll.u32 s1, $0xD;
	s1 =	sshrl.u32 s1, $0x2  }
0xb8: {  	s3 =	sand.u32 $0x4000, s31;
	s1 =	sadd.s32 s1, s30  }
0xb9: {  	s0 =	sor.u32 s3, s0;
	s1 =	sshll.u32 s1, $0x11  }
0xba: {  	s0 =	sor.u32 s1, s0  }
0xbb: {  	s0 =	sadd.s32 $0x8F2B, s0  }
0xbc: {  	[sflag:s0] =	ssyncadd.remote.s32 $0x1  }
0xbd: {  	_ =	sfence.sel $0xFFFF  }
0xbe: {  	[dreg:$0x0] =	wrdreg $0xFFFFFFFF;
	(pc) =	sbr.abs _section_cstart, $3  }
0xbf: {  	[dreg:$0x1] =	wrdreg $0xFFFFFFFF  }
0xc0: {  	_ =	task.clear_ibuf [dreg:s6], $0x2FFFF;
	_ =	strace $0x9FFFFFFF  }
0xc1: {  	(tm) =	ssettm $0x7FFFFFFF  }
tec
execute0_lowered:
.L_overlay_start_1:
0x0: {  	(tag) =	ssettag $0x1  }
0x1: {  	s0 =	srdreg.scid;
	s2 =	stileid.u32  }
0x2: {  	s1 =	rddreg [dreg:$0x0];
	s7 =	simm.s32 $0x5;
	s8 =	simm.s32 $0x32  }
0x3: {  	s10 =	simm.s32 $0x3800;
	s12 =	simm.s32 $0x4480;
	s14 =	simm.s32 $0x5100  }
0x4: {  	s15 =	simm.s32 $0x1CA8;
	s16 =	simm.s32 $0x5D80;
	s17 =	simm.s32 $0x1CE0  }
0x5: {  	s18 =	simm.s32 $0x6A00;
	s19 =	simm.s32 $0x1D18;
	s20 =	simm.s32 $0x7680  }
0x6: {  	s21 =	simm.s32 $0x1D50;
	s22 =	simm.s32 $0x8300;
	s23 =	simm.s32 $0x1D88  }
0x7: {  	s24 =	simm.s32 $0x8F80;
	s25 =	simm.s32 $0x1;
	s26 =	simm.s32 $0x2  }
0x8: {  	s28 =	simm.s32 $0x3;
	s29 =	simm.s32 $0x4;
	s30 =	simm.s32 $0x9C00  }
0x9: {  	s0 =	sand.u32 $0x1, s0;
	s3 =	sshll.u32 s2, $0x1;
	s2 =	simm.s32 $0x0  }
0xa: {  	s31 =	simm.s32 $0x0;
	s3 =	sor.u32 s0, s3;
	[smem:$0x7FF] =	sst s2  }
0xb: {  	s0 =	ssub.s32 $0x2, s0;
	s4 =	smul.u32 $0x380, s3;
	_ =	strace $0x80000047  }
0xc: {  	s5 =	sshll.u32 s3, $0xA;
	s6 =	sshrl.u32 s0, $0x1;
	s3 =	sadd.s32 $0x187800, s1  }
0xd: {  	s0 =	ssub.s32 s0, s6;
	s4 =	sadd.s32 s4, s1;
	s1 =	sadd.s32 s5, s1  }
0xe: {  	s6 =	smax.u32 s0, $0x1;
	s4 =	sadd.s32 $0xE00, s4;
	s5 =	sadd.s32 $0x7E00, s1  }
.LBB2_1:
0xf: {  	[tilespmem:s2], [sflag:$0x5] =	stream.linear.gather [hbm4b:s4+s2], $0x1C00, $0x38;
	[tilespmem:$0xBC00] =	vst v63  }
0x10: {  	_ =	swait.ge [sflag:s7], $0x1C00  }
0x11: {  	[sflag:s7] =	ssyncset.done $0x0  }
0x12: {  	s1 =	simm.s32 $0x0;
	[sflag:s7] =	ssyncadd.s32 $0xFFFFE400  }
0x13: {  	v0 =	vld [tilespmem:s1+$0x20]  }
0x14: {  	v1 =	vld [tilespmem:s1+$0x22]  }
0x15: {  	v3 =	vld [tilespmem:s1+$0x0]  }
0x16: {  	v4 =	vld [tilespmem:s1+$0x10];
	_ =	sdelay $0x1  }
0x17: {  	s0 =	simm.s32 $0x38;
	v0 =	vtrunc.f32 v0  }
0x18: {  	v2 =	vld [tilespmem:s0+$0x20];
	v6 =	vtrunc.f32 v1;
	v5 =	vcvt.f32.s32 v0  }
0x19: {  	v3 =	vtrunc.f32 v3;
	v0 =	vld [tilespmem:s0+$0x22];
	v6 =	vcvt.f32.s32 v6  }
0x1a: {  	v1 =	vld [tilespmem:s0+$0x0];
	v4 =	vtrunc.f32 v4;
	[tilespmem:s1+$0x1C20] =	vst v5;
	v5 =	vcvt.f32.s32 v3  }
0x1b: {  	v4 =	vcvt.f32.s32 v4;
	v3 =	vld [tilespmem:s0+$0x10];
	[tilespmem:s1+$0x1C22] =	vst v6  }
0x1c: {  	s9 =	simm.s32 $0x1C0;
	[tilespmem:s1+$0x1C00] =	vst v5  }
.LBB2_2:
0x1d: {  	v5 =	vtrunc.f32 v2;
	[tilespmem:s1+$0x1C10] =	vst v4;
	s1 =	smov.u32 s0;
	s0 =	sshra.s32 s9, $0x2;
	p0 =	sne.s32 s9, $0x6F20  }
.Ltmp0:
0x1e: {  	s9 =	sadd.s32 $0xE0, s9;
	v2 =	vld [tilespmem:s0+$0x20];
	v4 =	vcvt.f32.s32 v5;
	v5 =	vtrunc.f32 v0;
	(pc) =	sbr.rel @p0 .LBB2_2-.Ltmp0, $4  }
0x1f: {  	v0 =	vld [tilespmem:s0+$0x22];
	v6 =	vtrunc.f32 v1;
	v5 =	vcvt.f32.s32 v5  }
0x20: {  	v1 =	vld [tilespmem:s0+$0x0];
	v6 =	vcvt.f32.s32 v6;
	v7 =	vtrunc.f32 v3;
	[tilespmem:s1+$0x1C20] =	vst v4  }
0x21: {  	v3 =	vld [tilespmem:s0+$0x10];
	v4 =	vcvt.f32.s32 v7;
	[tilespmem:s1+$0x1C22] =	vst v5  }
0x22: {  	[tilespmem:s1+$0x1C00] =	vst v6  }
0x23: {  	v2 =	vtrunc.f32 v2  }
0x24: {  	v2 =	vcvt.f32.s32 v2;
	v0 =	vtrunc.f32 v0  }
0x25: {  	[tilespmem:s1+$0x1C10] =	vst v4;
	v1 =	vtrunc.f32 v1;
	v0 =	vcvt.f32.s32 v0  }
0x26: {  	v1 =	vcvt.f32.s32 v1;
	v3 =	vtrunc.f32 v3;
	[tilespmem:s0+$0x1C20] =	vst v2  }
0x27: {  	v63 =	vcvt.f32.s32 v3;
	[tilespmem:s0+$0x1C22] =	vst v0  }
0x28: {  	[tilespmem:s0+$0x1C00] =	vst v1  }
0x29: {  	s9 =	simm.s32 $0x1C00;
	[tilespmem:s0+$0x1C10] =	vst v63  }
0x2a: {  	[tilespmem:s10], [sflag:$0x1] =	stream.indirect.gather [hbm4b:s3+s8], $0x40, s9, s8, $0xb8;
	[tilespmem:$0xBC00] =	vst v63  }
0x2b: {  	s11 =	simm.s32 $0x1C38  }
0x2c: {  	[tilespmem:s12], [sflag:$0x1] =	stream.indirect.gather [hbm4b:s3+s8], $0x40, s11, s8, $0xb8;
	[tilespmem:$0xBC00] =	vst v63  }
0x2d: {  	s13 =	simm.s32 $0x1C70  }
0x2e: {  	[tilespmem:s14], [sflag:$0x2] =	stream.indirect.gather [hbm4b:s3+s8], $0x40, s13, s8, $0xb8;
	[tilespmem:$0xBC00] =	vst v63  }
0x2f: {  	_ = 	snop  }
0x30: {  	[tilespmem:s16], [sflag:$0x2] =	stream.indirect.gather [hbm4b:s3+s8], $0x40, s15, s8, $0xb8;
	[tilespmem:$0xBC00] =	vst v63  }
0x31: {  	_ = 	snop  }
0x32: {  	[tilespmem:s18], [sflag:$0x3] =	stream.indirect.gather [hbm4b:s3+s8], $0x40, s17, s8, $0xb8;
	[tilespmem:$0xBC00] =	vst v63  }
0x33: {  	_ = 	snop  }
0x34: {  	[tilespmem:s20], [sflag:$0x3] =	stream.indirect.gather [hbm4b:s3+s8], $0x40, s19, s8, $0xb8;
	[tilespmem:$0xBC00] =	vst v63  }
0x35: {  	_ = 	snop  }
0x36: {  	[tilespmem:s22], [sflag:$0x4] =	stream.indirect.gather [hbm4b:s3+s8], $0x40, s21, s8, $0xb8;
	[tilespmem:$0xBC00] =	vst v63  }
0x37: {  	s1 =	simm.s32 $0x0  }
0x38: {  	[tilespmem:s24], [sflag:$0x4] =	stream.indirect.gather [hbm4b:s3+s8], $0x40, s23, s8, $0xb8;
	[tilespmem:$0xBC00] =	vst v63  }
.LBB2_4:
0x39: {  	_ =	swait.ge [sflag:s25], $0x1900  }
0x3a: {  	[sflag:s25] =	ssyncset.done $0x0  }
0x3b: {  	s0 =	simm.s32 $0x40;
	[sflag:s25] =	ssyncadd.s32 $0xFFFFE700  }
0x3c: {  	v4 =	vld [tilespmem:s0+$0x3800]  }
0x3d: {  	v5 =	vld [tilespmem:s0+$0x3810]  }
0x3e: {  	v2 =	vld [tilespmem:s0+$0x3820]  }
0x3f: {  	v3 =	vld [tilespmem:s0+$0x3830]  }
0x40: {  	v0 =	vld [tilespmem:s0+$0x4480]  }
0x41: {  	v1 =	vld [tilespmem:s0+$0x4490]  }
0x42: {  	v19 =	vld [tilespmem:s0+$0x37C0]  }
0x43: {  	v20 =	vld [tilespmem:s0+$0x37D0]  }
0x44: {  	v18 =	vld [tilespmem:s0+$0x37E0]  }
0x45: {  	v17 =	vld [tilespmem:s0+$0x37F0]  }
0x46: {  	v10 =	vimm.f32 $0.0e+00;
	v12 =	vimm.f32 $0.0e+00;
	v14 =	vld [tilespmem:s0+$0x4440]  }
0x47: {  	v13 =	vimm.f32 $0.0e+00;
	v11 =	vimm.f32 $0.0e+00;
	v8 =	vimm.f32 $0.0e+00;
	v15 =	vld [tilespmem:s0+$0x4450]  }
0x48: {  	s9 =	simm.s32 $0x300;
	v9 =	vimm.f32 $0.0e+00;
	v7 =	vimm.f32 $0.0e+00;
	v6 =	vimm.f32 $0.0e+00;
	v16 =	vld [tilespmem:s0+$0x4460]  }
.LBB2_5:
0x49: {  	p0 =	sne.s32 s9, $0x3100;
	v10 =	vadd.f32 v19, v10;
	v12 =	vadd.f32 v20, v12;
	v19 =	vld [tilespmem:s0+$0x4470]  }
0x4a: {  	v13 =	vadd.f32 v18, v13;
	v11 =	vadd.f32 v17, v11;
	v17 =	vld [tilespmem:s0+$0x44A0]  }
0x4b: {  	v10 =	vadd.f32 v4, v10;
	v12 =	vadd.f32 v5, v12;
	v18 =	vld [tilespmem:s0+$0x44B0];
	s0 =	sshra.s32 s9, $0x2  }
0x4c: {  	v13 =	vadd.f32 v2, v13;
	v4 =	vld [tilespmem:s0+$0x3800];
	v11 =	vadd.f32 v3, v11  }
0x4d: {  	v8 =	vadd.f32 v14, v8;
	v9 =	vadd.f32 v15, v9;
	v5 =	vld [tilespmem:s0+$0x3810]  }
0x4e: {  	v7 =	vadd.f32 v16, v7;
	v2 =	vld [tilespmem:s0+$0x3820];
	v6 =	vadd.f32 v19, v6  }
0x4f: {  	v8 =	vadd.f32 v0, v8;
	v9 =	vadd.f32 v1, v9;
	v3 =	vld [tilespmem:s0+$0x3830]  }
0x50: {  	v7 =	vadd.f32 v17, v7;
	v0 =	vld [tilespmem:s0+$0x4480];
	v6 =	vadd.f32 v18, v6  }
0x51: {  	v1 =	vld [tilespmem:s0+$0x4490]  }
0x52: {  	v19 =	vld [tilespmem:s0+$0x37C0]  }
0x53: {  	v20 =	vld [tilespmem:s0+$0x37D0]  }
.Ltmp1:
0x54: {  	v18 =	vld [tilespmem:s0+$0x37E0];
	(pc) =	sbr.rel @p0 .LBB2_5-.Ltmp1, $4  }
0x55: {  	v17 =	vld [tilespmem:s0+$0x37F0]  }
0x56: {  	v14 =	vld [tilespmem:s0+$0x4440]  }
0x57: {  	v15 =	vld [tilespmem:s0+$0x4450]  }
0x58: {  	s9 =	sadd.s32 $0x200, s9;
	v16 =	vld [tilespmem:s0+$0x4460]  }
0x59: {  	v10 =	vadd.f32 v19, v10  }
0x5a: {  	v12 =	vadd.f32 v20, v12;
	v19 =	vld [tilespmem:s0+$0x4470]  }
0x5b: {  	v13 =	vadd.f32 v18, v13;
	v18 =	vld [tilespmem:s0+$0x44A0];
	s9 =	sshll.u32 s1, $0x9;
	v4 =	vadd.f32 v4, v10  }
0x5c: {  	v10 =	vadd.f32 v17, v11;
	v5 =	vadd.f32 v5, v12;
	v11 =	vld [tilespmem:s0+$0x44B0];
	s0 =	sand.u32 $0x3FFFFE00, s9  }
0x5d: {  	v2 =	vadd.f32 v2, v13;
	v8 =	vadd.f32 v14, v8;
	[tilespmem:s0+$0x9C00] =	vst v4  }
0x5e: {  	v3 =	vadd.f32 v3, v10;
	v4 =	vadd.f32 v15, v9;
	[tilespmem:s0+$0x9C10] =	vst v5  }
0x5f: {  	v5 =	vadd.f32 v16, v7;
	v0 =	vadd.f32 v0, v8;
	[tilespmem:s0+$0x9C20] =	vst v2  }
0x60: {  	v2 =	vadd.f32 v19, v6;
	v1 =	vadd.f32 v1, v4;
	[tilespmem:s0+$0x9C30] =	vst v3  }
0x61: {  	s11 =	smul.u32 $0x700, s1;
	v3 =	vadd.f32 v18, v5;
	[tilespmem:s0+$0x9C40] =	vst v0  }
0x62: {  	v0 =	vadd.f32 v11, v2;
	[tilespmem:s0+$0x9C50] =	vst v1  }
0x63: {  	s9 =	sshra.s32 s11, $0x2;
	[tilespmem:s0+$0x9C60] =	vst v3  }
0x64: {  	s11 =	sadd.s32 $0x1DC0, s9;
	[tilespmem:s0+$0x9C70] =	vst v0  }
0x65: {  	[tilespmem:s10], [sflag:$0x1] =	stream.indirect.gather [hbm4b:s3+s8], $0x40, s11, s8, $0xb8;
	[tilespmem:$0xBC00] =	vst v63  }
0x66: {  	s13 =	sadd.s32 $0x1DF8, s9  }
0x67: {  	[tilespmem:s12], [sflag:$0x1] =	stream.indirect.gather [hbm4b:s3+s8], $0x40, s13, s8, $0xb8;
	[tilespmem:$0xBC00] =	vst v63  }
0x68: {  	_ =	swait.ge [sflag:s26], $0x1900  }
0x69: {  	[sflag:s26] =	ssyncset.done $0x0  }
0x6a: {  	s11 =	simm.s32 $0x40;
	[sflag:s26] =	ssyncadd.s32 $0xFFFFE700  }
0x6b: {  	v2 =	vld [tilespmem:s11+$0x5100]  }
0x6c: {  	v5 =	vld [tilespmem:s11+$0x5110]  }
0x6d: {  	v3 =	vld [tilespmem:s11+$0x5120]  }
0x6e: {  	v4 =	vld [tilespmem:s11+$0x5130]  }
0x6f: {  	v0 =	vld [tilespmem:s11+$0x5D80]  }
0x70: {  	v1 =	vld [tilespmem:s11+$0x5D90]  }
0x71: {  	v19 =	vld [tilespmem:s11+$0x50C0]  }
0x72: {  	v20 =	vld [tilespmem:s11+$0x50D0]  }
0x73: {  	v18 =	vld [tilespmem:s11+$0x50E0]  }
0x74: {  	v17 =	vld [tilespmem:s11+$0x50F0]  }
0x75: {  	v13 =	vimm.f32 $0.0e+00;
	v12 =	vimm.f32 $0.0e+00;
	v14 =	vld [tilespmem:s11+$0x5D40]  }
0x76: {  	v10 =	vimm.f32 $0.0e+00;
	v8 =	vimm.f32 $0.0e+00;
	v9 =	vimm.f32 $0.0e+00;
	v15 =	vld [tilespmem:s11+$0x5D50]  }
0x77: {  	v7 =	vimm.f32 $0.0e+00;
	v6 =	vimm.f32 $0.0e+00;
	v11 =	vimm.f32 $0.0e+00;
	s13 =	simm.s32 $0x300;
	v16 =	vld [tilespmem:s11+$0x5D60]  }
.LBB2_7:
0x78: {  	p0 =	sne.s32 s13, $0x3100;
	v10 =	vadd.f32 v19, v10;
	v11 =	vadd.f32 v20, v11;
	v19 =	vld [tilespmem:s11+$0x5D70]  }
0x79: {  	v13 =	vadd.f32 v18, v13;
	v12 =	vadd.f32 v17, v12;
	v17 =	vld [tilespmem:s11+$0x5DA0]  }
0x7a: {  	v10 =	vadd.f32 v2, v10;
	v11 =	vadd.f32 v5, v11;
	v18 =	vld [tilespmem:s11+$0x5DB0];
	s11 =	sshra.s32 s13, $0x2  }
0x7b: {  	v13 =	vadd.f32 v3, v13;
	v2 =	vld [tilespmem:s11+$0x5100];
	v12 =	vadd.f32 v4, v12  }
0x7c: {  	v8 =	vadd.f32 v14, v8;
	v9 =	vadd.f32 v15, v9;
	v5 =	vld [tilespmem:s11+$0x5110]  }
0x7d: {  	v7 =	vadd.f32 v16, v7;
	v3 =	vld [tilespmem:s11+$0x5120];
	v6 =	vadd.f32 v19, v6  }
0x7e: {  	v8 =	vadd.f32 v0, v8;
	v9 =	vadd.f32 v1, v9;
	v4 =	vld [tilespmem:s11+$0x5130]  }
0x7f: {  	v7 =	vadd.f32 v17, v7;
	v0 =	vld [tilespmem:s11+$0x5D80];
	v6 =	vadd.f32 v18, v6  }
0x80: {  	v1 =	vld [tilespmem:s11+$0x5D90]  }
0x81: {  	v19 =	vld [tilespmem:s11+$0x50C0]  }
0x82: {  	v20 =	vld [tilespmem:s11+$0x50D0]  }
.Ltmp2:
0x83: {  	v18 =	vld [tilespmem:s11+$0x50E0];
	(pc) =	sbr.rel @p0 .LBB2_7-.Ltmp2, $4  }
0x84: {  	v17 =	vld [tilespmem:s11+$0x50F0]  }
0x85: {  	v14 =	vld [tilespmem:s11+$0x5D40]  }
0x86: {  	v15 =	vld [tilespmem:s11+$0x5D50]  }
0x87: {  	s13 =	sadd.s32 $0x200, s13;
	v16 =	vld [tilespmem:s11+$0x5D60]  }
0x88: {  	v10 =	vadd.f32 v19, v10  }
0x89: {  	v11 =	vadd.f32 v20, v11  }
0x8a: {  	v19 =	vld [tilespmem:s11+$0x5D70];
	v13 =	vadd.f32 v18, v13;
	v2 =	vadd.f32 v2, v10  }
0x8b: {  	v18 =	vld [tilespmem:s11+$0x5DA0];
	v10 =	vadd.f32 v17, v12;
	v5 =	vadd.f32 v5, v11  }
0x8c: {  	v11 =	vld [tilespmem:s11+$0x5DB0];
	v3 =	vadd.f32 v3, v13;
	v8 =	vadd.f32 v14, v8;
	[tilespmem:s0+$0x9C80] =	vst v2  }
0x8d: {  	v2 =	vadd.f32 v4, v10;
	v4 =	vadd.f32 v15, v9;
	[tilespmem:s0+$0x9C90] =	vst v5  }
0x8e: {  	v5 =	vadd.f32 v16, v7;
	v0 =	vadd.f32 v0, v8;
	[tilespmem:s0+$0x9CA0] =	vst v3  }
0x8f: {  	v3 =	vadd.f32 v19, v6;
	v1 =	vadd.f32 v1, v4;
	[tilespmem:s0+$0x9CB0] =	vst v2  }
0x90: {  	v2 =	vadd.f32 v18, v5;
	[tilespmem:s0+$0x9CC0] =	vst v0  }
0x91: {  	v0 =	vadd.f32 v11, v3;
	[tilespmem:s0+$0x9CD0] =	vst v1  }
0x92: {  	[tilespmem:s0+$0x9CE0] =	vst v2  }
0x93: {  	s13 =	sadd.s32 $0x1E30, s9;
	[tilespmem:s0+$0x9CF0] =	vst v0  }
0x94: {  	[tilespmem:s14], [sflag:$0x2] =	stream.indirect.gather [hbm4b:s3+s8], $0x40, s13, s8, $0xb8;
	[tilespmem:$0xBC00] =	vst v63  }
0x95: {  	s13 =	sadd.s32 $0x1E68, s9  }
0x96: {  	[tilespmem:s16], [sflag:$0x2] =	stream.indirect.gather [hbm4b:s3+s8], $0x40, s13, s8, $0xb8;
	[tilespmem:$0xBC00] =	vst v63  }
0x97: {  	_ =	swait.ge [sflag:s28], $0x1900  }
0x98: {  	[sflag:s28] =	ssyncset.done $0x0  }
0x99: {  	s11 =	simm.s32 $0x40;
	[sflag:s28] =	ssyncadd.s32 $0xFFFFE700  }
0x9a: {  	v2 =	vld [tilespmem:s11+$0x6A00]  }
0x9b: {  	v5 =	vld [tilespmem:s11+$0x6A10]  }
0x9c: {  	v3 =	vld [tilespmem:s11+$0x6A20]  }
0x9d: {  	v4 =	vld [tilespmem:s11+$0x6A30]  }
0x9e: {  	v0 =	vld [tilespmem:s11+$0x7680]  }
0x9f: {  	v1 =	vld [tilespmem:s11+$0x7690]  }
0xa0: {  	v19 =	vld [tilespmem:s11+$0x69C0]  }
0xa1: {  	v20 =	vld [tilespmem:s11+$0x69D0]  }
0xa2: {  	v18 =	vld [tilespmem:s11+$0x69E0]  }
0xa3: {  	v17 =	vld [tilespmem:s11+$0x69F0]  }
0xa4: {  	v13 =	vimm.f32 $0.0e+00;
	v12 =	vimm.f32 $0.0e+00;
	v14 =	vld [tilespmem:s11+$0x7640]  }
0xa5: {  	v10 =	vimm.f32 $0.0e+00;
	v8 =	vimm.f32 $0.0e+00;
	v9 =	vimm.f32 $0.0e+00;
	v15 =	vld [tilespmem:s11+$0x7650]  }
0xa6: {  	v7 =	vimm.f32 $0.0e+00;
	v6 =	vimm.f32 $0.0e+00;
	v11 =	vimm.f32 $0.0e+00;
	s13 =	simm.s32 $0x300;
	v16 =	vld [tilespmem:s11+$0x7660]  }
.LBB2_9:
0xa7: {  	p0 =	sne.s32 s13, $0x3100;
	v10 =	vadd.f32 v19, v10;
	v11 =	vadd.f32 v20, v11;
	v19 =	vld [tilespmem:s11+$0x7670]  }
0xa8: {  	v13 =	vadd.f32 v18, v13;
	v12 =	vadd.f32 v17, v12;
	v17 =	vld [tilespmem:s11+$0x76A0]  }
0xa9: {  	v10 =	vadd.f32 v2, v10;
	v11 =	vadd.f32 v5, v11;
	v18 =	vld [tilespmem:s11+$0x76B0];
	s11 =	sshra.s32 s13, $0x2  }
0xaa: {  	v13 =	vadd.f32 v3, v13;
	v2 =	vld [tilespmem:s11+$0x6A00];
	v12 =	vadd.f32 v4, v12  }
0xab: {  	v8 =	vadd.f32 v14, v8;
	v9 =	vadd.f32 v15, v9;
	v5 =	vld [tilespmem:s11+$0x6A10]  }
0xac: {  	v7 =	vadd.f32 v16, v7;
	v3 =	vld [tilespmem:s11+$0x6A20];
	v6 =	vadd.f32 v19, v6  }
0xad: {  	v8 =	vadd.f32 v0, v8;
	v9 =	vadd.f32 v1, v9;
	v4 =	vld [tilespmem:s11+$0x6A30]  }
0xae: {  	v7 =	vadd.f32 v17, v7;
	v0 =	vld [tilespmem:s11+$0x7680];
	v6 =	vadd.f32 v18, v6  }
0xaf: {  	v1 =	vld [tilespmem:s11+$0x7690]  }
0xb0: {  	v19 =	vld [tilespmem:s11+$0x69C0]  }
0xb1: {  	v20 =	vld [tilespmem:s11+$0x69D0]  }
.Ltmp3:
0xb2: {  	v18 =	vld [tilespmem:s11+$0x69E0];
	(pc) =	sbr.rel @p0 .LBB2_9-.Ltmp3, $4  }
0xb3: {  	v17 =	vld [tilespmem:s11+$0x69F0]  }
0xb4: {  	v14 =	vld [tilespmem:s11+$0x7640]  }
0xb5: {  	v15 =	vld [tilespmem:s11+$0x7650]  }
0xb6: {  	s13 =	sadd.s32 $0x200, s13;
	v16 =	vld [tilespmem:s11+$0x7660]  }
0xb7: {  	v10 =	vadd.f32 v19, v10  }
0xb8: {  	v11 =	vadd.f32 v20, v11  }
0xb9: {  	v19 =	vld [tilespmem:s11+$0x7670];
	v13 =	vadd.f32 v18, v13;
	v2 =	vadd.f32 v2, v10  }
0xba: {  	v18 =	vld [tilespmem:s11+$0x76A0];
	v10 =	vadd.f32 v17, v12;
	v5 =	vadd.f32 v5, v11  }
0xbb: {  	v11 =	vld [tilespmem:s11+$0x76B0];
	v3 =	vadd.f32 v3, v13;
	v8 =	vadd.f32 v14, v8;
	[tilespmem:s0+$0x9D00] =	vst v2  }
0xbc: {  	v2 =	vadd.f32 v4, v10;
	v4 =	vadd.f32 v15, v9;
	[tilespmem:s0+$0x9D10] =	vst v5  }
0xbd: {  	v5 =	vadd.f32 v16, v7;
	v0 =	vadd.f32 v0, v8;
	[tilespmem:s0+$0x9D20] =	vst v3  }
0xbe: {  	v3 =	vadd.f32 v19, v6;
	v1 =	vadd.f32 v1, v4;
	[tilespmem:s0+$0x9D30] =	vst v2  }
0xbf: {  	v2 =	vadd.f32 v18, v5;
	[tilespmem:s0+$0x9D40] =	vst v0  }
0xc0: {  	v0 =	vadd.f32 v11, v3;
	[tilespmem:s0+$0x9D50] =	vst v1  }
0xc1: {  	[tilespmem:s0+$0x9D60] =	vst v2  }
0xc2: {  	s13 =	sadd.s32 $0x1EA0, s9;
	[tilespmem:s0+$0x9D70] =	vst v0  }
0xc3: {  	[tilespmem:s18], [sflag:$0x3] =	stream.indirect.gather [hbm4b:s3+s8], $0x40, s13, s8, $0xb8;
	[tilespmem:$0xBC00] =	vst v63  }
0xc4: {  	s13 =	sadd.s32 $0x1ED8, s9  }
0xc5: {  	[tilespmem:s20], [sflag:$0x3] =	stream.indirect.gather [hbm4b:s3+s8], $0x40, s13, s8, $0xb8;
	[tilespmem:$0xBC00] =	vst v63  }
0xc6: {  	_ =	swait.ge [sflag:s29], $0x1900  }
0xc7: {  	[sflag:s29] =	ssyncset.done $0x0  }
0xc8: {  	s11 =	simm.s32 $0x40;
	[sflag:s29] =	ssyncadd.s32 $0xFFFFE700  }
0xc9: {  	v2 =	vld [tilespmem:s11+$0x8300]  }
0xca: {  	v5 =	vld [tilespmem:s11+$0x8310]  }
0xcb: {  	v3 =	vld [tilespmem:s11+$0x8320]  }
0xcc: {  	v4 =	vld [tilespmem:s11+$0x8330]  }
0xcd: {  	v0 =	vld [tilespmem:s11+$0x8F80]  }
0xce: {  	v1 =	vld [tilespmem:s11+$0x8F90]  }
0xcf: {  	v19 =	vld [tilespmem:s11+$0x82C0]  }
0xd0: {  	v20 =	vld [tilespmem:s11+$0x82D0]  }
0xd1: {  	v18 =	vld [tilespmem:s11+$0x82E0]  }
0xd2: {  	v17 =	vld [tilespmem:s11+$0x82F0]  }
0xd3: {  	v13 =	vimm.f32 $0.0e+00;
	v12 =	vimm.f32 $0.0e+00;
	v14 =	vld [tilespmem:s11+$0x8F40]  }
0xd4: {  	v10 =	vimm.f32 $0.0e+00;
	v8 =	vimm.f32 $0.0e+00;
	v9 =	vimm.f32 $0.0e+00;
	v15 =	vld [tilespmem:s11+$0x8F50]  }
0xd5: {  	v7 =	vimm.f32 $0.0e+00;
	v6 =	vimm.f32 $0.0e+00;
	v11 =	vimm.f32 $0.0e+00;
	s13 =	simm.s32 $0x300;
	v16 =	vld [tilespmem:s11+$0x8F60]  }
.LBB2_11:
0xd6: {  	p0 =	sne.s32 s13, $0x3100;
	v10 =	vadd.f32 v19, v10;
	v11 =	vadd.f32 v20, v11;
	v19 =	vld [tilespmem:s11+$0x8F70]  }
0xd7: {  	v13 =	vadd.f32 v18, v13;
	v12 =	vadd.f32 v17, v12;
	v17 =	vld [tilespmem:s11+$0x8FA0]  }
0xd8: {  	v10 =	vadd.f32 v2, v10;
	v11 =	vadd.f32 v5, v11;
	v18 =	vld [tilespmem:s11+$0x8FB0];
	s11 =	sshra.s32 s13, $0x2  }
0xd9: {  	v13 =	vadd.f32 v3, v13;
	v2 =	vld [tilespmem:s11+$0x8300];
	v12 =	vadd.f32 v4, v12  }
0xda: {  	v8 =	vadd.f32 v14, v8;
	v9 =	vadd.f32 v15, v9;
	v5 =	vld [tilespmem:s11+$0x8310]  }
0xdb: {  	v7 =	vadd.f32 v16, v7;
	v3 =	vld [tilespmem:s11+$0x8320];
	v6 =	vadd.f32 v19, v6  }
0xdc: {  	v8 =	vadd.f32 v0, v8;
	v9 =	vadd.f32 v1, v9;
	v4 =	vld [tilespmem:s11+$0x8330]  }
0xdd: {  	v7 =	vadd.f32 v17, v7;
	v0 =	vld [tilespmem:s11+$0x8F80];
	v6 =	vadd.f32 v18, v6  }
0xde: {  	v1 =	vld [tilespmem:s11+$0x8F90]  }
0xdf: {  	v19 =	vld [tilespmem:s11+$0x82C0]  }
0xe0: {  	v20 =	vld [tilespmem:s11+$0x82D0]  }
.Ltmp4:
0xe1: {  	v18 =	vld [tilespmem:s11+$0x82E0];
	(pc) =	sbr.rel @p0 .LBB2_11-.Ltmp4, $4  }
0xe2: {  	v17 =	vld [tilespmem:s11+$0x82F0]  }
0xe3: {  	v14 =	vld [tilespmem:s11+$0x8F40]  }
0xe4: {  	v15 =	vld [tilespmem:s11+$0x8F50]  }
0xe5: {  	s13 =	sadd.s32 $0x200, s13;
	v16 =	vld [tilespmem:s11+$0x8F60]  }
0xe6: {  	v10 =	vadd.f32 v19, v10  }
0xe7: {  	v11 =	vadd.f32 v20, v11  }
0xe8: {  	v54 =	vld [tilespmem:s11+$0x8F70];
	v13 =	vadd.f32 v18, v13;
	v2 =	vadd.f32 v2, v10  }
0xe9: {  	v55 =	vld [tilespmem:s11+$0x8FA0];
	v56 =	vadd.f32 v17, v12;
	v5 =	vadd.f32 v5, v11  }
0xea: {  	v57 =	vld [tilespmem:s11+$0x8FB0];
	v3 =	vadd.f32 v3, v13;
	v8 =	vadd.f32 v14, v8;
	[tilespmem:s0+$0x9D80] =	vst v2  }
0xeb: {  	v58 =	vadd.f32 v4, v56;
	v59 =	vadd.f32 v15, v9;
	[tilespmem:s0+$0x9D90] =	vst v5  }
0xec: {  	v60 =	vadd.f32 v16, v7;
	v0 =	vadd.f32 v0, v8;
	[tilespmem:s0+$0x9DA0] =	vst v3  }
0xed: {  	v61 =	vadd.f32 v54, v6;
	v1 =	vadd.f32 v1, v59;
	[tilespmem:s0+$0x9DB0] =	vst v58  }
0xee: {  	s1 =	sadd.s32 $0x1, s1;
	v62 =	vadd.f32 v55, v60;
	[tilespmem:s0+$0x9DC0] =	vst v0  }
0xef: {  	p0 =	sne.s32 s1, $0xF;
	v63 =	vadd.f32 v57, v61;
	[tilespmem:s0+$0x9DD0] =	vst v1  }
.Ltmp5:
0xf0: {  	[tilespmem:s0+$0x9DE0] =	vst v62;
	(pc) =	sbr.rel @p0 .LBB2_4-.Ltmp5, $4  }
0xf1: {  	s11 =	sadd.s32 $0x1F10, s9;
	[tilespmem:s0+$0x9DF0] =	vst v63  }
0xf2: {  	[tilespmem:s22], [sflag:$0x4] =	stream.indirect.gather [hbm4b:s3+s8], $0x40, s11, s8, $0xb8;
	[tilespmem:$0xBC00] =	vst v63  }
0xf3: {  	s13 =	sadd.s32 $0x1F48, s9  }
0xf4: {  	[tilespmem:s24], [sflag:$0x4] =	stream.indirect.gather [hbm4b:s3+s8], $0x40, s13, s8, $0xb8;
	[tilespmem:$0xBC00] =	vst v63  }
0xf5: {  	_ =	swait.ge [sflag:s25], $0x1900  }
0xf6: {  	[sflag:s25] =	ssyncset.done $0x0  }
0xf7: {  	s0 =	simm.s32 $0x40;
	[sflag:s25] =	ssyncadd.s32 $0xFFFFE700  }
0xf8: {  	v2 =	vld [tilespmem:s0+$0x3800]  }
0xf9: {  	v5 =	vld [tilespmem:s0+$0x3810]  }
0xfa: {  	v3 =	vld [tilespmem:s0+$0x3820]  }
0xfb: {  	v4 =	vld [tilespmem:s0+$0x3830]  }
0xfc: {  	v0 =	vld [tilespmem:s0+$0x4480]  }
0xfd: {  	v1 =	vld [tilespmem:s0+$0x4490]  }
0xfe: {  	v19 =	vld [tilespmem:s0+$0x37C0]  }
0xff: {  	v20 =	vld [tilespmem:s0+$0x37D0]  }
0x100: {  	v18 =	vld [tilespmem:s0+$0x37E0]  }
0x101: {  	v17 =	vld [tilespmem:s0+$0x37F0]  }
0x102: {  	v10 =	vimm.f32 $0.0e+00;
	v11 =	vimm.f32 $0.0e+00;
	v14 =	vld [tilespmem:s0+$0x4440]  }
0x103: {  	v13 =	vimm.f32 $0.0e+00;
	v12 =	vimm.f32 $0.0e+00;
	v8 =	vimm.f32 $0.0e+00;
	v15 =	vld [tilespmem:s0+$0x4450]  }
0x104: {  	s1 =	simm.s32 $0x300;
	v9 =	vimm.f32 $0.0e+00;
	v7 =	vimm.f32 $0.0e+00;
	v6 =	vimm.f32 $0.0e+00;
	v16 =	vld [tilespmem:s0+$0x4460]  }
.LBB2_14:
0x105: {  	p0 =	sne.s32 s1, $0x3100;
	v10 =	vadd.f32 v19, v10;
	v11 =	vadd.f32 v20, v11;
	v19 =	vld [tilespmem:s0+$0x4470]  }
0x106: {  	v13 =	vadd.f32 v18, v13;
	v12 =	vadd.f32 v17, v12;
	v17 =	vld [tilespmem:s0+$0x44A0]  }
0x107: {  	v10 =	vadd.f32 v2, v10;
	v11 =	vadd.f32 v5, v11;
	v18 =	vld [tilespmem:s0+$0x44B0];
	s0 =	sshra.s32 s1, $0x2  }
0x108: {  	v13 =	vadd.f32 v3, v13;
	v2 =	vld [tilespmem:s0+$0x3800];
	v12 =	vadd.f32 v4, v12  }
0x109: {  	v8 =	vadd.f32 v14, v8;
	v9 =	vadd.f32 v15, v9;
	v5 =	vld [tilespmem:s0+$0x3810]  }
0x10a: {  	v7 =	vadd.f32 v16, v7;
	v3 =	vld [tilespmem:s0+$0x3820];
	v6 =	vadd.f32 v19, v6  }
0x10b: {  	v8 =	vadd.f32 v0, v8;
	v9 =	vadd.f32 v1, v9;
	v4 =	vld [tilespmem:s0+$0x3830]  }
0x10c: {  	v7 =	vadd.f32 v17, v7;
	v0 =	vld [tilespmem:s0+$0x4480];
	v6 =	vadd.f32 v18, v6  }
0x10d: {  	v1 =	vld [tilespmem:s0+$0x4490]  }
0x10e: {  	v19 =	vld [tilespmem:s0+$0x37C0]  }
0x10f: {  	v20 =	vld [tilespmem:s0+$0x37D0]  }
.Ltmp6:
0x110: {  	v18 =	vld [tilespmem:s0+$0x37E0];
	(pc) =	sbr.rel @p0 .LBB2_14-.Ltmp6, $4  }
0x111: {  	v17 =	vld [tilespmem:s0+$0x37F0]  }
0x112: {  	v14 =	vld [tilespmem:s0+$0x4440]  }
0x113: {  	v15 =	vld [tilespmem:s0+$0x4450]  }
0x114: {  	s1 =	sadd.s32 $0x200, s1;
	v16 =	vld [tilespmem:s0+$0x4460]  }
0x115: {  	v10 =	vadd.f32 v19, v10  }
0x116: {  	v11 =	vadd.f32 v20, v11  }
0x117: {  	v19 =	vld [tilespmem:s0+$0x4470];
	v13 =	vadd.f32 v18, v13;
	v2 =	vadd.f32 v2, v10  }
0x118: {  	v18 =	vld [tilespmem:s0+$0x44A0];
	v10 =	vadd.f32 v17, v12;
	v5 =	vadd.f32 v5, v11  }
0x119: {  	v11 =	vld [tilespmem:s0+$0x44B0];
	v3 =	vadd.f32 v3, v13;
	v8 =	vadd.f32 v14, v8;
	[tilespmem:$0xBA00] =	vst v2  }
0x11a: {  	v2 =	vadd.f32 v4, v10;
	v4 =	vadd.f32 v15, v9;
	[tilespmem:$0xBA10] =	vst v5  }
0x11b: {  	v5 =	vadd.f32 v16, v7;
	v0 =	vadd.f32 v0, v8;
	[tilespmem:$0xBA20] =	vst v3  }
0x11c: {  	v3 =	vadd.f32 v19, v6;
	v1 =	vadd.f32 v1, v4;
	[tilespmem:$0xBA30] =	vst v2  }
0x11d: {  	v2 =	vadd.f32 v18, v5;
	[tilespmem:$0xBA40] =	vst v0  }
0x11e: {  	v0 =	vadd.f32 v11, v3;
	[tilespmem:$0xBA50] =	vst v1  }
0x11f: {  	[tilespmem:$0xBA60] =	vst v2  }
0x120: {  	[tilespmem:$0xBA70] =	vst v0  }
0x121: {  	_ =	swait.ge [sflag:s26], $0x1900  }
0x122: {  	[sflag:s26] =	ssyncset.done $0x0  }
0x123: {  	s0 =	simm.s32 $0x40;
	[sflag:s26] =	ssyncadd.s32 $0xFFFFE700  }
0x124: {  	v2 =	vld [tilespmem:s0+$0x5100]  }
0x125: {  	v5 =	vld [tilespmem:s0+$0x5110]  }
0x126: {  	v3 =	vld [tilespmem:s0+$0x5120]  }
0x127: {  	v4 =	vld [tilespmem:s0+$0x5130]  }
0x128: {  	v0 =	vld [tilespmem:s0+$0x5D80]  }
0x129: {  	v1 =	vld [tilespmem:s0+$0x5D90]  }
0x12a: {  	v19 =	vld [tilespmem:s0+$0x50C0]  }
0x12b: {  	v20 =	vld [tilespmem:s0+$0x50D0]  }
0x12c: {  	v18 =	vld [tilespmem:s0+$0x50E0]  }
0x12d: {  	v17 =	vld [tilespmem:s0+$0x50F0]  }
0x12e: {  	v13 =	vimm.f32 $0.0e+00;
	v12 =	vimm.f32 $0.0e+00;
	v14 =	vld [tilespmem:s0+$0x5D40]  }
0x12f: {  	v10 =	vimm.f32 $0.0e+00;
	v8 =	vimm.f32 $0.0e+00;
	v9 =	vimm.f32 $0.0e+00;
	v15 =	vld [tilespmem:s0+$0x5D50]  }
0x130: {  	s1 =	simm.s32 $0x300;
	v7 =	vimm.f32 $0.0e+00;
	v6 =	vimm.f32 $0.0e+00;
	v11 =	vimm.f32 $0.0e+00;
	v16 =	vld [tilespmem:s0+$0x5D60]  }
.LBB2_16:
0x131: {  	p0 =	sne.s32 s1, $0x3100;
	v10 =	vadd.f32 v19, v10;
	v11 =	vadd.f32 v20, v11;
	v19 =	vld [tilespmem:s0+$0x5D70]  }
0x132: {  	v13 =	vadd.f32 v18, v13;
	v12 =	vadd.f32 v17, v12;
	v17 =	vld [tilespmem:s0+$0x5DA0]  }
0x133: {  	v10 =	vadd.f32 v2, v10;
	v11 =	vadd.f32 v5, v11;
	v18 =	vld [tilespmem:s0+$0x5DB0];
	s0 =	sshra.s32 s1, $0x2  }
0x134: {  	v13 =	vadd.f32 v3, v13;
	v2 =	vld [tilespmem:s0+$0x5100];
	v12 =	vadd.f32 v4, v12  }
0x135: {  	v8 =	vadd.f32 v14, v8;
	v9 =	vadd.f32 v15, v9;
	v5 =	vld [tilespmem:s0+$0x5110]  }
0x136: {  	v7 =	vadd.f32 v16, v7;
	v3 =	vld [tilespmem:s0+$0x5120];
	v6 =	vadd.f32 v19, v6  }
0x137: {  	v8 =	vadd.f32 v0, v8;
	v9 =	vadd.f32 v1, v9;
	v4 =	vld [tilespmem:s0+$0x5130]  }
0x138: {  	v7 =	vadd.f32 v17, v7;
	v0 =	vld [tilespmem:s0+$0x5D80];
	v6 =	vadd.f32 v18, v6  }
0x139: {  	v1 =	vld [tilespmem:s0+$0x5D90]  }
0x13a: {  	v19 =	vld [tilespmem:s0+$0x50C0]  }
0x13b: {  	v20 =	vld [tilespmem:s0+$0x50D0]  }
.Ltmp7:
0x13c: {  	v18 =	vld [tilespmem:s0+$0x50E0];
	(pc) =	sbr.rel @p0 .LBB2_16-.Ltmp7, $4  }
0x13d: {  	v17 =	vld [tilespmem:s0+$0x50F0]  }
0x13e: {  	v14 =	vld [tilespmem:s0+$0x5D40]  }
0x13f: {  	v15 =	vld [tilespmem:s0+$0x5D50]  }
0x140: {  	s1 =	sadd.s32 $0x200, s1;
	v16 =	vld [tilespmem:s0+$0x5D60]  }
0x141: {  	v10 =	vadd.f32 v19, v10  }
0x142: {  	v11 =	vadd.f32 v20, v11  }
0x143: {  	v19 =	vld [tilespmem:s0+$0x5D70];
	v13 =	vadd.f32 v18, v13;
	v2 =	vadd.f32 v2, v10  }
0x144: {  	v18 =	vld [tilespmem:s0+$0x5DA0];
	v10 =	vadd.f32 v17, v12;
	v5 =	vadd.f32 v5, v11  }
0x145: {  	v11 =	vld [tilespmem:s0+$0x5DB0];
	v3 =	vadd.f32 v3, v13;
	v8 =	vadd.f32 v14, v8;
	[tilespmem:$0xBA80] =	vst v2  }
0x146: {  	v2 =	vadd.f32 v4, v10;
	v4 =	vadd.f32 v15, v9;
	[tilespmem:$0xBA90] =	vst v5  }
0x147: {  	v5 =	vadd.f32 v16, v7;
	v0 =	vadd.f32 v0, v8;
	[tilespmem:$0xBAA0] =	vst v3  }
0x148: {  	v3 =	vadd.f32 v19, v6;
	v1 =	vadd.f32 v1, v4;
	[tilespmem:$0xBAB0] =	vst v2  }
0x149: {  	v2 =	vadd.f32 v18, v5;
	[tilespmem:$0xBAC0] =	vst v0  }
0x14a: {  	v0 =	vadd.f32 v11, v3;
	[tilespmem:$0xBAD0] =	vst v1  }
0x14b: {  	[tilespmem:$0xBAE0] =	vst v2  }
0x14c: {  	[tilespmem:$0xBAF0] =	vst v0  }
0x14d: {  	_ =	swait.ge [sflag:s28], $0x1900  }
0x14e: {  	[sflag:s28] =	ssyncset.done $0x0  }
0x14f: {  	s0 =	simm.s32 $0x40;
	[sflag:s28] =	ssyncadd.s32 $0xFFFFE700  }
0x150: {  	v2 =	vld [tilespmem:s0+$0x6A00]  }
0x151: {  	v5 =	vld [tilespmem:s0+$0x6A10]  }
0x152: {  	v3 =	vld [tilespmem:s0+$0x6A20]  }
0x153: {  	v4 =	vld [tilespmem:s0+$0x6A30]  }
0x154: {  	v0 =	vld [tilespmem:s0+$0x7680]  }
0x155: {  	v1 =	vld [tilespmem:s0+$0x7690]  }
0x156: {  	v19 =	vld [tilespmem:s0+$0x69C0]  }
0x157: {  	v20 =	vld [tilespmem:s0+$0x69D0]  }
0x158: {  	v18 =	vld [tilespmem:s0+$0x69E0]  }
0x159: {  	v17 =	vld [tilespmem:s0+$0x69F0]  }
0x15a: {  	v13 =	vimm.f32 $0.0e+00;
	v12 =	vimm.f32 $0.0e+00;
	v14 =	vld [tilespmem:s0+$0x7640]  }
0x15b: {  	v10 =	vimm.f32 $0.0e+00;
	v8 =	vimm.f32 $0.0e+00;
	v9 =	vimm.f32 $0.0e+00;
	v15 =	vld [tilespmem:s0+$0x7650]  }
0x15c: {  	s1 =	simm.s32 $0x300;
	v7 =	vimm.f32 $0.0e+00;
	v6 =	vimm.f32 $0.0e+00;
	v11 =	vimm.f32 $0.0e+00;
	v16 =	vld [tilespmem:s0+$0x7660]  }
.LBB2_18:
0x15d: {  	p0 =	sne.s32 s1, $0x3100;
	v10 =	vadd.f32 v19, v10;
	v11 =	vadd.f32 v20, v11;
	v19 =	vld [tilespmem:s0+$0x7670]  }
0x15e: {  	v13 =	vadd.f32 v18, v13;
	v12 =	vadd.f32 v17, v12;
	v17 =	vld [tilespmem:s0+$0x76A0]  }
0x15f: {  	v10 =	vadd.f32 v2, v10;
	v11 =	vadd.f32 v5, v11;
	v18 =	vld [tilespmem:s0+$0x76B0];
	s0 =	sshra.s32 s1, $0x2  }
0x160: {  	v13 =	vadd.f32 v3, v13;
	v2 =	vld [tilespmem:s0+$0x6A00];
	v12 =	vadd.f32 v4, v12  }
0x161: {  	v8 =	vadd.f32 v14, v8;
	v9 =	vadd.f32 v15, v9;
	v5 =	vld [tilespmem:s0+$0x6A10]  }
0x162: {  	v7 =	vadd.f32 v16, v7;
	v3 =	vld [tilespmem:s0+$0x6A20];
	v6 =	vadd.f32 v19, v6  }
0x163: {  	v8 =	vadd.f32 v0, v8;
	v9 =	vadd.f32 v1, v9;
	v4 =	vld [tilespmem:s0+$0x6A30]  }
0x164: {  	v7 =	vadd.f32 v17, v7;
	v0 =	vld [tilespmem:s0+$0x7680];
	v6 =	vadd.f32 v18, v6  }
0x165: {  	v1 =	vld [tilespmem:s0+$0x7690]  }
0x166: {  	v19 =	vld [tilespmem:s0+$0x69C0]  }
0x167: {  	v20 =	vld [tilespmem:s0+$0x69D0]  }
.Ltmp8:
0x168: {  	v18 =	vld [tilespmem:s0+$0x69E0];
	(pc) =	sbr.rel @p0 .LBB2_18-.Ltmp8, $4  }
0x169: {  	v17 =	vld [tilespmem:s0+$0x69F0]  }
0x16a: {  	v14 =	vld [tilespmem:s0+$0x7640]  }
0x16b: {  	v15 =	vld [tilespmem:s0+$0x7650]  }
0x16c: {  	s1 =	sadd.s32 $0x200, s1;
	v16 =	vld [tilespmem:s0+$0x7660]  }
0x16d: {  	v10 =	vadd.f32 v19, v10  }
0x16e: {  	v11 =	vadd.f32 v20, v11  }
0x16f: {  	v19 =	vld [tilespmem:s0+$0x7670];
	v13 =	vadd.f32 v18, v13;
	v2 =	vadd.f32 v2, v10  }
0x170: {  	v18 =	vld [tilespmem:s0+$0x76A0];
	v10 =	vadd.f32 v17, v12;
	v5 =	vadd.f32 v5, v11  }
0x171: {  	v11 =	vld [tilespmem:s0+$0x76B0];
	v3 =	vadd.f32 v3, v13;
	v8 =	vadd.f32 v14, v8;
	[tilespmem:$0xBB00] =	vst v2  }
0x172: {  	v2 =	vadd.f32 v4, v10;
	v4 =	vadd.f32 v15, v9;
	[tilespmem:$0xBB10] =	vst v5  }
0x173: {  	v5 =	vadd.f32 v16, v7;
	v0 =	vadd.f32 v0, v8;
	[tilespmem:$0xBB20] =	vst v3  }
0x174: {  	v3 =	vadd.f32 v19, v6;
	v1 =	vadd.f32 v1, v4;
	[tilespmem:$0xBB30] =	vst v2  }
0x175: {  	v2 =	vadd.f32 v18, v5;
	[tilespmem:$0xBB40] =	vst v0  }
0x176: {  	v0 =	vadd.f32 v11, v3;
	[tilespmem:$0xBB50] =	vst v1  }
0x177: {  	[tilespmem:$0xBB60] =	vst v2  }
0x178: {  	[tilespmem:$0xBB70] =	vst v0  }
0x179: {  	_ =	swait.ge [sflag:s29], $0x1900  }
0x17a: {  	[sflag:s29] =	ssyncset.done $0x0  }
0x17b: {  	s0 =	simm.s32 $0x40;
	[sflag:s29] =	ssyncadd.s32 $0xFFFFE700  }
0x17c: {  	v2 =	vld [tilespmem:s0+$0x8300]  }
0x17d: {  	v5 =	vld [tilespmem:s0+$0x8310]  }
0x17e: {  	v3 =	vld [tilespmem:s0+$0x8320]  }
0x17f: {  	v4 =	vld [tilespmem:s0+$0x8330]  }
0x180: {  	v0 =	vld [tilespmem:s0+$0x8F80]  }
0x181: {  	v1 =	vld [tilespmem:s0+$0x8F90]  }
0x182: {  	v19 =	vld [tilespmem:s0+$0x82C0]  }
0x183: {  	v20 =	vld [tilespmem:s0+$0x82D0]  }
0x184: {  	v18 =	vld [tilespmem:s0+$0x82E0]  }
0x185: {  	v17 =	vld [tilespmem:s0+$0x82F0]  }
0x186: {  	v13 =	vimm.f32 $0.0e+00;
	v12 =	vimm.f32 $0.0e+00;
	v14 =	vld [tilespmem:s0+$0x8F40]  }
0x187: {  	v10 =	vimm.f32 $0.0e+00;
	v8 =	vimm.f32 $0.0e+00;
	v9 =	vimm.f32 $0.0e+00;
	v15 =	vld [tilespmem:s0+$0x8F50]  }
0x188: {  	s1 =	simm.s32 $0x300;
	v7 =	vimm.f32 $0.0e+00;
	v6 =	vimm.f32 $0.0e+00;
	v11 =	vimm.f32 $0.0e+00;
	v16 =	vld [tilespmem:s0+$0x8F60]  }
.LBB2_20:
0x189: {  	p0 =	sne.s32 s1, $0x3100;
	v10 =	vadd.f32 v19, v10;
	v11 =	vadd.f32 v20, v11;
	v19 =	vld [tilespmem:s0+$0x8F70]  }
0x18a: {  	v13 =	vadd.f32 v18, v13;
	v12 =	vadd.f32 v17, v12;
	v17 =	vld [tilespmem:s0+$0x8FA0]  }
0x18b: {  	v10 =	vadd.f32 v2, v10;
	v11 =	vadd.f32 v5, v11;
	v18 =	vld [tilespmem:s0+$0x8FB0];
	s0 =	sshra.s32 s1, $0x2  }
0x18c: {  	v13 =	vadd.f32 v3, v13;
	v2 =	vld [tilespmem:s0+$0x8300];
	v12 =	vadd.f32 v4, v12  }
0x18d: {  	v8 =	vadd.f32 v14, v8;
	v9 =	vadd.f32 v15, v9;
	v5 =	vld [tilespmem:s0+$0x8310]  }
0x18e: {  	v7 =	vadd.f32 v16, v7;
	v3 =	vld [tilespmem:s0+$0x8320];
	v6 =	vadd.f32 v19, v6  }
0x18f: {  	v8 =	vadd.f32 v0, v8;
	v9 =	vadd.f32 v1, v9;
	v4 =	vld [tilespmem:s0+$0x8330]  }
0x190: {  	v7 =	vadd.f32 v17, v7;
	v0 =	vld [tilespmem:s0+$0x8F80];
	v6 =	vadd.f32 v18, v6  }
0x191: {  	v1 =	vld [tilespmem:s0+$0x8F90]  }
0x192: {  	v19 =	vld [tilespmem:s0+$0x82C0]  }
0x193: {  	v20 =	vld [tilespmem:s0+$0x82D0]  }
.Ltmp9:
0x194: {  	v18 =	vld [tilespmem:s0+$0x82E0];
	(pc) =	sbr.rel @p0 .LBB2_20-.Ltmp9, $4  }
0x195: {  	v17 =	vld [tilespmem:s0+$0x82F0]  }
0x196: {  	v14 =	vld [tilespmem:s0+$0x8F40]  }
0x197: {  	v15 =	vld [tilespmem:s0+$0x8F50]  }
0x198: {  	s1 =	sadd.s32 $0x200, s1;
	v16 =	vld [tilespmem:s0+$0x8F60]  }
0x199: {  	v10 =	vadd.f32 v19, v10  }
0x19a: {  	v11 =	vadd.f32 v20, v11  }
0x19b: {  	v54 =	vld [tilespmem:s0+$0x8F70];
	v13 =	vadd.f32 v18, v13;
	v2 =	vadd.f32 v2, v10  }
0x19c: {  	v55 =	vld [tilespmem:s0+$0x8FA0];
	v56 =	vadd.f32 v17, v12;
	v5 =	vadd.f32 v5, v11  }
0x19d: {  	v57 =	vld [tilespmem:s0+$0x8FB0];
	v3 =	vadd.f32 v3, v13;
	v8 =	vadd.f32 v14, v8;
	[tilespmem:$0xBB80] =	vst v2  }
0x19e: {  	v58 =	vadd.f32 v4, v56;
	v59 =	vadd.f32 v15, v9;
	[tilespmem:$0xBB90] =	vst v5  }
0x19f: {  	v60 =	vadd.f32 v16, v7;
	v0 =	vadd.f32 v0, v8;
	[tilespmem:$0xBBA0] =	vst v3  }
0x1a0: {  	v61 =	vadd.f32 v54, v6;
	v1 =	vadd.f32 v1, v59;
	[tilespmem:$0xBBB0] =	vst v58  }
0x1a1: {  	v62 =	vadd.f32 v55, v60;
	[tilespmem:$0xBBC0] =	vst v0  }
0x1a2: {  	s31 =	sadd.s32 $0x1, s31;
	v63 =	vadd.f32 v57, v61;
	[tilespmem:$0xBBD0] =	vst v1  }
0x1a3: {  	p0 =	sne.s32 s31, s6;
	[tilespmem:$0xBBE0] =	vst v62  }
.Ltmp10:
0x1a4: {  	[tilespmem:$0xBBF0] =	vst v63;
	(pc) =	sbr.rel @p0 .LBB2_1-.Ltmp10, $4  }
0x1a5: {  	[hbm4b:s5+s2] =	stream.linear.scatter [tilespmem:s30], [sflag:$0x5], $0x2000, $0x38;
	[tilespmem:$0xBC00] =	vst v63  }
0x1a6: {  	_ =	swait.ge [sflag:s7], $0x2000  }
0x1a7: {  	[sflag:s7] =	ssyncset.done $0x0  }
0x1a8: {  	[sflag:s7] =	ssyncadd.s32 $0xFFFFE000  }
0x1a9: {  	_ =	sfence.sel $0x180000  }
0x1aa: {  	[bflag:$0x0] =	sbarrier.arrive $0xFFFF  }
0x1ab: {  	_ =	strace $0x90000047  }
0x1ac: {  	s0 =	stileid.u32;
	[bflag:$0x2] =	sbarrier.arrive $0xFFFF  }
0x1ad: {  	p0 =	sne.s32 s0, $0x0;
	s0 =	rddreg [dreg:$0x1]  }
0x1ae: {  	s0 =	sadd.s32 @!p0 $0x100000, s0  }
0x1af: {  	[sflag:s0] =	ssyncadd.tile.s32 @!p0 $0x1;
	_ =	shalt  }
.Lfunc_end2:
_tile_overlayer_lowered:
.L_overlay_start_2:
0x1b0: {  	(tag) =	ssettag $0x2  }
0x1b1: {  	s0 =	rddreg [dreg:$0x0];
	s2 =	stileid.u32  }
0x1b2: {  	s1 =	rddreg [dreg:$0x1];
	p0 =	sne.s32 s2, $0x0  }
0x1b3: {  	s3 =	rddreg [dreg:$0x2];
	[bflag:$0x3] =	sbarrier.arrive $0xFFFF;
	s2 =	simm.s32 @!p0 $0x1C05  }
0x1b4: {  	[timem:s3], [sflag:s2] =	dma.local @!p0 [hbm:s0], s1  }
0x1b5: {  	s0 =	simm.s32 @!p0 $0x5  }
0x1b6: {  	_ =	swait.ge @!p0 [sflag:s0], s1  }
0x1b7: {  	s1 =	ssub.s32 @!p0 $0x0, s1;
	[sflag:s0] =	ssyncset.done @!p0 $0x0  }
0x1b8: {  	[sflag:s0] =	ssyncadd.s32 @!p0 s1  }
0x1b9: {  	[bflag:$0x3] =	sbarrier.arrive $0xFFFF  }
0x1ba: {  	_ =	shalt  }

</sc_bundles>
